<compile_context>
chip_gen: v7x
topology: tpu7x:2x2x1
jax: 0.10.2.dev20260603
libtpu: 0.0.44.dev20260713+nightly
codegen_flags: <defaults>
</compile_context>

<pallas_src>
import functools

import jax
import jax.numpy as jnp
from jax import lax
from jax.experimental import pallas as pl
from jax.experimental.pallas import tpu as pltpu
from jax.experimental.pallas import tpu_sc as plsc

N = 10000
E = 320000
D = 128

NC = 2
NS = 16
NW = NC * NS
EPW = E // NW
C1 = 80
NCH1 = EPW // C1
C3 = 80
NCH3 = EPW // C3
NP = 10240
RPT = NP // NS
SW = 16
NZB = RPT // C3

_mesh = plsc.VectorSubcoreMesh(core_axis_name="c", subcore_axis_name="s")


def _stage0_body(h_ref, wa_ref, wb_ref, b1_ref, hs_ref, ht_ref):
    h = h_ref[...]
    hs_ref[...] = jnp.dot(h, wa_ref[...], preferred_element_type=jnp.float32) + b1_ref[...]
    ht_ref[...] = jnp.dot(h, wb_ref[...], preferred_element_type=jnp.float32)


def _stage0(h, wa, wb, b1):
    blk = 2000
    return pl.pallas_call(
        _stage0_body,
        grid=(N // blk,),
        in_specs=[
            pl.BlockSpec((blk, D), lambda i: (i, 0)),
            pl.BlockSpec((D, D), lambda i: (0, 0)),
            pl.BlockSpec((D, D), lambda i: (0, 0)),
            pl.BlockSpec((1, D), lambda i: (0, 0)),
        ],
        out_specs=[
            pl.BlockSpec((blk, D), lambda i: (i, 0)),
            pl.BlockSpec((blk, D), lambda i: (i, 0)),
        ],
        out_shape=[
            jax.ShapeDtypeStruct((N, D), jnp.float32),
            jax.ShapeDtypeStruct((N, D), jnp.float32),
        ],
    )(h, wa, wb, b1)


def _stage1_body(hs_hbm, ht_hbm, cx_hbm, cy_hbm, cz_hbm, row_hbm, col_hbm,
                 pre_hbm, prf_hbm, dx_hbm, dy_hbm, dz_hbm, rad_hbm,
                 row_v, col_v, g_buf, t_buf, crx, cry, crz, ccx, ccy, ccz,
                 rad_v, sem_a, sem_b, sem_c, sem_d):
    wid = lax.axis_index("s") * NC + lax.axis_index("c")
    base0 = wid * EPW

    def chunk(j, carry):
        base = base0 + j * C1
        sl = pl.ds(base, C1)
        pltpu.sync_copy(row_hbm.at[sl], row_v)
        pltpu.sync_copy(col_hbm.at[sl], col_v)
        cp1 = pltpu.async_copy(hs_hbm.at[row_v], g_buf, sem_a)
        cp2 = pltpu.async_copy(ht_hbm.at[col_v], t_buf, sem_b)
        g_r = [pltpu.async_copy(t.at[row_v], d, sem_c)
               for t, d in ((cx_hbm, crx), (cy_hbm, cry), (cz_hbm, crz))]
        g_c = [pltpu.async_copy(t.at[col_v], d, sem_d)
               for t, d in ((cx_hbm, ccx), (cy_hbm, ccy), (cz_hbm, ccz))]
        for cp in g_r + g_c:
            cp.wait()
        def diffgrp(g, c):
            s = pl.ds(g * 16, 16)
            dx = crx[s] - ccx[s]
            dy = cry[s] - ccy[s]
            dz = crz[s] - ccz[s]
            crx[s] = dx
            cry[s] = dy
            crz[s] = dz
            rad_v[s] = dx * dx + dy * dy + dz * dz
            return c

        lax.fori_loop(0, C1 // 16, diffgrp, 0, unroll=5)
        pltpu.sync_copy(crx, dx_hbm.at[sl])
        pltpu.sync_copy(cry, dy_hbm.at[sl])
        pltpu.sync_copy(crz, dz_hbm.at[sl])
        pltpu.sync_copy(rad_v, rad_hbm.at[sl])
        cp1.wait()
        cp2.wait()
        pltpu.sync_copy(g_buf, pre_hbm.at[sl])
        pltpu.sync_copy(t_buf, prf_hbm.at[sl])
        return carry

    lax.fori_loop(0, NCH1, chunk, 0)


@functools.partial(
    pl.kernel,
    out_type=(
        jax.ShapeDtypeStruct((E, D), jnp.float32),
        jax.ShapeDtypeStruct((E, D), jnp.float32),
        jax.ShapeDtypeStruct((E,), jnp.float32),
        jax.ShapeDtypeStruct((E,), jnp.float32),
        jax.ShapeDtypeStruct((E,), jnp.float32),
        jax.ShapeDtypeStruct((E,), jnp.float32),
    ),
    mesh=_mesh,
    scratch_types=[
        pltpu.VMEM((C1,), jnp.int32),
        pltpu.VMEM((C1,), jnp.int32),
        pltpu.VMEM((C1, D), jnp.float32),
        pltpu.VMEM((C1, D), jnp.float32),
        pltpu.VMEM((C1,), jnp.float32),
        pltpu.VMEM((C1,), jnp.float32),
        pltpu.VMEM((C1,), jnp.float32),
        pltpu.VMEM((C1,), jnp.float32),
        pltpu.VMEM((C1,), jnp.float32),
        pltpu.VMEM((C1,), jnp.float32),
        pltpu.VMEM((C1,), jnp.float32),
        pltpu.SemaphoreType.DMA,
        pltpu.SemaphoreType.DMA,
        pltpu.SemaphoreType.DMA,
        pltpu.SemaphoreType.DMA,
    ],
)
def _stage1(hs_hbm, ht_hbm, cx_hbm, cy_hbm, cz_hbm, row_hbm, col_hbm, *rest):
    _stage1_body(hs_hbm, ht_hbm, cx_hbm, cy_hbm, cz_hbm, row_hbm, col_hbm, *rest)


def _stage2_body(pre_ref, prf_ref, ea_ref, dx_ref, dy_ref, dz_ref, rad_ref,
                 wk_ref, wr_ref, w2_ref, b2_ref, cw1_ref, cb1_ref, cw2_ref,
                 ef_ref, sm_ref):
    pre = pre_ref[...] + prf_ref[...] + rad_ref[...] * wr_ref[...]
    pre = pre + jnp.dot(ea_ref[...], wk_ref[...], preferred_element_type=jnp.float32)
    t1 = jnp.maximum(pre, 0.0)
    ef = jnp.maximum(jnp.dot(t1, w2_ref[...], preferred_element_type=jnp.float32) + b2_ref[...], 0.0)
    q = jnp.maximum(jnp.dot(ef, cw1_ref[...], preferred_element_type=jnp.float32) + cb1_ref[...], 0.0)
    cm = jnp.dot(q, cw2_ref[...], preferred_element_type=jnp.float32)
    ef_ref[...] = ef
    tx = jnp.clip(cm * dx_ref[...], -100.0, 100.0)
    ty = jnp.clip(cm * dy_ref[...], -100.0, 100.0)
    tz = jnp.clip(cm * dz_ref[...], -100.0, 100.0)
    lane = lax.broadcasted_iota(jnp.int32, (tx.shape[0], SW), 1)
    one = jnp.float32(1.0)
    zero = jnp.float32(0.0)
    sm_ref[...] = jnp.where(
        lane == 0, tx,
        jnp.where(lane == 1, ty,
                  jnp.where(lane == 2, tz,
                            jnp.where(lane == 3, one, zero))))


def _stage2(pre, prf, ea, dxe, dye, dze, rad, wk, wr, w2, b2, cw1, cb1, cw2):
    blk = 2560
    full = lambda i: (0, 0)
    return pl.pallas_call(
        _stage2_body,
        grid=(E // blk,),
        in_specs=[
            pl.BlockSpec((blk, D), lambda i: (i, 0)),
            pl.BlockSpec((blk, D), lambda i: (i, 0)),
            pl.BlockSpec((blk, D), lambda i: (i, 0)),
            pl.BlockSpec((blk, 1), lambda i: (i, 0)),
            pl.BlockSpec((blk, 1), lambda i: (i, 0)),
            pl.BlockSpec((blk, 1), lambda i: (i, 0)),
            pl.BlockSpec((blk, 1), lambda i: (i, 0)),
            pl.BlockSpec((D, D), full),
            pl.BlockSpec((1, D), full),
            pl.BlockSpec((D, D), full),
            pl.BlockSpec((1, D), full),
            pl.BlockSpec((D, D), full),
            pl.BlockSpec((1, D), full),
            pl.BlockSpec((D, 1), full),
        ],
        out_specs=[
            pl.BlockSpec((blk, D), lambda i: (i, 0)),
            pl.BlockSpec((blk, SW), lambda i: (i, 0)),
        ],
        out_shape=[
            jax.ShapeDtypeStruct((E, D), jnp.float32),
            jax.ShapeDtypeStruct((E, SW), jnp.float32),
        ],
    )(pre, prf, ea, dxe, dye, dze, rad, wk, wr, w2, b2, cw1, cb1, cw2)


def _scatter_body(val_hbm, row_hbm, out_hbm, row_v, buf, nar, acc, expand):
    cid = lax.axis_index("c")
    sid = lax.axis_index("s")
    wid = sid * NC + cid
    base0 = wid * EPW
    rbase = sid * RPT

    z16 = jnp.zeros((16,), jnp.float32)

    def zrow(r, c):
        for k in range(D // 16):
            buf[r, pl.ds(k * 16, 16)] = z16
        return c

    lax.fori_loop(0, C3, zrow, 0, unroll=4)
    for q in range(NZB):
        pltpu.sync_copy(buf, acc.at[pl.ds(rbase + q * C3, C3)])
    plsc.subcore_barrier()

    def chunk(j, carry):
        base = base0 + j * C3
        sl = pl.ds(base, C3)
        pltpu.sync_copy(row_hbm.at[sl], row_v)
        if expand:
            pltpu.sync_copy(val_hbm.at[sl], nar)

            def xrow(r, c):
                buf[r, pl.ds(0, SW)] = nar[r, :]
                return c

            lax.fori_loop(0, C3, xrow, 0, unroll=4)
        else:
            pltpu.sync_copy(val_hbm.at[sl], buf)
        pltpu.sync_copy(buf, acc.at[row_v], add=True)
        return carry

    lax.fori_loop(0, NCH3, chunk, 0)
    plsc.subcore_barrier()
    for q in range(NZB):
        qs = pl.ds(rbase + q * C3, C3)
        hs_ = pl.ds(cid * NP + rbase + q * C3, C3)
        pltpu.sync_copy(acc.at[qs], buf)
        pltpu.sync_copy(buf, out_hbm.at[hs_])


@functools.partial(
    pl.kernel,
    out_type=jax.ShapeDtypeStruct((NC * NP, D), jnp.float32),
    mesh=_mesh,
    scratch_types=[
        pltpu.VMEM((C3,), jnp.int32),
        pltpu.VMEM((C3, D), jnp.float32),
        pltpu.VMEM((C3, SW), jnp.float32),
        pltpu.VMEM_SHARED((NP, D), jnp.float32),
    ],
)
def _stage3e(ef_hbm, row_hbm, pe_hbm, row_v, buf, nar, acc):
    _scatter_body(ef_hbm, row_hbm, pe_hbm, row_v, buf, nar, acc, False)


@functools.partial(
    pl.kernel,
    out_type=jax.ShapeDtypeStruct((NC * NP, D), jnp.float32),
    mesh=_mesh,
    scratch_types=[
        pltpu.VMEM((C3,), jnp.int32),
        pltpu.VMEM((C3, D), jnp.float32),
        pltpu.VMEM((C3, SW), jnp.float32),
        pltpu.VMEM_SHARED((NP, D), jnp.float32),
    ],
)
def _stage3s(sm_hbm, row_hbm, ps_hbm, row_v, buf, nar, acc):
    _scatter_body(sm_hbm, row_hbm, ps_hbm, row_v, buf, nar, acc, True)


def _stage4_body(h_ref, pe_ref, ps_ref, co_ref, n1a_ref, n1b_ref, nb1_ref,
                 n2_ref, nb2_ref, hout_ref, cout_ref):
    h = h_ref[...]
    agg_e = pe_ref[0] + pe_ref[1]
    s = ps_ref[0] + ps_ref[1]
    cnt = jnp.maximum(s[:, 3:4], 1.0)
    aggc = s[:, 0:3] / cnt
    cout_ref[...] = co_ref[...] + aggc
    t = jnp.maximum(
        jnp.dot(h, n1a_ref[...], preferred_element_type=jnp.float32)
        + jnp.dot(agg_e, n1b_ref[...], preferred_element_type=jnp.float32)
        + nb1_ref[...], 0.0)
    hout_ref[...] = h + jnp.dot(t, n2_ref[...], preferred_element_type=jnp.float32) + nb2_ref[...]


def _stage4(h, pe, ps, coord, n1a, n1b, nb1, n2, nb2):
    blk = 2000
    full = lambda i: (0, 0)
    return pl.pallas_call(
        _stage4_body,
        grid=(N // blk,),
        in_specs=[
            pl.BlockSpec((blk, D), lambda i: (i, 0)),
            pl.BlockSpec((NC, blk, D), lambda i: (0, i, 0)),
            pl.BlockSpec((NC, blk, D), lambda i: (0, i, 0)),
            pl.BlockSpec((blk, 3), lambda i: (i, 0)),
            pl.BlockSpec((D, D), full),
            pl.BlockSpec((D, D), full),
            pl.BlockSpec((1, D), full),
            pl.BlockSpec((D, D), full),
            pl.BlockSpec((1, D), full),
        ],
        out_specs=[
            pl.BlockSpec((blk, D), lambda i: (i, 0)),
            pl.BlockSpec((blk, 3), lambda i: (i, 0)),
        ],
        out_shape=[
            jax.ShapeDtypeStruct((N, D), jnp.float32),
            jax.ShapeDtypeStruct((N, 3), jnp.float32),
        ],
    )(h, pe, ps, coord, n1a, n1b, nb1, n2, nb2)


def kernel(h, edge_index, coord, edge_attr, e_w1, e_b1, e_w2, e_b2,
           n_w1, n_b1, n_w2, n_b2, c_w1, c_b1, c_w2):
    f32 = jnp.float32
    wa = e_w1[0:D]
    wb = e_w1[D:2 * D]
    wr = e_w1[2 * D:2 * D + 1]
    wk = e_w1[2 * D + 1:]
    row = edge_index[0]
    col = edge_index[1]
    cx = coord[:, 0]
    cy = coord[:, 1]
    cz = coord[:, 2]

    hs, ht = _stage0(h, wa, wb, e_b1.reshape(1, D))
    pre, prf, dxe, dye, dze, rad = _stage1(hs, ht, cx, cy, cz, row, col)
    ef, sm = _stage2(pre, prf, edge_attr, dxe.reshape(E, 1), dye.reshape(E, 1),
                     dze.reshape(E, 1), rad.reshape(E, 1), wk, wr, e_w2,
                     e_b2.reshape(1, D), c_w1, c_b1.reshape(1, D), c_w2)
    pe = _stage3e(ef, row)
    ps = _stage3s(sm, row)
    h_out, coord_out = _stage4(h, pe.reshape(NC, NP, D), ps.reshape(NC, NP, D),
                               coord, n_w1[0:D], n_w1[D:],
                               n_b1.reshape(1, D), n_w2, n_b2.reshape(1, D))
    return (h_out, coord_out.reshape(N, 3, 1), edge_attr)

# --- scband reference (transcript-rebuilt; emitter-appended) ---
"""Pipeline reference for scband-e-gcl-vel-hidden-2241972928559 (READ-ONLY COPY).

The authoritative reference and input builder live on the scoring server;
editing this copy changes nothing except your own understanding.
"""

import jax, jax.numpy as jnp
import numpy as np

N = 10000
E = 320000
D = 128   # input_nf = output_nf
HE = 128  # hidden_edge_nf
HN = 128  # hidden_node_nf
HC = 128  # hidden_coord_nf
COORDS_WEIGHT = 1.0


def setup_inputs(seed: int = 0) -> dict:
    key = jax.random.key(seed)
    ks = jax.random.split(key, 20)
    inp = {}
    inp["h"] = jax.random.normal(ks[0], (N, D), dtype=jnp.float32)
    inp["edge_index"] = jax.random.randint(ks[1], (2, E), 0, N, dtype=jnp.int32)
    inp["coord"] = jax.random.normal(ks[2], (N, 3), dtype=jnp.float32)
    # edge_attr fills the kemb slot of edge_mlp (width hidden_edge_nf)
    inp["edge_attr"] = jax.random.normal(ks[3], (E, HE), dtype=jnp.float32)
    # edge_mlp: Linear(2*D + 1 + HE, HE) -> ReLU -> Linear(HE, HE) -> ReLU
    inp["e_w1"] = jax.random.normal(ks[4], (2 * D + 1 + HE, HE), dtype=jnp.float32) * 0.05
    inp["e_b1"] = jnp.zeros((HE,), dtype=jnp.float32)
    inp["e_w2"] = jax.random.normal(ks[5], (HE, HE), dtype=jnp.float32) * 0.05
    inp["e_b2"] = jnp.zeros((HE,), dtype=jnp.float32)
    # node_mlp: Linear(HE + D, HN) -> ReLU -> Linear(HN, D)
    inp["n_w1"] = jax.random.normal(ks[6], (HE + D, HN), dtype=jnp.float32) * 0.05
    inp["n_b1"] = jnp.zeros((HN,), dtype=jnp.float32)
    inp["n_w2"] = jax.random.normal(ks[7], (HN, D), dtype=jnp.float32) * 0.05
    inp["n_b2"] = jnp.zeros((D,), dtype=jnp.float32)
    # coord_mlp: Linear(HE, HC) -> ReLU -> Linear(HC, 1, bias=False) (xavier gain=0.001)
    inp["c_w1"] = jax.random.normal(ks[8], (HE, HC), dtype=jnp.float32) * 0.05
    inp["c_b1"] = jnp.zeros((HC,), dtype=jnp.float32)
    inp["c_w2"] = jax.random.normal(ks[9], (HC, 1), dtype=jnp.float32) * 0.001
    return inp


def reference(h, edge_index, coord, edge_attr, e_w1, e_b1, e_w2, e_b2,
              n_w1, n_b1, n_w2, n_b2, c_w1, c_b1, c_w2):
    row = edge_index[0]
    col = edge_index[1]
    # coord2radial
    coord_diff = coord[row] - coord[col]                       # [E, 3]
    radial = jnp.sum(coord_diff ** 2, axis=1, keepdims=True)    # [E, 1]
    # edge_model (attention=False): cat([source, target, radial, kemb])
    edge_in = jnp.concatenate([h[row], h[col], radial, edge_attr], axis=1)
    ef = jax.nn.relu(edge_in @ e_w1 + e_b1)
    ef = jax.nn.relu(ef @ e_w2 + e_b2)                          # [E, HE]
    # coord_model (num_vectors_in = num_vectors_out = 1)
    cm = jax.nn.relu(ef @ c_w1 + c_b1) @ c_w2                   # [E, 1]
    coord_matrix = cm.reshape(-1, 1, 1)                         # [E, 1, 1]
    cd = coord_diff[:, :, None]                                 # [E, 3, 1]
    coord3 = coord[:, :, None]                                  # [N, 3, 1]
    trans = jnp.einsum('bij,bci->bcj', coord_matrix, cd)        # [E, 3, 1]
    trans = jnp.clip(trans, -100.0, 100.0)
    summed = jax.ops.segment_sum(trans, row, num_segments=N)
    count = jax.ops.segment_sum(jnp.ones_like(trans), row, num_segments=N)
    agg = summed / jnp.maximum(count, 1.0)                      # unsorted_segment_mean
    coord_out = coord3 + agg * COORDS_WEIGHT                    # [N, 3, 1]
    # node_model (recurrent=True, node_attr=None)
    agg_e = jax.ops.segment_sum(ef, row, num_segments=N)        # [N, HE]
    node_in = jnp.concatenate([h, agg_e], axis=1)               # [N, D+HE]
    out = jax.nn.relu(node_in @ n_w1 + n_b1) @ n_w2 + n_b2
    h_out = h + out
    return (h_out, coord_out, edge_attr)

if __name__ == "__main__":
    import jax
    _d = setup_inputs()
    print(jax.jit(kernel)(*tuple(_d.values())))

</pallas_src>

<mosaic_0001>
#map = affine_map<(d0, d1) -> (0, 0)>
#map1 = affine_map<(d0, d1) -> (0)>
module attributes {stable_mosaic.version = 14 : i64} {
  func.func @_stage3s(%arg0: i32, %arg1: i32, %arg2: memref<320000x16xf32, #tpu.memory_space<hbm>>, %arg3: memref<320000xi32, #tpu.memory_space<hbm>>, %arg4: memref<20480x128xf32, #tpu.memory_space<hbm>>, %arg5: memref<80xi32, #tpu.memory_space<vmem>>, %arg6: memref<80x128xf32, #tpu.memory_space<vmem>>, %arg7: memref<80x16xf32, #tpu.memory_space<vmem>>, %arg8: memref<10240x128xf32, #tpu.memory_space<vmem_shared>>) attributes {dimension_semantics = [#tpu.dimension_semantics<core_parallel>, #tpu.dimension_semantics<subcore_parallel>], iteration_bounds = array<i64: 2, 16>, scalar_prefetch = 0 : i64, scratch_operands = 4 : i64, tpu.core_type = #tpu.core_type<sc_vector_subcore>, window_params = [{transform_indices = #map}, {transform_indices = #map1}, {transform_indices = #map}]} {
    %mul3A = arith.constant 2 : i32
    %mul3A_0 = arith.muli %arg1, %mul3A : i32
    %add3A = arith.addi %mul3A_0, %arg0 : i32
    %mul3A_1 = arith.constant 10000 : i32
    %mul3A_2 = arith.muli %add3A, %mul3A_1 : i32
    %mul3A_3 = arith.constant 640 : i32
    %mul3A_4 = arith.muli %arg1, %mul3A_3 : i32
    %broadcast_in_dim3A = arith.constant 0.000000e+00 : f32
    %broadcast_in_dim3A_5 = vector.broadcast %broadcast_in_dim3A : f32 to vector<16xf32>
    %scan3A = arith.constant 0 : i32
    %scan3A_6 = arith.constant 0 : i32
    %scan3A_7 = arith.constant 80 : i32
    %scan3A_8 = arith.addi %scan3A_6, %scan3A_7 : i32
    %scan3A_9 = arith.constant 4 : i32
    scf.for %scan3A_90 = %scan3A_6 to %scan3A_8 step %scan3A_9  : i32 {
      %swap3A = arith.index_cast %scan3A_90 : i32 to index
      %swap3A_91 = arith.constant 0 : index
      %swap3A_92 = tpu.vector_load %arg6[%swap3A, %swap3A_91] {strides = array<i32>} : memref<80x128xf32, #tpu.memory_space<vmem>>, vector<1x16xf32>,
      %swap3A_93 = vector.shape_cast %swap3A_92 : vector<1x16xf32> to vector<16xf32>
      %swap3A_94 = vector.shape_cast %broadcast_in_dim3A_5 : vector<16xf32> to vector<1x16xf32>
      tpu.vector_store %arg6[%swap3A, %swap3A_91], %swap3A_94 {strides = array<i32>} : memref<80x128xf32, #tpu.memory_space<vmem>>, vector<1x16xf32>,
      %swap3A_95 = arith.index_cast %scan3A_90 : i32 to index
      %swap3A_96 = arith.constant 16 : index
      %swap3A_97 = tpu.vector_load %arg6[%swap3A_95, %swap3A_96] {strides = array<i32>} : memref<80x128xf32, #tpu.memory_space<vmem>>, vector<1x16xf32>,
      %swap3A_98 = vector.shape_cast %swap3A_97 : vector<1x16xf32> to vector<16xf32>
      %swap3A_99 = vector.shape_cast %broadcast_in_dim3A_5 : vector<16xf32> to vector<1x16xf32>
      tpu.vector_store %arg6[%swap3A_95, %swap3A_96], %swap3A_99 {strides = array<i32>} : memref<80x128xf32, #tpu.memory_space<vmem>>, vector<1x16xf32>,
      %swap3A_100 = arith.index_cast %scan3A_90 : i32 to index
      %swap3A_101 = arith.constant 32 : index
      %swap3A_102 = tpu.vector_load %arg6[%swap3A_100, %swap3A_101] {strides = array<i32>} : memref<80x128xf32, #tpu.memory_space<vmem>>, vector<1x16xf32>,
      %swap3A_103 = vector.shape_cast %swap3A_102 : vector<1x16xf32> to vector<16xf32>
      %swap3A_104 = vector.shape_cast %broadcast_in_dim3A_5 : vector<16xf32> to vector<1x16xf32>
      tpu.vector_store %arg6[%swap3A_100, %swap3A_101], %swap3A_104 {strides = array<i32>} : memref<80x128xf32, #tpu.memory_space<vmem>>, vector<1x16xf32>,
      %swap3A_105 = arith.index_cast %scan3A_90 : i32 to index
      %swap3A_106 = arith.constant 48 : index
      %swap3A_107 = tpu.vector_load %arg6[%swap3A_105, %swap3A_106] {strides = array<i32>} : memref<80x128xf32, #tpu.memory_space<vmem>>, vector<1x16xf32>,
      %swap3A_108 = vector.shape_cast %swap3A_107 : vector<1x16xf32> to vector<16xf32>
      %swap3A_109 = vector.shape_cast %broadcast_in_dim3A_5 : vector<16xf32> to vector<1x16xf32>
      tpu.vector_store %arg6[%swap3A_105, %swap3A_106], %swap3A_109 {strides = array<i32>} : memref<80x128xf32, #tpu.memory_space<vmem>>, vector<1x16xf32>,
      %swap3A_110 = arith.index_cast %scan3A_90 : i32 to index
      %swap3A_111 = arith.constant 64 : index
      %swap3A_112 = tpu.vector_load %arg6[%swap3A_110, %swap3A_111] {strides = array<i32>} : memref<80x128xf32, #tpu.memory_space<vmem>>, vector<1x16xf32>,
      %swap3A_113 = vector.shape_cast %swap3A_112 : vector<1x16xf32> to vector<16xf32>
      %swap3A_114 = vector.shape_cast %broadcast_in_dim3A_5 : vector<16xf32> to vector<1x16xf32>
      tpu.vector_store %arg6[%swap3A_110, %swap3A_111], %swap3A_114 {strides = array<i32>} : memref<80x128xf32, #tpu.memory_space<vmem>>, vector<1x16xf32>,
      %swap3A_115 = arith.index_cast %scan3A_90 : i32 to index
      %swap3A_116 = arith.constant 80 : index
      %swap3A_117 = tpu.vector_load %arg6[%swap3A_115, %swap3A_116] {strides = array<i32>} : memref<80x128xf32, #tpu.memory_space<vmem>>, vector<1x16xf32>,
      %swap3A_118 = vector.shape_cast %swap3A_117 : vector<1x16xf32> to vector<16xf32>
      %swap3A_119 = vector.shape_cast %broadcast_in_dim3A_5 : vector<16xf32> to vector<1x16xf32>
      tpu.vector_store %arg6[%swap3A_115, %swap3A_116], %swap3A_119 {strides = array<i32>} : memref<80x128xf32, #tpu.memory_space<vmem>>, vector<1x16xf32>,
      %swap3A_120 = arith.index_cast %scan3A_90 : i32 to index
      %swap3A_121 = arith.constant 96 : index
      %swap3A_122 = tpu.vector_load %arg6[%swap3A_120, %swap3A_121] {strides = array<i32>} : memref<80x128xf32, #tpu.memory_space<vmem>>, vector<1x16xf32>,
      %swap3A_123 = vector.shape_cast %swap3A_122 : vector<1x16xf32> to vector<16xf32>
      %swap3A_124 = vector.shape_cast %broadcast_in_dim3A_5 : vector<16xf32> to vector<1x16xf32>
      tpu.vector_store %arg6[%swap3A_120, %swap3A_121], %swap3A_124 {strides = array<i32>} : memref<80x128xf32, #tpu.memory_space<vmem>>, vector<1x16xf32>,
      %swap3A_125 = arith.index_cast %scan3A_90 : i32 to index
      %swap3A_126 = arith.constant 112 : index
      %swap3A_127 = tpu.vector_load %arg6[%swap3A_125, %swap3A_126] {strides = array<i32>} : memref<80x128xf32, #tpu.memory_space<vmem>>, vector<1x16xf32>,
      %swap3A_128 = vector.shape_cast %swap3A_127 : vector<1x16xf32> to vector<16xf32>
      %swap3A_129 = vector.shape_cast %broadcast_in_dim3A_5 : vector<16xf32> to vector<1x16xf32>
      tpu.vector_store %arg6[%swap3A_125, %swap3A_126], %swap3A_129 {strides = array<i32>} : memref<80x128xf32, #tpu.memory_space<vmem>>, vector<1x16xf32>,
      %scan3A_130 = arith.constant 1 : i32
      %scan3A_131 = arith.addi %scan3A_90, %scan3A_130 : i32
      %swap3A_132 = arith.index_cast %scan3A_131 : i32 to index
      %swap3A_133 = arith.constant 0 : index
      %swap3A_134 = tpu.vector_load %arg6[%swap3A_132, %swap3A_133] {strides = array<i32>} : memref<80x128xf32, #tpu.memory_space<vmem>>, vector<1x16xf32>,
      %swap3A_135 = vector.shape_cast %swap3A_134 : vector<1x16xf32> to vector<16xf32>
      %swap3A_136 = vector.shape_cast %broadcast_in_dim3A_5 : vector<16xf32> to vector<1x16xf32>
      tpu.vector_store %arg6[%swap3A_132, %swap3A_133], %swap3A_136 {strides = array<i32>} : memref<80x128xf32, #tpu.memory_space<vmem>>, vector<1x16xf32>,
      %swap3A_137 = arith.index_cast %scan3A_131 : i32 to index
      %swap3A_138 = arith.constant 16 : index
      %swap3A_139 = tpu.vector_load %arg6[%swap3A_137, %swap3A_138] {strides = array<i32>} : memref<80x128xf32, #tpu.memory_space<vmem>>, vector<1x16xf32>,
      %swap3A_140 = vector.shape_cast %swap3A_139 : vector<1x16xf32> to vector<16xf32>
      %swap3A_141 = vector.shape_cast %broadcast_in_dim3A_5 : vector<16xf32> to vector<1x16xf32>
      tpu.vector_store %arg6[%swap3A_137, %swap3A_138], %swap3A_141 {strides = array<i32>} : memref<80x128xf32, #tpu.memory_space<vmem>>, vector<1x16xf32>,
      %swap3A_142 = arith.index_cast %scan3A_131 : i32 to index
      %swap3A_143 = arith.constant 32 : index
      %swap3A_144 = tpu.vector_load %arg6[%swap3A_142, %swap3A_143] {strides = array<i32>} : memref<80x128xf32, #tpu.memory_space<vmem>>, vector<1x16xf32>,
      %swap3A_145 = vector.shape_cast %swap3A_144 : vector<1x16xf32> to vector<16xf32>
      %swap3A_146 = vector.shape_cast %broadcast_in_dim3A_5 : vector<16xf32> to vector<1x16xf32>
      tpu.vector_store %arg6[%swap3A_142, %swap3A_143], %swap3A_146 {strides = array<i32>} : memref<80x128xf32, #tpu.memory_space<vmem>>, vector<1x16xf32>,
      %swap3A_147 = arith.index_cast %scan3A_131 : i32 to index
      %swap3A_148 = arith.constant 48 : index
      %swap3A_149 = tpu.vector_load %arg6[%swap3A_147, %swap3A_148] {strides = array<i32>} : memref<80x128xf32, #tpu.memory_space<vmem>>, vector<1x16xf32>,
      %swap3A_150 = vector.shape_cast %swap3A_149 : vector<1x16xf32> to vector<16xf32>
      %swap3A_151 = vector.shape_cast %broadcast_in_dim3A_5 : vector<16xf32> to vector<1x16xf32>
      tpu.vector_store %arg6[%swap3A_147, %swap3A_148], %swap3A_151 {strides = array<i32>} : memref<80x128xf32, #tpu.memory_space<vmem>>, vector<1x16xf32>,
      %swap3A_152 = arith.index_cast %scan3A_131 : i32 to index
      %swap3A_153 = arith.constant 64 : index
      %swap3A_154 = tpu.vector_load %arg6[%swap3A_152, %swap3A_153] {strides = array<i32>} : memref<80x128xf32, #tpu.memory_space<vmem>>, vector<1x16xf32>,
      %swap3A_155 = vector.shape_cast %swap3A_154 : vector<1x16xf32> to vector<16xf32>
      %swap3A_156 = vector.shape_cast %broadcast_in_dim3A_5 : vector<16xf32> to vector<1x16xf32>
      tpu.vector_store %arg6[%swap3A_152, %swap3A_153], %swap3A_156 {strides = array<i32>} : memref<80x128xf32, #tpu.memory_space<vmem>>, vector<1x16xf32>,
      %swap3A_157 = arith.index_cast %scan3A_131 : i32 to index
      %swap3A_158 = arith.constant 80 : index
      %swap3A_159 = tpu.vector_load %arg6[%swap3A_157, %swap3A_158] {strides = array<i32>} : memref<80x128xf32, #tpu.memory_space<vmem>>, vector<1x16xf32>,
      %swap3A_160 = vector.shape_cast %swap3A_159 : vector<1x16xf32> to vector<16xf32>
      %swap3A_161 = vector.shape_cast %broadcast_in_dim3A_5 : vector<16xf32> to vector<1x16xf32>
      tpu.vector_store %arg6[%swap3A_157, %swap3A_158], %swap3A_161 {strides = array<i32>} : memref<80x128xf32, #tpu.memory_space<vmem>>, vector<1x16xf32>,
      %swap3A_162 = arith.index_cast %scan3A_131 : i32 to index
      %swap3A_163 = arith.constant 96 : index
      %swap3A_164 = tpu.vector_load %arg6[%swap3A_162, %swap3A_163] {strides = array<i32>} : memref<80x128xf32, #tpu.memory_space<vmem>>, vector<1x16xf32>,
      %swap3A_165 = vector.shape_cast %swap3A_164 : vector<1x16xf32> to vector<16xf32>
      %swap3A_166 = vector.shape_cast %broadcast_in_dim3A_5 : vector<16xf32> to vector<1x16xf32>
      tpu.vector_store %arg6[%swap3A_162, %swap3A_163], %swap3A_166 {strides = array<i32>} : memref<80x128xf32, #tpu.memory_space<vmem>>, vector<1x16xf32>,
      %swap3A_167 = arith.index_cast %scan3A_131 : i32 to index
      %swap3A_168 = arith.constant 112 : index
      %swap3A_169 = tpu.vector_load %arg6[%swap3A_167, %swap3A_168] {strides = array<i32>} : memref<80x128xf32, #tpu.memory_space<vmem>>, vector<1x16xf32>,
      %swap3A_170 = vector.shape_cast %swap3A_169 : vector<1x16xf32> to vector<16xf32>
      %swap3A_171 = vector.shape_cast %broadcast_in_dim3A_5 : vector<16xf32> to vector<1x16xf32>
      tpu.vector_store %arg6[%swap3A_167, %swap3A_168], %swap3A_171 {strides = array<i32>} : memref<80x128xf32, #tpu.memory_space<vmem>>, vector<1x16xf32>,
      %scan3A_172 = arith.constant 2 : i32
      %scan3A_173 = arith.addi %scan3A_90, %scan3A_172 : i32
      %swap3A_174 = arith.index_cast %scan3A_173 : i32 to index
      %swap3A_175 = arith.constant 0 : index
      %swap3A_176 = tpu.vector_load %arg6[%swap3A_174, %swap3A_175] {strides = array<i32>} : memref<80x128xf32, #tpu.memory_space<vmem>>, vector<1x16xf32>,
      %swap3A_177 = vector.shape_cast %swap3A_176 : vector<1x16xf32> to vector<16xf32>
      %swap3A_178 = vector.shape_cast %broadcast_in_dim3A_5 : vector<16xf32> to vector<1x16xf32>
      tpu.vector_store %arg6[%swap3A_174, %swap3A_175], %swap3A_178 {strides = array<i32>} : memref<80x128xf32, #tpu.memory_space<vmem>>, vector<1x16xf32>,
      %swap3A_179 = arith.index_cast %scan3A_173 : i32 to index
      %swap3A_180 = arith.constant 16 : index
      %swap3A_181 = tpu.vector_load %arg6[%swap3A_179, %swap3A_180] {strides = array<i32>} : memref<80x128xf32, #tpu.memory_space<vmem>>, vector<1x16xf32>,
      %swap3A_182 = vector.shape_cast %swap3A_181 : vector<1x16xf32> to vector<16xf32>
      %swap3A_183 = vector.shape_cast %broadcast_in_dim3A_5 : vector<16xf32> to vector<1x16xf32>
      tpu.vector_store %arg6[%swap3A_179, %swap3A_180], %swap3A_183 {strides = array<i32>} : memref<80x128xf32, #tpu.memory_space<vmem>>, vector<1x16xf32>,
      %swap3A_184 = arith.index_cast %scan3A_173 : i32 to index
      %swap3A_185 = arith.constant 32 : index
      %swap3A_186 = tpu.vector_load %arg6[%swap3A_184, %swap3A_185] {strides = array<i32>} : memref<80x128xf32, #tpu.memory_space<vmem>>, vector<1x16xf32>,
      %swap3A_187 = vector.shape_cast %swap3A_186 : vector<1x16xf32> to vector<16xf32>
      %swap3A_188 = vector.shape_cast %broadcast_in_dim3A_5 : vector<16xf32> to vector<1x16xf32>
      tpu.vector_store %arg6[%swap3A_184, %swap3A_185], %swap3A_188 {strides = array<i32>} : memref<80x128xf32, #tpu.memory_space<vmem>>, vector<1x16xf32>,
      %swap3A_189 = arith.index_cast %scan3A_173 : i32 to index
      %swap3A_190 = arith.constant 48 : index
      %swap3A_191 = tpu.vector_load %arg6[%swap3A_189, %swap3A_190] {strides = array<i32>} : memref<80x128xf32, #tpu.memory_space<vmem>>, vector<1x16xf32>,
      %swap3A_192 = vector.shape_cast %swap3A_191 : vector<1x16xf32> to vector<16xf32>
      %swap3A_193 = vector.shape_cast %broadcast_in_dim3A_5 : vector<16xf32> to vector<1x16xf32>
      tpu.vector_store %arg6[%swap3A_189, %swap3A_190], %swap3A_193 {strides = array<i32>} : memref<80x128xf32, #tpu.memory_space<vmem>>, vector<1x16xf32>,
      %swap3A_194 = arith.index_cast %scan3A_173 : i32 to index
      %swap3A_195 = arith.constant 64 : index
      %swap3A_196 = tpu.vector_load %arg6[%swap3A_194, %swap3A_195] {strides = array<i32>} : memref<80x128xf32, #tpu.memory_space<vmem>>, vector<1x16xf32>,
      %swap3A_197 = vector.shape_cast %swap3A_196 : vector<1x16xf32> to vector<16xf32>
      %swap3A_198 = vector.shape_cast %broadcast_in_dim3A_5 : vector<16xf32> to vector<1x16xf32>
      tpu.vector_store %arg6[%swap3A_194, %swap3A_195], %swap3A_198 {strides = array<i32>} : memref<80x128xf32, #tpu.memory_space<vmem>>, vector<1x16xf32>,
      %swap3A_199 = arith.index_cast %scan3A_173 : i32 to index
      %swap3A_200 = arith.constant 80 : index
      %swap3A_201 = tpu.vector_load %arg6[%swap3A_199, %swap3A_200] {strides = array<i32>} : memref<80x128xf32, #tpu.memory_space<vmem>>, vector<1x16xf32>,
      %swap3A_202 = vector.shape_cast %swap3A_201 : vector<1x16xf32> to vector<16xf32>
      %swap3A_203 = vector.shape_cast %broadcast_in_dim3A_5 : vector<16xf32> to vector<1x16xf32>
      tpu.vector_store %arg6[%swap3A_199, %swap3A_200], %swap3A_203 {strides = array<i32>} : memref<80x128xf32, #tpu.memory_space<vmem>>, vector<1x16xf32>,
      %swap3A_204 = arith.index_cast %scan3A_173 : i32 to index
      %swap3A_205 = arith.constant 96 : index
      %swap3A_206 = tpu.vector_load %arg6[%swap3A_204, %swap3A_205] {strides = array<i32>} : memref<80x128xf32, #tpu.memory_space<vmem>>, vector<1x16xf32>,
      %swap3A_207 = vector.shape_cast %swap3A_206 : vector<1x16xf32> to vector<16xf32>
      %swap3A_208 = vector.shape_cast %broadcast_in_dim3A_5 : vector<16xf32> to vector<1x16xf32>
      tpu.vector_store %arg6[%swap3A_204, %swap3A_205], %swap3A_208 {strides = array<i32>} : memref<80x128xf32, #tpu.memory_space<vmem>>, vector<1x16xf32>,
      %swap3A_209 = arith.index_cast %scan3A_173 : i32 to index
      %swap3A_210 = arith.constant 112 : index
      %swap3A_211 = tpu.vector_load %arg6[%swap3A_209, %swap3A_210] {strides = array<i32>} : memref<80x128xf32, #tpu.memory_space<vmem>>, vector<1x16xf32>,
      %swap3A_212 = vector.shape_cast %swap3A_211 : vector<1x16xf32> to vector<16xf32>
      %swap3A_213 = vector.shape_cast %broadcast_in_dim3A_5 : vector<16xf32> to vector<1x16xf32>
      tpu.vector_store %arg6[%swap3A_209, %swap3A_210], %swap3A_213 {strides = array<i32>} : memref<80x128xf32, #tpu.memory_space<vmem>>, vector<1x16xf32>,
      %scan3A_214 = arith.constant 3 : i32
      %scan3A_215 = arith.addi %scan3A_90, %scan3A_214 : i32
      %swap3A_216 = arith.index_cast %scan3A_215 : i32 to index
      %swap3A_217 = arith.constant 0 : index
      %swap3A_218 = tpu.vector_load %arg6[%swap3A_216, %swap3A_217] {strides = array<i32>} : memref<80x128xf32, #tpu.memory_space<vmem>>, vector<1x16xf32>,
      %swap3A_219 = vector.shape_cast %swap3A_218 : vector<1x16xf32> to vector<16xf32>
      %swap3A_220 = vector.shape_cast %broadcast_in_dim3A_5 : vector<16xf32> to vector<1x16xf32>
      tpu.vector_store %arg6[%swap3A_216, %swap3A_217], %swap3A_220 {strides = array<i32>} : memref<80x128xf32, #tpu.memory_space<vmem>>, vector<1x16xf32>,
      %swap3A_221 = arith.index_cast %scan3A_215 : i32 to index
      %swap3A_222 = arith.constant 16 : index
      %swap3A_223 = tpu.vector_load %arg6[%swap3A_221, %swap3A_222] {strides = array<i32>} : memref<80x128xf32, #tpu.memory_space<vmem>>, vector<1x16xf32>,
      %swap3A_224 = vector.shape_cast %swap3A_223 : vector<1x16xf32> to vector<16xf32>
      %swap3A_225 = vector.shape_cast %broadcast_in_dim3A_5 : vector<16xf32> to vector<1x16xf32>
      tpu.vector_store %arg6[%swap3A_221, %swap3A_222], %swap3A_225 {strides = array<i32>} : memref<80x128xf32, #tpu.memory_space<vmem>>, vector<1x16xf32>,
      %swap3A_226 = arith.index_cast %scan3A_215 : i32 to index
      %swap3A_227 = arith.constant 32 : index
      %swap3A_228 = tpu.vector_load %arg6[%swap3A_226, %swap3A_227] {strides = array<i32>} : memref<80x128xf32, #tpu.memory_space<vmem>>, vector<1x16xf32>,
      %swap3A_229 = vector.shape_cast %swap3A_228 : vector<1x16xf32> to vector<16xf32>
      %swap3A_230 = vector.shape_cast %broadcast_in_dim3A_5 : vector<16xf32> to vector<1x16xf32>
      tpu.vector_store %arg6[%swap3A_226, %swap3A_227], %swap3A_230 {strides = array<i32>} : memref<80x128xf32, #tpu.memory_space<vmem>>, vector<1x16xf32>,
      %swap3A_231 = arith.index_cast %scan3A_215 : i32 to index
      %swap3A_232 = arith.constant 48 : index
      %swap3A_233 = tpu.vector_load %arg6[%swap3A_231, %swap3A_232] {strides = array<i32>} : memref<80x128xf32, #tpu.memory_space<vmem>>, vector<1x16xf32>,
      %swap3A_234 = vector.shape_cast %swap3A_233 : vector<1x16xf32> to vector<16xf32>
      %swap3A_235 = vector.shape_cast %broadcast_in_dim3A_5 : vector<16xf32> to vector<1x16xf32>
      tpu.vector_store %arg6[%swap3A_231, %swap3A_232], %swap3A_235 {strides = array<i32>} : memref<80x128xf32, #tpu.memory_space<vmem>>, vector<1x16xf32>,
      %swap3A_236 = arith.index_cast %scan3A_215 : i32 to index
      %swap3A_237 = arith.constant 64 : index
      %swap3A_238 = tpu.vector_load %arg6[%swap3A_236, %swap3A_237] {strides = array<i32>} : memref<80x128xf32, #tpu.memory_space<vmem>>, vector<1x16xf32>,
      %swap3A_239 = vector.shape_cast %swap3A_238 : vector<1x16xf32> to vector<16xf32>
      %swap3A_240 = vector.shape_cast %broadcast_in_dim3A_5 : vector<16xf32> to vector<1x16xf32>
      tpu.vector_store %arg6[%swap3A_236, %swap3A_237], %swap3A_240 {strides = array<i32>} : memref<80x128xf32, #tpu.memory_space<vmem>>, vector<1x16xf32>,
      %swap3A_241 = arith.index_cast %scan3A_215 : i32 to index
      %swap3A_242 = arith.constant 80 : index
      %swap3A_243 = tpu.vector_load %arg6[%swap3A_241, %swap3A_242] {strides = array<i32>} : memref<80x128xf32, #tpu.memory_space<vmem>>, vector<1x16xf32>,
      %swap3A_244 = vector.shape_cast %swap3A_243 : vector<1x16xf32> to vector<16xf32>
      %swap3A_245 = vector.shape_cast %broadcast_in_dim3A_5 : vector<16xf32> to vector<1x16xf32>
      tpu.vector_store %arg6[%swap3A_241, %swap3A_242], %swap3A_245 {strides = array<i32>} : memref<80x128xf32, #tpu.memory_space<vmem>>, vector<1x16xf32>,
      %swap3A_246 = arith.index_cast %scan3A_215 : i32 to index
      %swap3A_247 = arith.constant 96 : index
      %swap3A_248 = tpu.vector_load %arg6[%swap3A_246, %swap3A_247] {strides = array<i32>} : memref<80x128xf32, #tpu.memory_space<vmem>>, vector<1x16xf32>,
      %swap3A_249 = vector.shape_cast %swap3A_248 : vector<1x16xf32> to vector<16xf32>
      %swap3A_250 = vector.shape_cast %broadcast_in_dim3A_5 : vector<16xf32> to vector<1x16xf32>
      tpu.vector_store %arg6[%swap3A_246, %swap3A_247], %swap3A_250 {strides = array<i32>} : memref<80x128xf32, #tpu.memory_space<vmem>>, vector<1x16xf32>,
      %swap3A_251 = arith.index_cast %scan3A_215 : i32 to index
      %swap3A_252 = arith.constant 112 : index
      %swap3A_253 = tpu.vector_load %arg6[%swap3A_251, %swap3A_252] {strides = array<i32>} : memref<80x128xf32, #tpu.memory_space<vmem>>, vector<1x16xf32>,
      %swap3A_254 = vector.shape_cast %swap3A_253 : vector<1x16xf32> to vector<16xf32>
      %swap3A_255 = vector.shape_cast %broadcast_in_dim3A_5 : vector<16xf32> to vector<1x16xf32>
      tpu.vector_store %arg6[%swap3A_251, %swap3A_252], %swap3A_255 {strides = array<i32>} : memref<80x128xf32, #tpu.memory_space<vmem>>, vector<1x16xf32>,
    }
    %scan3A_10 = arith.constant 80 : i32
    %add3A_11 = arith.constant 0 : i32
    %add3A_12 = arith.addi %mul3A_4, %add3A_11 : i32
    "tpu.region"() ({
      %run_scoped3A = tpu.sem_alloc : memref<!tpu.dma_semaphore, #tpu.memory_space<semaphore_mem>>
      %dma_start3A = arith.constant 0 : i32
      %dma_start3A_90 = tpu.memref_slice %arg8[%add3A_12, %dma_start3A] : memref<10240x128xf32, #tpu.memory_space<vmem_shared>> -> memref<80x128xf32, #tpu.memory_space<vmem_shared>>
      %dma_start3A_91 = arith.constant 0 : i32
      %dma_start3A_92 = tpu.memref_slice %arg8[%add3A_12, %dma_start3A_91] : memref<10240x128xf32, #tpu.memory_space<vmem_shared>> -> memref<80x128xf32, #tpu.memory_space<vmem_shared>>
      tpu.enqueue_dma source(%arg6 : memref<80x128xf32, #tpu.memory_space<vmem>>) target(%dma_start3A_92 : memref<80x128xf32, #tpu.memory_space<vmem_shared>>) target_semaphore(%run_scoped3A : memref<!tpu.dma_semaphore, #tpu.memory_space<semaphore_mem>>)
      %dma_wait3A = arith.constant 0 : i32
      %dma_wait3A_93 = tpu.memref_slice %arg8[%add3A_12, %dma_wait3A] : memref<10240x128xf32, #tpu.memory_space<vmem_shared>> -> memref<80x128xf32, #tpu.memory_space<vmem_shared>>
      %dma_wait3A_94 = arith.constant 0 : i32
      %dma_wait3A_95 = tpu.memref_slice %arg8[%add3A_12, %dma_wait3A_94] : memref<10240x128xf32, #tpu.memory_space<vmem_shared>> -> memref<80x128xf32, #tpu.memory_space<vmem_shared>>
      tpu.wait_dma2 semaphore(%run_scoped3A : memref<!tpu.dma_semaphore, #tpu.memory_space<semaphore_mem>>) src(%arg6 : memref<80x128xf32, #tpu.memory_space<vmem>>) dst(%dma_wait3A_95 : memref<80x128xf32, #tpu.memory_space<vmem_shared>>)
      tpu.yield
    }) : () -> ()
    %add3A_13 = arith.constant 80 : i32
    %add3A_14 = arith.addi %mul3A_4, %add3A_13 : i32
    "tpu.region"() ({
      %run_scoped3A = tpu.sem_alloc : memref<!tpu.dma_semaphore, #tpu.memory_space<semaphore_mem>>
      %dma_start3A = arith.constant 0 : i32
      %dma_start3A_90 = tpu.memref_slice %arg8[%add3A_14, %dma_start3A] : memref<10240x128xf32, #tpu.memory_space<vmem_shared>> -> memref<80x128xf32, #tpu.memory_space<vmem_shared>>
      %dma_start3A_91 = arith.constant 0 : i32
      %dma_start3A_92 = tpu.memref_slice %arg8[%add3A_14, %dma_start3A_91] : memref<10240x128xf32, #tpu.memory_space<vmem_shared>> -> memref<80x128xf32, #tpu.memory_space<vmem_shared>>
      tpu.enqueue_dma source(%arg6 : memref<80x128xf32, #tpu.memory_space<vmem>>) target(%dma_start3A_92 : memref<80x128xf32, #tpu.memory_space<vmem_shared>>) target_semaphore(%run_scoped3A : memref<!tpu.dma_semaphore, #tpu.memory_space<semaphore_mem>>)
      %dma_wait3A = arith.constant 0 : i32
      %dma_wait3A_93 = tpu.memref_slice %arg8[%add3A_14, %dma_wait3A] : memref<10240x128xf32, #tpu.memory_space<vmem_shared>> -> memref<80x128xf32, #tpu.memory_space<vmem_shared>>
      %dma_wait3A_94 = arith.constant 0 : i32
      %dma_wait3A_95 = tpu.memref_slice %arg8[%add3A_14, %dma_wait3A_94] : memref<10240x128xf32, #tpu.memory_space<vmem_shared>> -> memref<80x128xf32, #tpu.memory_space<vmem_shared>>
      tpu.wait_dma2 semaphore(%run_scoped3A : memref<!tpu.dma_semaphore, #tpu.memory_space<semaphore_mem>>) src(%arg6 : memref<80x128xf32, #tpu.memory_space<vmem>>) dst(%dma_wait3A_95 : memref<80x128xf32, #tpu.memory_space<vmem_shared>>)
      tpu.yield
    }) : () -> ()
    %add3A_15 = arith.constant 160 : i32
    %add3A_16 = arith.addi %mul3A_4, %add3A_15 : i32
    "tpu.region"() ({
      %run_scoped3A = tpu.sem_alloc : memref<!tpu.dma_semaphore, #tpu.memory_space<semaphore_mem>>
      %dma_start3A = arith.constant 0 : i32
      %dma_start3A_90 = tpu.memref_slice %arg8[%add3A_16, %dma_start3A] : memref<10240x128xf32, #tpu.memory_space<vmem_shared>> -> memref<80x128xf32, #tpu.memory_space<vmem_shared>>
      %dma_start3A_91 = arith.constant 0 : i32
      %dma_start3A_92 = tpu.memref_slice %arg8[%add3A_16, %dma_start3A_91] : memref<10240x128xf32, #tpu.memory_space<vmem_shared>> -> memref<80x128xf32, #tpu.memory_space<vmem_shared>>
      tpu.enqueue_dma source(%arg6 : memref<80x128xf32, #tpu.memory_space<vmem>>) target(%dma_start3A_92 : memref<80x128xf32, #tpu.memory_space<vmem_shared>>) target_semaphore(%run_scoped3A : memref<!tpu.dma_semaphore, #tpu.memory_space<semaphore_mem>>)
      %dma_wait3A = arith.constant 0 : i32
      %dma_wait3A_93 = tpu.memref_slice %arg8[%add3A_16, %dma_wait3A] : memref<10240x128xf32, #tpu.memory_space<vmem_shared>> -> memref<80x128xf32, #tpu.memory_space<vmem_shared>>
      %dma_wait3A_94 = arith.constant 0 : i32
      %dma_wait3A_95 = tpu.memref_slice %arg8[%add3A_16, %dma_wait3A_94] : memref<10240x128xf32, #tpu.memory_space<vmem_shared>> -> memref<80x128xf32, #tpu.memory_space<vmem_shared>>
      tpu.wait_dma2 semaphore(%run_scoped3A : memref<!tpu.dma_semaphore, #tpu.memory_space<semaphore_mem>>) src(%arg6 : memref<80x128xf32, #tpu.memory_space<vmem>>) dst(%dma_wait3A_95 : memref<80x128xf32, #tpu.memory_space<vmem_shared>>)
      tpu.yield
    }) : () -> ()
    %add3A_17 = arith.constant 240 : i32
    %add3A_18 = arith.addi %mul3A_4, %add3A_17 : i32
    "tpu.region"() ({
      %run_scoped3A = tpu.sem_alloc : memref<!tpu.dma_semaphore, #tpu.memory_space<semaphore_mem>>
      %dma_start3A = arith.constant 0 : i32
      %dma_start3A_90 = tpu.memref_slice %arg8[%add3A_18, %dma_start3A] : memref<10240x128xf32, #tpu.memory_space<vmem_shared>> -> memref<80x128xf32, #tpu.memory_space<vmem_shared>>
      %dma_start3A_91 = arith.constant 0 : i32
      %dma_start3A_92 = tpu.memref_slice %arg8[%add3A_18, %dma_start3A_91] : memref<10240x128xf32, #tpu.memory_space<vmem_shared>> -> memref<80x128xf32, #tpu.memory_space<vmem_shared>>
      tpu.enqueue_dma source(%arg6 : memref<80x128xf32, #tpu.memory_space<vmem>>) target(%dma_start3A_92 : memref<80x128xf32, #tpu.memory_space<vmem_shared>>) target_semaphore(%run_scoped3A : memref<!tpu.dma_semaphore, #tpu.memory_space<semaphore_mem>>)
      %dma_wait3A = arith.constant 0 : i32
      %dma_wait3A_93 = tpu.memref_slice %arg8[%add3A_18, %dma_wait3A] : memref<10240x128xf32, #tpu.memory_space<vmem_shared>> -> memref<80x128xf32, #tpu.memory_space<vmem_shared>>
      %dma_wait3A_94 = arith.constant 0 : i32
      %dma_wait3A_95 = tpu.memref_slice %arg8[%add3A_18, %dma_wait3A_94] : memref<10240x128xf32, #tpu.memory_space<vmem_shared>> -> memref<80x128xf32, #tpu.memory_space<vmem_shared>>
      tpu.wait_dma2 semaphore(%run_scoped3A : memref<!tpu.dma_semaphore, #tpu.memory_space<semaphore_mem>>) src(%arg6 : memref<80x128xf32, #tpu.memory_space<vmem>>) dst(%dma_wait3A_95 : memref<80x128xf32, #tpu.memory_space<vmem_shared>>)
      tpu.yield
    }) : () -> ()
    %add3A_19 = arith.constant 320 : i32
    %add3A_20 = arith.addi %mul3A_4, %add3A_19 : i32
    "tpu.region"() ({
      %run_scoped3A = tpu.sem_alloc : memref<!tpu.dma_semaphore, #tpu.memory_space<semaphore_mem>>
      %dma_start3A = arith.constant 0 : i32
      %dma_start3A_90 = tpu.memref_slice %arg8[%add3A_20, %dma_start3A] : memref<10240x128xf32, #tpu.memory_space<vmem_shared>> -> memref<80x128xf32, #tpu.memory_space<vmem_shared>>
      %dma_start3A_91 = arith.constant 0 : i32
      %dma_start3A_92 = tpu.memref_slice %arg8[%add3A_20, %dma_start3A_91] : memref<10240x128xf32, #tpu.memory_space<vmem_shared>> -> memref<80x128xf32, #tpu.memory_space<vmem_shared>>
      tpu.enqueue_dma source(%arg6 : memref<80x128xf32, #tpu.memory_space<vmem>>) target(%dma_start3A_92 : memref<80x128xf32, #tpu.memory_space<vmem_shared>>) target_semaphore(%run_scoped3A : memref<!tpu.dma_semaphore, #tpu.memory_space<semaphore_mem>>)
      %dma_wait3A = arith.constant 0 : i32
      %dma_wait3A_93 = tpu.memref_slice %arg8[%add3A_20, %dma_wait3A] : memref<10240x128xf32, #tpu.memory_space<vmem_shared>> -> memref<80x128xf32, #tpu.memory_space<vmem_shared>>
      %dma_wait3A_94 = arith.constant 0 : i32
      %dma_wait3A_95 = tpu.memref_slice %arg8[%add3A_20, %dma_wait3A_94] : memref<10240x128xf32, #tpu.memory_space<vmem_shared>> -> memref<80x128xf32, #tpu.memory_space<vmem_shared>>
      tpu.wait_dma2 semaphore(%run_scoped3A : memref<!tpu.dma_semaphore, #tpu.memory_space<semaphore_mem>>) src(%arg6 : memref<80x128xf32, #tpu.memory_space<vmem>>) dst(%dma_wait3A_95 : memref<80x128xf32, #tpu.memory_space<vmem_shared>>)
      tpu.yield
    }) : () -> ()
    %add3A_21 = arith.constant 400 : i32
    %add3A_22 = arith.addi %mul3A_4, %add3A_21 : i32
    "tpu.region"() ({
      %run_scoped3A = tpu.sem_alloc : memref<!tpu.dma_semaphore, #tpu.memory_space<semaphore_mem>>
      %dma_start3A = arith.constant 0 : i32
      %dma_start3A_90 = tpu.memref_slice %arg8[%add3A_22, %dma_start3A] : memref<10240x128xf32, #tpu.memory_space<vmem_shared>> -> memref<80x128xf32, #tpu.memory_space<vmem_shared>>
      %dma_start3A_91 = arith.constant 0 : i32
      %dma_start3A_92 = tpu.memref_slice %arg8[%add3A_22, %dma_start3A_91] : memref<10240x128xf32, #tpu.memory_space<vmem_shared>> -> memref<80x128xf32, #tpu.memory_space<vmem_shared>>
      tpu.enqueue_dma source(%arg6 : memref<80x128xf32, #tpu.memory_space<vmem>>) target(%dma_start3A_92 : memref<80x128xf32, #tpu.memory_space<vmem_shared>>) target_semaphore(%run_scoped3A : memref<!tpu.dma_semaphore, #tpu.memory_space<semaphore_mem>>)
      %dma_wait3A = arith.constant 0 : i32
      %dma_wait3A_93 = tpu.memref_slice %arg8[%add3A_22, %dma_wait3A] : memref<10240x128xf32, #tpu.memory_space<vmem_shared>> -> memref<80x128xf32, #tpu.memory_space<vmem_shared>>
      %dma_wait3A_94 = arith.constant 0 : i32
      %dma_wait3A_95 = tpu.memref_slice %arg8[%add3A_22, %dma_wait3A_94] : memref<10240x128xf32, #tpu.memory_space<vmem_shared>> -> memref<80x128xf32, #tpu.memory_space<vmem_shared>>
      tpu.wait_dma2 semaphore(%run_scoped3A : memref<!tpu.dma_semaphore, #tpu.memory_space<semaphore_mem>>) src(%arg6 : memref<80x128xf32, #tpu.memory_space<vmem>>) dst(%dma_wait3A_95 : memref<80x128xf32, #tpu.memory_space<vmem_shared>>)
      tpu.yield
    }) : () -> ()
    %add3A_23 = arith.constant 480 : i32
    %add3A_24 = arith.addi %mul3A_4, %add3A_23 : i32
    "tpu.region"() ({
      %run_scoped3A = tpu.sem_alloc : memref<!tpu.dma_semaphore, #tpu.memory_space<semaphore_mem>>
      %dma_start3A = arith.constant 0 : i32
      %dma_start3A_90 = tpu.memref_slice %arg8[%add3A_24, %dma_start3A] : memref<10240x128xf32, #tpu.memory_space<vmem_shared>> -> memref<80x128xf32, #tpu.memory_space<vmem_shared>>
      %dma_start3A_91 = arith.constant 0 : i32
      %dma_start3A_92 = tpu.memref_slice %arg8[%add3A_24, %dma_start3A_91] : memref<10240x128xf32, #tpu.memory_space<vmem_shared>> -> memref<80x128xf32, #tpu.memory_space<vmem_shared>>
      tpu.enqueue_dma source(%arg6 : memref<80x128xf32, #tpu.memory_space<vmem>>) target(%dma_start3A_92 : memref<80x128xf32, #tpu.memory_space<vmem_shared>>) target_semaphore(%run_scoped3A : memref<!tpu.dma_semaphore, #tpu.memory_space<semaphore_mem>>)
      %dma_wait3A = arith.constant 0 : i32
      %dma_wait3A_93 = tpu.memref_slice %arg8[%add3A_24, %dma_wait3A] : memref<10240x128xf32, #tpu.memory_space<vmem_shared>> -> memref<80x128xf32, #tpu.memory_space<vmem_shared>>
      %dma_wait3A_94 = arith.constant 0 : i32
      %dma_wait3A_95 = tpu.memref_slice %arg8[%add3A_24, %dma_wait3A_94] : memref<10240x128xf32, #tpu.memory_space<vmem_shared>> -> memref<80x128xf32, #tpu.memory_space<vmem_shared>>
      tpu.wait_dma2 semaphore(%run_scoped3A : memref<!tpu.dma_semaphore, #tpu.memory_space<semaphore_mem>>) src(%arg6 : memref<80x128xf32, #tpu.memory_space<vmem>>) dst(%dma_wait3A_95 : memref<80x128xf32, #tpu.memory_space<vmem_shared>>)
      tpu.yield
    }) : () -> ()
    %add3A_25 = arith.constant 560 : i32
    %add3A_26 = arith.addi %mul3A_4, %add3A_25 : i32
    "tpu.region"() ({
      %run_scoped3A = tpu.sem_alloc : memref<!tpu.dma_semaphore, #tpu.memory_space<semaphore_mem>>
      %dma_start3A = arith.constant 0 : i32
      %dma_start3A_90 = tpu.memref_slice %arg8[%add3A_26, %dma_start3A] : memref<10240x128xf32, #tpu.memory_space<vmem_shared>> -> memref<80x128xf32, #tpu.memory_space<vmem_shared>>
      %dma_start3A_91 = arith.constant 0 : i32
      %dma_start3A_92 = tpu.memref_slice %arg8[%add3A_26, %dma_start3A_91] : memref<10240x128xf32, #tpu.memory_space<vmem_shared>> -> memref<80x128xf32, #tpu.memory_space<vmem_shared>>
      tpu.enqueue_dma source(%arg6 : memref<80x128xf32, #tpu.memory_space<vmem>>) target(%dma_start3A_92 : memref<80x128xf32, #tpu.memory_space<vmem_shared>>) target_semaphore(%run_scoped3A : memref<!tpu.dma_semaphore, #tpu.memory_space<semaphore_mem>>)
      %dma_wait3A = arith.constant 0 : i32
      %dma_wait3A_93 = tpu.memref_slice %arg8[%add3A_26, %dma_wait3A] : memref<10240x128xf32, #tpu.memory_space<vmem_shared>> -> memref<80x128xf32, #tpu.memory_space<vmem_shared>>
      %dma_wait3A_94 = arith.constant 0 : i32
      %dma_wait3A_95 = tpu.memref_slice %arg8[%add3A_26, %dma_wait3A_94] : memref<10240x128xf32, #tpu.memory_space<vmem_shared>> -> memref<80x128xf32, #tpu.memory_space<vmem_shared>>
      tpu.wait_dma2 semaphore(%run_scoped3A : memref<!tpu.dma_semaphore, #tpu.memory_space<semaphore_mem>>) src(%arg6 : memref<80x128xf32, #tpu.memory_space<vmem>>) dst(%dma_wait3A_95 : memref<80x128xf32, #tpu.memory_space<vmem_shared>>)
      tpu.yield
    }) : () -> ()
    %barrier3A = arith.constant 0 : index
    tpu.barrier barrier_id(%barrier3A)
    %scan3A_27 = arith.constant 0 : i32
    %scan3A_28 = arith.constant 0 : i32
    %scan3A_29 = arith.constant 125 : i32
    %scan3A_30 = arith.addi %scan3A_28, %scan3A_29 : i32
    %scan3A_31 = arith.constant 1 : i32
    scf.for %scan3A_90 = %scan3A_28 to %scan3A_30 step %scan3A_31  : i32 {
      %mul3A_91 = arith.constant 80 : i32
      %mul3A_92 = arith.muli %scan3A_90, %mul3A_91 : i32
      %add3A_93 = arith.addi %mul3A_2, %mul3A_92 : i32
      "tpu.region"() ({
        %run_scoped3A = tpu.sem_alloc : memref<!tpu.dma_semaphore, #tpu.memory_space<semaphore_mem>>
        %dma_start3A = tpu.memref_slice %arg3[%add3A_93] : memref<320000xi32, #tpu.memory_space<hbm>> -> memref<80xi32, #tpu.memory_space<hbm>>
        %dma_start3A_100 = tpu.memref_slice %arg3[%add3A_93] : memref<320000xi32, #tpu.memory_space<hbm>> -> memref<80xi32, #tpu.memory_space<hbm>>
        tpu.enqueue_dma source(%dma_start3A_100 : memref<80xi32, #tpu.memory_space<hbm>>) target(%arg5 : memref<80xi32, #tpu.memory_space<vmem>>) target_semaphore(%run_scoped3A : memref<!tpu.dma_semaphore, #tpu.memory_space<semaphore_mem>>)
        %dma_wait3A = tpu.memref_slice %arg3[%add3A_93] : memref<320000xi32, #tpu.memory_space<hbm>> -> memref<80xi32, #tpu.memory_space<hbm>>
        %dma_wait3A_101 = tpu.memref_slice %arg3[%add3A_93] : memref<320000xi32, #tpu.memory_space<hbm>> -> memref<80xi32, #tpu.memory_space<hbm>>
        tpu.wait_dma2 semaphore(%run_scoped3A : memref<!tpu.dma_semaphore, #tpu.memory_space<semaphore_mem>>) src(%dma_wait3A_101 : memref<80xi32, #tpu.memory_space<hbm>>) dst(%arg5 : memref<80xi32, #tpu.memory_space<vmem>>)
        tpu.yield
      }) : () -> ()
      "tpu.region"() ({
        %run_scoped3A = tpu.sem_alloc : memref<!tpu.dma_semaphore, #tpu.memory_space<semaphore_mem>>
        %dma_start3A = arith.constant 0 : i32
        %dma_start3A_100 = tpu.memref_slice %arg2[%add3A_93, %dma_start3A] : memref<320000x16xf32, #tpu.memory_space<hbm>> -> memref<80x16xf32, #tpu.memory_space<hbm>>
        %dma_start3A_101 = arith.constant 0 : i32
        %dma_start3A_102 = tpu.memref_slice %arg2[%add3A_93, %dma_start3A_101] : memref<320000x16xf32, #tpu.memory_space<hbm>> -> memref<80x16xf32, #tpu.memory_space<hbm>>
        tpu.enqueue_dma source(%dma_start3A_102 : memref<80x16xf32, #tpu.memory_space<hbm>>) target(%arg7 : memref<80x16xf32, #tpu.memory_space<vmem>>) target_semaphore(%run_scoped3A : memref<!tpu.dma_semaphore, #tpu.memory_space<semaphore_mem>>)
        %dma_wait3A = arith.constant 0 : i32
        %dma_wait3A_103 = tpu.memref_slice %arg2[%add3A_93, %dma_wait3A] : memref<320000x16xf32, #tpu.memory_space<hbm>> -> memref<80x16xf32, #tpu.memory_space<hbm>>
        %dma_wait3A_104 = arith.constant 0 : i32
        %dma_wait3A_105 = tpu.memref_slice %arg2[%add3A_93, %dma_wait3A_104] : memref<320000x16xf32, #tpu.memory_space<hbm>> -> memref<80x16xf32, #tpu.memory_space<hbm>>
        tpu.wait_dma2 semaphore(%run_scoped3A : memref<!tpu.dma_semaphore, #tpu.memory_space<semaphore_mem>>) src(%dma_wait3A_105 : memref<80x16xf32, #tpu.memory_space<hbm>>) dst(%arg7 : memref<80x16xf32, #tpu.memory_space<vmem>>)
        tpu.yield
      }) : () -> ()
      %scan3A_94 = arith.constant 0 : i32
      %scan3A_95 = arith.constant 0 : i32
      %scan3A_96 = arith.constant 80 : i32
      %scan3A_97 = arith.addi %scan3A_95, %scan3A_96 : i32
      %scan3A_98 = arith.constant 4 : i32
      scf.for %scan3A_100 = %scan3A_95 to %scan3A_97 step %scan3A_98  : i32 {
        %get3A = arith.index_cast %scan3A_100 : i32 to index
        %get3A_101 = arith.constant 0 : index
        %get3A_102 = tpu.vector_load %arg7[%get3A, %get3A_101] {strides = array<i32>} : memref<80x16xf32, #tpu.memory_space<vmem>>, vector<1x16xf32>,
        %get3A_103 = vector.shape_cast %get3A_102 : vector<1x16xf32> to vector<16xf32>
        %swap3A = arith.index_cast %scan3A_100 : i32 to index
        %swap3A_104 = arith.constant 0 : index
        %swap3A_105 = tpu.vector_load %arg6[%swap3A, %swap3A_104] {strides = array<i32>} : memref<80x128xf32, #tpu.memory_space<vmem>>, vector<1x16xf32>,
        %swap3A_106 = vector.shape_cast %swap3A_105 : vector<1x16xf32> to vector<16xf32>
        %swap3A_107 = vector.shape_cast %get3A_103 : vector<16xf32> to vector<1x16xf32>
        tpu.vector_store %arg6[%swap3A, %swap3A_104], %swap3A_107 {strides = array<i32>} : memref<80x128xf32, #tpu.memory_space<vmem>>, vector<1x16xf32>,
        %scan3A_108 = arith.constant 1 : i32
        %scan3A_109 = arith.addi %scan3A_100, %scan3A_108 : i32
        %get3A_110 = arith.index_cast %scan3A_109 : i32 to index
        %get3A_111 = arith.constant 0 : index
        %get3A_112 = tpu.vector_load %arg7[%get3A_110, %get3A_111] {strides = array<i32>} : memref<80x16xf32, #tpu.memory_space<vmem>>, vector<1x16xf32>,
        %get3A_113 = vector.shape_cast %get3A_112 : vector<1x16xf32> to vector<16xf32>
        %swap3A_114 = arith.index_cast %scan3A_109 : i32 to index
        %swap3A_115 = arith.constant 0 : index
        %swap3A_116 = tpu.vector_load %arg6[%swap3A_114, %swap3A_115] {strides = array<i32>} : memref<80x128xf32, #tpu.memory_space<vmem>>, vector<1x16xf32>,
        %swap3A_117 = vector.shape_cast %swap3A_116 : vector<1x16xf32> to vector<16xf32>
        %swap3A_118 = vector.shape_cast %get3A_113 : vector<16xf32> to vector<1x16xf32>
        tpu.vector_store %arg6[%swap3A_114, %swap3A_115], %swap3A_118 {strides = array<i32>} : memref<80x128xf32, #tpu.memory_space<vmem>>, vector<1x16xf32>,
        %scan3A_119 = arith.constant 2 : i32
        %scan3A_120 = arith.addi %scan3A_100, %scan3A_119 : i32
        %get3A_121 = arith.index_cast %scan3A_120 : i32 to index
        %get3A_122 = arith.constant 0 : index
        %get3A_123 = tpu.vector_load %arg7[%get3A_121, %get3A_122] {strides = array<i32>} : memref<80x16xf32, #tpu.memory_space<vmem>>, vector<1x16xf32>,
        %get3A_124 = vector.shape_cast %get3A_123 : vector<1x16xf32> to vector<16xf32>
        %swap3A_125 = arith.index_cast %scan3A_120 : i32 to index
        %swap3A_126 = arith.constant 0 : index
        %swap3A_127 = tpu.vector_load %arg6[%swap3A_125, %swap3A_126] {strides = array<i32>} : memref<80x128xf32, #tpu.memory_space<vmem>>, vector<1x16xf32>,
        %swap3A_128 = vector.shape_cast %swap3A_127 : vector<1x16xf32> to vector<16xf32>
        %swap3A_129 = vector.shape_cast %get3A_124 : vector<16xf32> to vector<1x16xf32>
        tpu.vector_store %arg6[%swap3A_125, %swap3A_126], %swap3A_129 {strides = array<i32>} : memref<80x128xf32, #tpu.memory_space<vmem>>, vector<1x16xf32>,
        %scan3A_130 = arith.constant 3 : i32
        %scan3A_131 = arith.addi %scan3A_100, %scan3A_130 : i32
        %get3A_132 = arith.index_cast %scan3A_131 : i32 to index
        %get3A_133 = arith.constant 0 : index
        %get3A_134 = tpu.vector_load %arg7[%get3A_132, %get3A_133] {strides = array<i32>} : memref<80x16xf32, #tpu.memory_space<vmem>>, vector<1x16xf32>,
        %get3A_135 = vector.shape_cast %get3A_134 : vector<1x16xf32> to vector<16xf32>
        %swap3A_136 = arith.index_cast %scan3A_131 : i32 to index
        %swap3A_137 = arith.constant 0 : index
        %swap3A_138 = tpu.vector_load %arg6[%swap3A_136, %swap3A_137] {strides = array<i32>} : memref<80x128xf32, #tpu.memory_space<vmem>>, vector<1x16xf32>,
        %swap3A_139 = vector.shape_cast %swap3A_138 : vector<1x16xf32> to vector<16xf32>
        %swap3A_140 = vector.shape_cast %get3A_135 : vector<16xf32> to vector<1x16xf32>
        tpu.vector_store %arg6[%swap3A_136, %swap3A_137], %swap3A_140 {strides = array<i32>} : memref<80x128xf32, #tpu.memory_space<vmem>>, vector<1x16xf32>,
      }
      %scan3A_99 = arith.constant 80 : i32
      "tpu.region"() ({
        %run_scoped3A = tpu.sem_alloc : memref<!tpu.dma_semaphore, #tpu.memory_space<semaphore_mem>>
        %dma_start3A = arith.constant 0 : i32
        %dma_start3A_100 = arith.constant 0 : i32
        %dma_start3A_101 = tpu.memref_slice %arg8[%dma_start3A, %dma_start3A_100] : memref<10240x128xf32, #tpu.memory_space<vmem_shared>> -> memref<10240x128xf32, #tpu.memory_space<vmem_shared>>
        tpu.enqueue_indirect_dma source(%arg6 : memref<80x128xf32, #tpu.memory_space<vmem>>) target(%dma_start3A_101 : memref<10240x128xf32, #tpu.memory_space<vmem_shared>>) offsets(%arg5 : memref<80xi32, #tpu.memory_space<vmem>>) semaphore(%run_scoped3A : memref<!tpu.dma_semaphore, #tpu.memory_space<semaphore_mem>>) {add = true}
        %dma_wait3A = arith.constant 0 : i32
        %dma_wait3A_102 = arith.constant 0 : i32
        %dma_wait3A_103 = tpu.memref_slice %arg8[%dma_wait3A, %dma_wait3A_102] : memref<10240x128xf32, #tpu.memory_space<vmem_shared>> -> memref<10240x128xf32, #tpu.memory_space<vmem_shared>>
        tpu.wait_indirect_dma semaphore(%run_scoped3A : memref<!tpu.dma_semaphore, #tpu.memory_space<semaphore_mem>>) src(%arg6 : memref<80x128xf32, #tpu.memory_space<vmem>>) dst(%dma_wait3A_103 : memref<10240x128xf32, #tpu.memory_space<vmem_shared>>)
        tpu.yield
      }) : () -> ()
    }
    %scan3A_32 = arith.constant 125 : i32
    %barrier3A_33 = arith.constant 0 : index
    tpu.barrier barrier_id(%barrier3A_33)
    %add3A_34 = arith.constant 0 : i32
    %add3A_35 = arith.addi %mul3A_4, %add3A_34 : i32
    %mul3A_36 = arith.constant 10240 : i32
    %mul3A_37 = arith.muli %arg0, %mul3A_36 : i32
    %add3A_38 = arith.addi %mul3A_37, %mul3A_4 : i32
    %add3A_39 = arith.constant 0 : i32
    %add3A_40 = arith.addi %add3A_38, %add3A_39 : i32
    "tpu.region"() ({
      %run_scoped3A = tpu.sem_alloc : memref<!tpu.dma_semaphore, #tpu.memory_space<semaphore_mem>>
      %dma_start3A = arith.constant 0 : i32
      %dma_start3A_90 = tpu.memref_slice %arg8[%add3A_35, %dma_start3A] : memref<10240x128xf32, #tpu.memory_space<vmem_shared>> -> memref<80x128xf32, #tpu.memory_space<vmem_shared>>
      %dma_start3A_91 = arith.constant 0 : i32
      %dma_start3A_92 = tpu.memref_slice %arg8[%add3A_35, %dma_start3A_91] : memref<10240x128xf32, #tpu.memory_space<vmem_shared>> -> memref<80x128xf32, #tpu.memory_space<vmem_shared>>
      tpu.enqueue_dma source(%dma_start3A_92 : memref<80x128xf32, #tpu.memory_space<vmem_shared>>) target(%arg6 : memref<80x128xf32, #tpu.memory_space<vmem>>) target_semaphore(%run_scoped3A : memref<!tpu.dma_semaphore, #tpu.memory_space<semaphore_mem>>)
      %dma_wait3A = arith.constant 0 : i32
      %dma_wait3A_93 = tpu.memref_slice %arg8[%add3A_35, %dma_wait3A] : memref<10240x128xf32, #tpu.memory_space<vmem_shared>> -> memref<80x128xf32, #tpu.memory_space<vmem_shared>>
      %dma_wait3A_94 = arith.constant 0 : i32
      %dma_wait3A_95 = tpu.memref_slice %arg8[%add3A_35, %dma_wait3A_94] : memref<10240x128xf32, #tpu.memory_space<vmem_shared>> -> memref<80x128xf32, #tpu.memory_space<vmem_shared>>
      tpu.wait_dma2 semaphore(%run_scoped3A : memref<!tpu.dma_semaphore, #tpu.memory_space<semaphore_mem>>) src(%dma_wait3A_95 : memref<80x128xf32, #tpu.memory_space<vmem_shared>>) dst(%arg6 : memref<80x128xf32, #tpu.memory_space<vmem>>)
      tpu.yield
    }) : () -> ()
    "tpu.region"() ({
      %run_scoped3A = tpu.sem_alloc : memref<!tpu.dma_semaphore, #tpu.memory_space<semaphore_mem>>
      %dma_start3A = arith.constant 0 : i32
      %dma_start3A_90 = tpu.memref_slice %arg4[%add3A_40, %dma_start3A] : memref<20480x128xf32, #tpu.memory_space<hbm>> -> memref<80x128xf32, #tpu.memory_space<hbm>>
      %dma_start3A_91 = arith.constant 0 : i32
      %dma_start3A_92 = tpu.memref_slice %arg4[%add3A_40, %dma_start3A_91] : memref<20480x128xf32, #tpu.memory_space<hbm>> -> memref<80x128xf32, #tpu.memory_space<hbm>>
      tpu.enqueue_dma source(%arg6 : memref<80x128xf32, #tpu.memory_space<vmem>>) target(%dma_start3A_92 : memref<80x128xf32, #tpu.memory_space<hbm>>) target_semaphore(%run_scoped3A : memref<!tpu.dma_semaphore, #tpu.memory_space<semaphore_mem>>)
      %dma_wait3A = arith.constant 0 : i32
      %dma_wait3A_93 = tpu.memref_slice %arg4[%add3A_40, %dma_wait3A] : memref<20480x128xf32, #tpu.memory_space<hbm>> -> memref<80x128xf32, #tpu.memory_space<hbm>>
      %dma_wait3A_94 = arith.constant 0 : i32
      %dma_wait3A_95 = tpu.memref_slice %arg4[%add3A_40, %dma_wait3A_94] : memref<20480x128xf32, #tpu.memory_space<hbm>> -> memref<80x128xf32, #tpu.memory_space<hbm>>
      tpu.wait_dma2 semaphore(%run_scoped3A : memref<!tpu.dma_semaphore, #tpu.memory_space<semaphore_mem>>) src(%arg6 : memref<80x128xf32, #tpu.memory_space<vmem>>) dst(%dma_wait3A_95 : memref<80x128xf32, #tpu.memory_space<hbm>>)
      tpu.yield
    }) : () -> ()
    %add3A_41 = arith.constant 80 : i32
    %add3A_42 = arith.addi %mul3A_4, %add3A_41 : i32
    %mul3A_43 = arith.constant 10240 : i32
    %mul3A_44 = arith.muli %arg0, %mul3A_43 : i32
    %add3A_45 = arith.addi %mul3A_44, %mul3A_4 : i32
    %add3A_46 = arith.constant 80 : i32
    %add3A_47 = arith.addi %add3A_45, %add3A_46 : i32
    "tpu.region"() ({
      %run_scoped3A = tpu.sem_alloc : memref<!tpu.dma_semaphore, #tpu.memory_space<semaphore_mem>>
      %dma_start3A = arith.constant 0 : i32
      %dma_start3A_90 = tpu.memref_slice %arg8[%add3A_42, %dma_start3A] : memref<10240x128xf32, #tpu.memory_space<vmem_shared>> -> memref<80x128xf32, #tpu.memory_space<vmem_shared>>
      %dma_start3A_91 = arith.constant 0 : i32
      %dma_start3A_92 = tpu.memref_slice %arg8[%add3A_42, %dma_start3A_91] : memref<10240x128xf32, #tpu.memory_space<vmem_shared>> -> memref<80x128xf32, #tpu.memory_space<vmem_shared>>
      tpu.enqueue_dma source(%dma_start3A_92 : memref<80x128xf32, #tpu.memory_space<vmem_shared>>) target(%arg6 : memref<80x128xf32, #tpu.memory_space<vmem>>) target_semaphore(%run_scoped3A : memref<!tpu.dma_semaphore, #tpu.memory_space<semaphore_mem>>)
      %dma_wait3A = arith.constant 0 : i32
      %dma_wait3A_93 = tpu.memref_slice %arg8[%add3A_42, %dma_wait3A] : memref<10240x128xf32, #tpu.memory_space<vmem_shared>> -> memref<80x128xf32, #tpu.memory_space<vmem_shared>>
      %dma_wait3A_94 = arith.constant 0 : i32
      %dma_wait3A_95 = tpu.memref_slice %arg8[%add3A_42, %dma_wait3A_94] : memref<10240x128xf32, #tpu.memory_space<vmem_shared>> -> memref<80x128xf32, #tpu.memory_space<vmem_shared>>
      tpu.wait_dma2 semaphore(%run_scoped3A : memref<!tpu.dma_semaphore, #tpu.memory_space<semaphore_mem>>) src(%dma_wait3A_95 : memref<80x128xf32, #tpu.memory_space<vmem_shared>>) dst(%arg6 : memref<80x128xf32, #tpu.memory_space<vmem>>)
      tpu.yield
    }) : () -> ()
    "tpu.region"() ({
      %run_scoped3A = tpu.sem_alloc : memref<!tpu.dma_semaphore, #tpu.memory_space<semaphore_mem>>
      %dma_start3A = arith.constant 0 : i32
      %dma_start3A_90 = tpu.memref_slice %arg4[%add3A_47, %dma_start3A] : memref<20480x128xf32, #tpu.memory_space<hbm>> -> memref<80x128xf32, #tpu.memory_space<hbm>>
      %dma_start3A_91 = arith.constant 0 : i32
      %dma_start3A_92 = tpu.memref_slice %arg4[%add3A_47, %dma_start3A_91] : memref<20480x128xf32, #tpu.memory_space<hbm>> -> memref<80x128xf32, #tpu.memory_space<hbm>>
      tpu.enqueue_dma source(%arg6 : memref<80x128xf32, #tpu.memory_space<vmem>>) target(%dma_start3A_92 : memref<80x128xf32, #tpu.memory_space<hbm>>) target_semaphore(%run_scoped3A : memref<!tpu.dma_semaphore, #tpu.memory_space<semaphore_mem>>)
      %dma_wait3A = arith.constant 0 : i32
      %dma_wait3A_93 = tpu.memref_slice %arg4[%add3A_47, %dma_wait3A] : memref<20480x128xf32, #tpu.memory_space<hbm>> -> memref<80x128xf32, #tpu.memory_space<hbm>>
      %dma_wait3A_94 = arith.constant 0 : i32
      %dma_wait3A_95 = tpu.memref_slice %arg4[%add3A_47, %dma_wait3A_94] : memref<20480x128xf32, #tpu.memory_space<hbm>> -> memref<80x128xf32, #tpu.memory_space<hbm>>
      tpu.wait_dma2 semaphore(%run_scoped3A : memref<!tpu.dma_semaphore, #tpu.memory_space<semaphore_mem>>) src(%arg6 : memref<80x128xf32, #tpu.memory_space<vmem>>) dst(%dma_wait3A_95 : memref<80x128xf32, #tpu.memory_space<hbm>>)
      tpu.yield
    }) : () -> ()
    %add3A_48 = arith.constant 160 : i32
    %add3A_49 = arith.addi %mul3A_4, %add3A_48 : i32
    %mul3A_50 = arith.constant 10240 : i32
    %mul3A_51 = arith.muli %arg0, %mul3A_50 : i32
    %add3A_52 = arith.addi %mul3A_51, %mul3A_4 : i32
    %add3A_53 = arith.constant 160 : i32
    %add3A_54 = arith.addi %add3A_52, %add3A_53 : i32
    "tpu.region"() ({
      %run_scoped3A = tpu.sem_alloc : memref<!tpu.dma_semaphore, #tpu.memory_space<semaphore_mem>>
      %dma_start3A = arith.constant 0 : i32
      %dma_start3A_90 = tpu.memref_slice %arg8[%add3A_49, %dma_start3A] : memref<10240x128xf32, #tpu.memory_space<vmem_shared>> -> memref<80x128xf32, #tpu.memory_space<vmem_shared>>
      %dma_start3A_91 = arith.constant 0 : i32
      %dma_start3A_92 = tpu.memref_slice %arg8[%add3A_49, %dma_start3A_91] : memref<10240x128xf32, #tpu.memory_space<vmem_shared>> -> memref<80x128xf32, #tpu.memory_space<vmem_shared>>
      tpu.enqueue_dma source(%dma_start3A_92 : memref<80x128xf32, #tpu.memory_space<vmem_shared>>) target(%arg6 : memref<80x128xf32, #tpu.memory_space<vmem>>) target_semaphore(%run_scoped3A : memref<!tpu.dma_semaphore, #tpu.memory_space<semaphore_mem>>)
      %dma_wait3A = arith.constant 0 : i32
      %dma_wait3A_93 = tpu.memref_slice %arg8[%add3A_49, %dma_wait3A] : memref<10240x128xf32, #tpu.memory_space<vmem_shared>> -> memref<80x128xf32, #tpu.memory_space<vmem_shared>>
      %dma_wait3A_94 = arith.constant 0 : i32
      %dma_wait3A_95 = tpu.memref_slice %arg8[%add3A_49, %dma_wait3A_94] : memref<10240x128xf32, #tpu.memory_space<vmem_shared>> -> memref<80x128xf32, #tpu.memory_space<vmem_shared>>
      tpu.wait_dma2 semaphore(%run_scoped3A : memref<!tpu.dma_semaphore, #tpu.memory_space<semaphore_mem>>) src(%dma_wait3A_95 : memref<80x128xf32, #tpu.memory_space<vmem_shared>>) dst(%arg6 : memref<80x128xf32, #tpu.memory_space<vmem>>)
      tpu.yield
    }) : () -> ()
    "tpu.region"() ({
      %run_scoped3A = tpu.sem_alloc : memref<!tpu.dma_semaphore, #tpu.memory_space<semaphore_mem>>
      %dma_start3A = arith.constant 0 : i32
      %dma_start3A_90 = tpu.memref_slice %arg4[%add3A_54, %dma_start3A] : memref<20480x128xf32, #tpu.memory_space<hbm>> -> memref<80x128xf32, #tpu.memory_space<hbm>>
      %dma_start3A_91 = arith.constant 0 : i32
      %dma_start3A_92 = tpu.memref_slice %arg4[%add3A_54, %dma_start3A_91] : memref<20480x128xf32, #tpu.memory_space<hbm>> -> memref<80x128xf32, #tpu.memory_space<hbm>>
      tpu.enqueue_dma source(%arg6 : memref<80x128xf32, #tpu.memory_space<vmem>>) target(%dma_start3A_92 : memref<80x128xf32, #tpu.memory_space<hbm>>) target_semaphore(%run_scoped3A : memref<!tpu.dma_semaphore, #tpu.memory_space<semaphore_mem>>)
      %dma_wait3A = arith.constant 0 : i32
      %dma_wait3A_93 = tpu.memref_slice %arg4[%add3A_54, %dma_wait3A] : memref<20480x128xf32, #tpu.memory_space<hbm>> -> memref<80x128xf32, #tpu.memory_space<hbm>>
      %dma_wait3A_94 = arith.constant 0 : i32
      %dma_wait3A_95 = tpu.memref_slice %arg4[%add3A_54, %dma_wait3A_94] : memref<20480x128xf32, #tpu.memory_space<hbm>> -> memref<80x128xf32, #tpu.memory_space<hbm>>
      tpu.wait_dma2 semaphore(%run_scoped3A : memref<!tpu.dma_semaphore, #tpu.memory_space<semaphore_mem>>) src(%arg6 : memref<80x128xf32, #tpu.memory_space<vmem>>) dst(%dma_wait3A_95 : memref<80x128xf32, #tpu.memory_space<hbm>>)
      tpu.yield
    }) : () -> ()
    %add3A_55 = arith.constant 240 : i32
    %add3A_56 = arith.addi %mul3A_4, %add3A_55 : i32
    %mul3A_57 = arith.constant 10240 : i32
    %mul3A_58 = arith.muli %arg0, %mul3A_57 : i32
    %add3A_59 = arith.addi %mul3A_58, %mul3A_4 : i32
    %add3A_60 = arith.constant 240 : i32
    %add3A_61 = arith.addi %add3A_59, %add3A_60 : i32
    "tpu.region"() ({
      %run_scoped3A = tpu.sem_alloc : memref<!tpu.dma_semaphore, #tpu.memory_space<semaphore_mem>>
      %dma_start3A = arith.constant 0 : i32
      %dma_start3A_90 = tpu.memref_slice %arg8[%add3A_56, %dma_start3A] : memref<10240x128xf32, #tpu.memory_space<vmem_shared>> -> memref<80x128xf32, #tpu.memory_space<vmem_shared>>
      %dma_start3A_91 = arith.constant 0 : i32
      %dma_start3A_92 = tpu.memref_slice %arg8[%add3A_56, %dma_start3A_91] : memref<10240x128xf32, #tpu.memory_space<vmem_shared>> -> memref<80x128xf32, #tpu.memory_space<vmem_shared>>
      tpu.enqueue_dma source(%dma_start3A_92 : memref<80x128xf32, #tpu.memory_space<vmem_shared>>) target(%arg6 : memref<80x128xf32, #tpu.memory_space<vmem>>) target_semaphore(%run_scoped3A : memref<!tpu.dma_semaphore, #tpu.memory_space<semaphore_mem>>)
      %dma_wait3A = arith.constant 0 : i32
      %dma_wait3A_93 = tpu.memref_slice %arg8[%add3A_56, %dma_wait3A] : memref<10240x128xf32, #tpu.memory_space<vmem_shared>> -> memref<80x128xf32, #tpu.memory_space<vmem_shared>>
      %dma_wait3A_94 = arith.constant 0 : i32
      %dma_wait3A_95 = tpu.memref_slice %arg8[%add3A_56, %dma_wait3A_94] : memref<10240x128xf32, #tpu.memory_space<vmem_shared>> -> memref<80x128xf32, #tpu.memory_space<vmem_shared>>
      tpu.wait_dma2 semaphore(%run_scoped3A : memref<!tpu.dma_semaphore, #tpu.memory_space<semaphore_mem>>) src(%dma_wait3A_95 : memref<80x128xf32, #tpu.memory_space<vmem_shared>>) dst(%arg6 : memref<80x128xf32, #tpu.memory_space<vmem>>)
      tpu.yield
    }) : () -> ()
    "tpu.region"() ({
      %run_scoped3A = tpu.sem_alloc : memref<!tpu.dma_semaphore, #tpu.memory_space<semaphore_mem>>
      %dma_start3A = arith.constant 0 : i32
      %dma_start3A_90 = tpu.memref_slice %arg4[%add3A_61, %dma_start3A] : memref<20480x128xf32, #tpu.memory_space<hbm>> -> memref<80x128xf32, #tpu.memory_space<hbm>>
      %dma_start3A_91 = arith.constant 0 : i32
      %dma_start3A_92 = tpu.memref_slice %arg4[%add3A_61, %dma_start3A_91] : memref<20480x128xf32, #tpu.memory_space<hbm>> -> memref<80x128xf32, #tpu.memory_space<hbm>>
      tpu.enqueue_dma source(%arg6 : memref<80x128xf32, #tpu.memory_space<vmem>>) target(%dma_start3A_92 : memref<80x128xf32, #tpu.memory_space<hbm>>) target_semaphore(%run_scoped3A : memref<!tpu.dma_semaphore, #tpu.memory_space<semaphore_mem>>)
      %dma_wait3A = arith.constant 0 : i32
      %dma_wait3A_93 = tpu.memref_slice %arg4[%add3A_61, %dma_wait3A] : memref<20480x128xf32, #tpu.memory_space<hbm>> -> memref<80x128xf32, #tpu.memory_space<hbm>>
      %dma_wait3A_94 = arith.constant 0 : i32
      %dma_wait3A_95 = tpu.memref_slice %arg4[%add3A_61, %dma_wait3A_94] : memref<20480x128xf32, #tpu.memory_space<hbm>> -> memref<80x128xf32, #tpu.memory_space<hbm>>
      tpu.wait_dma2 semaphore(%run_scoped3A : memref<!tpu.dma_semaphore, #tpu.memory_space<semaphore_mem>>) src(%arg6 : memref<80x128xf32, #tpu.memory_space<vmem>>) dst(%dma_wait3A_95 : memref<80x128xf32, #tpu.memory_space<hbm>>)
      tpu.yield
    }) : () -> ()
    %add3A_62 = arith.constant 320 : i32
    %add3A_63 = arith.addi %mul3A_4, %add3A_62 : i32
    %mul3A_64 = arith.constant 10240 : i32
    %mul3A_65 = arith.muli %arg0, %mul3A_64 : i32
    %add3A_66 = arith.addi %mul3A_65, %mul3A_4 : i32
    %add3A_67 = arith.constant 320 : i32
    %add3A_68 = arith.addi %add3A_66, %add3A_67 : i32
    "tpu.region"() ({
      %run_scoped3A = tpu.sem_alloc : memref<!tpu.dma_semaphore, #tpu.memory_space<semaphore_mem>>
      %dma_start3A = arith.constant 0 : i32
      %dma_start3A_90 = tpu.memref_slice %arg8[%add3A_63, %dma_start3A] : memref<10240x128xf32, #tpu.memory_space<vmem_shared>> -> memref<80x128xf32, #tpu.memory_space<vmem_shared>>
      %dma_start3A_91 = arith.constant 0 : i32
      %dma_start3A_92 = tpu.memref_slice %arg8[%add3A_63, %dma_start3A_91] : memref<10240x128xf32, #tpu.memory_space<vmem_shared>> -> memref<80x128xf32, #tpu.memory_space<vmem_shared>>
      tpu.enqueue_dma source(%dma_start3A_92 : memref<80x128xf32, #tpu.memory_space<vmem_shared>>) target(%arg6 : memref<80x128xf32, #tpu.memory_space<vmem>>) target_semaphore(%run_scoped3A : memref<!tpu.dma_semaphore, #tpu.memory_space<semaphore_mem>>)
      %dma_wait3A = arith.constant 0 : i32
      %dma_wait3A_93 = tpu.memref_slice %arg8[%add3A_63, %dma_wait3A] : memref<10240x128xf32, #tpu.memory_space<vmem_shared>> -> memref<80x128xf32, #tpu.memory_space<vmem_shared>>
      %dma_wait3A_94 = arith.constant 0 : i32
      %dma_wait3A_95 = tpu.memref_slice %arg8[%add3A_63, %dma_wait3A_94] : memref<10240x128xf32, #tpu.memory_space<vmem_shared>> -> memref<80x128xf32, #tpu.memory_space<vmem_shared>>
      tpu.wait_dma2 semaphore(%run_scoped3A : memref<!tpu.dma_semaphore, #tpu.memory_space<semaphore_mem>>) src(%dma_wait3A_95 : memref<80x128xf32, #tpu.memory_space<vmem_shared>>) dst(%arg6 : memref<80x128xf32, #tpu.memory_space<vmem>>)
      tpu.yield
    }) : () -> ()
    "tpu.region"() ({
      %run_scoped3A = tpu.sem_alloc : memref<!tpu.dma_semaphore, #tpu.memory_space<semaphore_mem>>
      %dma_start3A = arith.constant 0 : i32
      %dma_start3A_90 = tpu.memref_slice %arg4[%add3A_68, %dma_start3A] : memref<20480x128xf32, #tpu.memory_space<hbm>> -> memref<80x128xf32, #tpu.memory_space<hbm>>
      %dma_start3A_91 = arith.constant 0 : i32
      %dma_start3A_92 = tpu.memref_slice %arg4[%add3A_68, %dma_start3A_91] : memref<20480x128xf32, #tpu.memory_space<hbm>> -> memref<80x128xf32, #tpu.memory_space<hbm>>
      tpu.enqueue_dma source(%arg6 : memref<80x128xf32, #tpu.memory_space<vmem>>) target(%dma_start3A_92 : memref<80x128xf32, #tpu.memory_space<hbm>>) target_semaphore(%run_scoped3A : memref<!tpu.dma_semaphore, #tpu.memory_space<semaphore_mem>>)
      %dma_wait3A = arith.constant 0 : i32
      %dma_wait3A_93 = tpu.memref_slice %arg4[%add3A_68, %dma_wait3A] : memref<20480x128xf32, #tpu.memory_space<hbm>> -> memref<80x128xf32, #tpu.memory_space<hbm>>
      %dma_wait3A_94 = arith.constant 0 : i32
      %dma_wait3A_95 = tpu.memref_slice %arg4[%add3A_68, %dma_wait3A_94] : memref<20480x128xf32, #tpu.memory_space<hbm>> -> memref<80x128xf32, #tpu.memory_space<hbm>>
      tpu.wait_dma2 semaphore(%run_scoped3A : memref<!tpu.dma_semaphore, #tpu.memory_space<semaphore_mem>>) src(%arg6 : memref<80x128xf32, #tpu.memory_space<vmem>>) dst(%dma_wait3A_95 : memref<80x128xf32, #tpu.memory_space<hbm>>)
      tpu.yield
    }) : () -> ()
    %add3A_69 = arith.constant 400 : i32
    %add3A_70 = arith.addi %mul3A_4, %add3A_69 : i32
    %mul3A_71 = arith.constant 10240 : i32
    %mul3A_72 = arith.muli %arg0, %mul3A_71 : i32
    %add3A_73 = arith.addi %mul3A_72, %mul3A_4 : i32
    %add3A_74 = arith.constant 400 : i32
    %add3A_75 = arith.addi %add3A_73, %add3A_74 : i32
    "tpu.region"() ({
      %run_scoped3A = tpu.sem_alloc : memref<!tpu.dma_semaphore, #tpu.memory_space<semaphore_mem>>
      %dma_start3A = arith.constant 0 : i32
      %dma_start3A_90 = tpu.memref_slice %arg8[%add3A_70, %dma_start3A] : memref<10240x128xf32, #tpu.memory_space<vmem_shared>> -> memref<80x128xf32, #tpu.memory_space<vmem_shared>>
      %dma_start3A_91 = arith.constant 0 : i32
      %dma_start3A_92 = tpu.memref_slice %arg8[%add3A_70, %dma_start3A_91] : memref<10240x128xf32, #tpu.memory_space<vmem_shared>> -> memref<80x128xf32, #tpu.memory_space<vmem_shared>>
      tpu.enqueue_dma source(%dma_start3A_92 : memref<80x128xf32, #tpu.memory_space<vmem_shared>>) target(%arg6 : memref<80x128xf32, #tpu.memory_space<vmem>>) target_semaphore(%run_scoped3A : memref<!tpu.dma_semaphore, #tpu.memory_space<semaphore_mem>>)
      %dma_wait3A = arith.constant 0 : i32
      %dma_wait3A_93 = tpu.memref_slice %arg8[%add3A_70, %dma_wait3A] : memref<10240x128xf32, #tpu.memory_space<vmem_shared>> -> memref<80x128xf32, #tpu.memory_space<vmem_shared>>
      %dma_wait3A_94 = arith.constant 0 : i32
      %dma_wait3A_95 = tpu.memref_slice %arg8[%add3A_70, %dma_wait3A_94] : memref<10240x128xf32, #tpu.memory_space<vmem_shared>> -> memref<80x128xf32, #tpu.memory_space<vmem_shared>>
      tpu.wait_dma2 semaphore(%run_scoped3A : memref<!tpu.dma_semaphore, #tpu.memory_space<semaphore_mem>>) src(%dma_wait3A_95 : memref<80x128xf32, #tpu.memory_space<vmem_shared>>) dst(%arg6 : memref<80x128xf32, #tpu.memory_space<vmem>>)
      tpu.yield
    }) : () -> ()
    "tpu.region"() ({
      %run_scoped3A = tpu.sem_alloc : memref<!tpu.dma_semaphore, #tpu.memory_space<semaphore_mem>>
      %dma_start3A = arith.constant 0 : i32
      %dma_start3A_90 = tpu.memref_slice %arg4[%add3A_75, %dma_start3A] : memref<20480x128xf32, #tpu.memory_space<hbm>> -> memref<80x128xf32, #tpu.memory_space<hbm>>
      %dma_start3A_91 = arith.constant 0 : i32
      %dma_start3A_92 = tpu.memref_slice %arg4[%add3A_75, %dma_start3A_91] : memref<20480x128xf32, #tpu.memory_space<hbm>> -> memref<80x128xf32, #tpu.memory_space<hbm>>
      tpu.enqueue_dma source(%arg6 : memref<80x128xf32, #tpu.memory_space<vmem>>) target(%dma_start3A_92 : memref<80x128xf32, #tpu.memory_space<hbm>>) target_semaphore(%run_scoped3A : memref<!tpu.dma_semaphore, #tpu.memory_space<semaphore_mem>>)
      %dma_wait3A = arith.constant 0 : i32
      %dma_wait3A_93 = tpu.memref_slice %arg4[%add3A_75, %dma_wait3A] : memref<20480x128xf32, #tpu.memory_space<hbm>> -> memref<80x128xf32, #tpu.memory_space<hbm>>
      %dma_wait3A_94 = arith.constant 0 : i32
      %dma_wait3A_95 = tpu.memref_slice %arg4[%add3A_75, %dma_wait3A_94] : memref<20480x128xf32, #tpu.memory_space<hbm>> -> memref<80x128xf32, #tpu.memory_space<hbm>>
      tpu.wait_dma2 semaphore(%run_scoped3A : memref<!tpu.dma_semaphore, #tpu.memory_space<semaphore_mem>>) src(%arg6 : memref<80x128xf32, #tpu.memory_space<vmem>>) dst(%dma_wait3A_95 : memref<80x128xf32, #tpu.memory_space<hbm>>)
      tpu.yield
    }) : () -> ()
    %add3A_76 = arith.constant 480 : i32
    %add3A_77 = arith.addi %mul3A_4, %add3A_76 : i32
    %mul3A_78 = arith.constant 10240 : i32
    %mul3A_79 = arith.muli %arg0, %mul3A_78 : i32
    %add3A_80 = arith.addi %mul3A_79, %mul3A_4 : i32
    %add3A_81 = arith.constant 480 : i32
    %add3A_82 = arith.addi %add3A_80, %add3A_81 : i32
    "tpu.region"() ({
      %run_scoped3A = tpu.sem_alloc : memref<!tpu.dma_semaphore, #tpu.memory_space<semaphore_mem>>
      %dma_start3A = arith.constant 0 : i32
      %dma_start3A_90 = tpu.memref_slice %arg8[%add3A_77, %dma_start3A] : memref<10240x128xf32, #tpu.memory_space<vmem_shared>> -> memref<80x128xf32, #tpu.memory_space<vmem_shared>>
      %dma_start3A_91 = arith.constant 0 : i32
      %dma_start3A_92 = tpu.memref_slice %arg8[%add3A_77, %dma_start3A_91] : memref<10240x128xf32, #tpu.memory_space<vmem_shared>> -> memref<80x128xf32, #tpu.memory_space<vmem_shared>>
      tpu.enqueue_dma source(%dma_start3A_92 : memref<80x128xf32, #tpu.memory_space<vmem_shared>>) target(%arg6 : memref<80x128xf32, #tpu.memory_space<vmem>>) target_semaphore(%run_scoped3A : memref<!tpu.dma_semaphore, #tpu.memory_space<semaphore_mem>>)
      %dma_wait3A = arith.constant 0 : i32
      %dma_wait3A_93 = tpu.memref_slice %arg8[%add3A_77, %dma_wait3A] : memref<10240x128xf32, #tpu.memory_space<vmem_shared>> -> memref<80x128xf32, #tpu.memory_space<vmem_shared>>
      %dma_wait3A_94 = arith.constant 0 : i32
      %dma_wait3A_95 = tpu.memref_slice %arg8[%add3A_77, %dma_wait3A_94] : memref<10240x128xf32, #tpu.memory_space<vmem_shared>> -> memref<80x128xf32, #tpu.memory_space<vmem_shared>>
      tpu.wait_dma2 semaphore(%run_scoped3A : memref<!tpu.dma_semaphore, #tpu.memory_space<semaphore_mem>>) src(%dma_wait3A_95 : memref<80x128xf32, #tpu.memory_space<vmem_shared>>) dst(%arg6 : memref<80x128xf32, #tpu.memory_space<vmem>>)
      tpu.yield
    }) : () -> ()
    "tpu.region"() ({
      %run_scoped3A = tpu.sem_alloc : memref<!tpu.dma_semaphore, #tpu.memory_space<semaphore_mem>>
      %dma_start3A = arith.constant 0 : i32
      %dma_start3A_90 = tpu.memref_slice %arg4[%add3A_82, %dma_start3A] : memref<20480x128xf32, #tpu.memory_space<hbm>> -> memref<80x128xf32, #tpu.memory_space<hbm>>
      %dma_start3A_91 = arith.constant 0 : i32
      %dma_start3A_92 = tpu.memref_slice %arg4[%add3A_82, %dma_start3A_91] : memref<20480x128xf32, #tpu.memory_space<hbm>> -> memref<80x128xf32, #tpu.memory_space<hbm>>
      tpu.enqueue_dma source(%arg6 : memref<80x128xf32, #tpu.memory_space<vmem>>) target(%dma_start3A_92 : memref<80x128xf32, #tpu.memory_space<hbm>>) target_semaphore(%run_scoped3A : memref<!tpu.dma_semaphore, #tpu.memory_space<semaphore_mem>>)
      %dma_wait3A = arith.constant 0 : i32
      %dma_wait3A_93 = tpu.memref_slice %arg4[%add3A_82, %dma_wait3A] : memref<20480x128xf32, #tpu.memory_space<hbm>> -> memref<80x128xf32, #tpu.memory_space<hbm>>
      %dma_wait3A_94 = arith.constant 0 : i32
      %dma_wait3A_95 = tpu.memref_slice %arg4[%add3A_82, %dma_wait3A_94] : memref<20480x128xf32, #tpu.memory_space<hbm>> -> memref<80x128xf32, #tpu.memory_space<hbm>>
      tpu.wait_dma2 semaphore(%run_scoped3A : memref<!tpu.dma_semaphore, #tpu.memory_space<semaphore_mem>>) src(%arg6 : memref<80x128xf32, #tpu.memory_space<vmem>>) dst(%dma_wait3A_95 : memref<80x128xf32, #tpu.memory_space<hbm>>)
      tpu.yield
    }) : () -> ()
    %add3A_83 = arith.constant 560 : i32
    %add3A_84 = arith.addi %mul3A_4, %add3A_83 : i32
    %mul3A_85 = arith.constant 10240 : i32
    %mul3A_86 = arith.muli %arg0, %mul3A_85 : i32
    %add3A_87 = arith.addi %mul3A_86, %mul3A_4 : i32
    %add3A_88 = arith.constant 560 : i32
    %add3A_89 = arith.addi %add3A_87, %add3A_88 : i32
    "tpu.region"() ({
      %run_scoped3A = tpu.sem_alloc : memref<!tpu.dma_semaphore, #tpu.memory_space<semaphore_mem>>
      %dma_start3A = arith.constant 0 : i32
      %dma_start3A_90 = tpu.memref_slice %arg8[%add3A_84, %dma_start3A] : memref<10240x128xf32, #tpu.memory_space<vmem_shared>> -> memref<80x128xf32, #tpu.memory_space<vmem_shared>>
      %dma_start3A_91 = arith.constant 0 : i32
      %dma_start3A_92 = tpu.memref_slice %arg8[%add3A_84, %dma_start3A_91] : memref<10240x128xf32, #tpu.memory_space<vmem_shared>> -> memref<80x128xf32, #tpu.memory_space<vmem_shared>>
      tpu.enqueue_dma source(%dma_start3A_92 : memref<80x128xf32, #tpu.memory_space<vmem_shared>>) target(%arg6 : memref<80x128xf32, #tpu.memory_space<vmem>>) target_semaphore(%run_scoped3A : memref<!tpu.dma_semaphore, #tpu.memory_space<semaphore_mem>>)
      %dma_wait3A = arith.constant 0 : i32
      %dma_wait3A_93 = tpu.memref_slice %arg8[%add3A_84, %dma_wait3A] : memref<10240x128xf32, #tpu.memory_space<vmem_shared>> -> memref<80x128xf32, #tpu.memory_space<vmem_shared>>
      %dma_wait3A_94 = arith.constant 0 : i32
      %dma_wait3A_95 = tpu.memref_slice %arg8[%add3A_84, %dma_wait3A_94] : memref<10240x128xf32, #tpu.memory_space<vmem_shared>> -> memref<80x128xf32, #tpu.memory_space<vmem_shared>>
      tpu.wait_dma2 semaphore(%run_scoped3A : memref<!tpu.dma_semaphore, #tpu.memory_space<semaphore_mem>>) src(%dma_wait3A_95 : memref<80x128xf32, #tpu.memory_space<vmem_shared>>) dst(%arg6 : memref<80x128xf32, #tpu.memory_space<vmem>>)
      tpu.yield
    }) : () -> ()
    "tpu.region"() ({
      %run_scoped3A = tpu.sem_alloc : memref<!tpu.dma_semaphore, #tpu.memory_space<semaphore_mem>>
      %dma_start3A = arith.constant 0 : i32
      %dma_start3A_90 = tpu.memref_slice %arg4[%add3A_89, %dma_start3A] : memref<20480x128xf32, #tpu.memory_space<hbm>> -> memref<80x128xf32, #tpu.memory_space<hbm>>
      %dma_start3A_91 = arith.constant 0 : i32
      %dma_start3A_92 = tpu.memref_slice %arg4[%add3A_89, %dma_start3A_91] : memref<20480x128xf32, #tpu.memory_space<hbm>> -> memref<80x128xf32, #tpu.memory_space<hbm>>
      tpu.enqueue_dma source(%arg6 : memref<80x128xf32, #tpu.memory_space<vmem>>) target(%dma_start3A_92 : memref<80x128xf32, #tpu.memory_space<hbm>>) target_semaphore(%run_scoped3A : memref<!tpu.dma_semaphore, #tpu.memory_space<semaphore_mem>>)
      %dma_wait3A = arith.constant 0 : i32
      %dma_wait3A_93 = tpu.memref_slice %arg4[%add3A_89, %dma_wait3A] : memref<20480x128xf32, #tpu.memory_space<hbm>> -> memref<80x128xf32, #tpu.memory_space<hbm>>
      %dma_wait3A_94 = arith.constant 0 : i32
      %dma_wait3A_95 = tpu.memref_slice %arg4[%add3A_89, %dma_wait3A_94] : memref<20480x128xf32, #tpu.memory_space<hbm>> -> memref<80x128xf32, #tpu.memory_space<hbm>>
      tpu.wait_dma2 semaphore(%run_scoped3A : memref<!tpu.dma_semaphore, #tpu.memory_space<semaphore_mem>>) src(%arg6 : memref<80x128xf32, #tpu.memory_space<vmem>>) dst(%dma_wait3A_95 : memref<80x128xf32, #tpu.memory_space<hbm>>)
      tpu.yield
    }) : () -> ()
    return
  }
}

#map = affine_map<(d0, d1) -> (0, 0)>
#map1 = affine_map<(d0, d1) -> (0)>
module attributes {stable_mosaic.version = 14 : i64} {
  func.func @_stage1(%arg0: i32, %arg1: i32, %arg2: memref<10000x128xf32, #tpu.memory_space<hbm>>, %arg3: memref<10000x128xf32, #tpu.memory_space<hbm>>, %arg4: memref<10000xf32, #tpu.memory_space<hbm>>, %arg5: memref<10000xf32, #tpu.memory_space<hbm>>, %arg6: memref<10000xf32, #tpu.memory_space<hbm>>, %arg7: memref<320000xi32, #tpu.memory_space<hbm>>, %arg8: memref<320000xi32, #tpu.memory_space<hbm>>, %arg9: memref<320000x128xf32, #tpu.memory_space<hbm>>, %arg10: memref<320000x128xf32, #tpu.memory_space<hbm>>, %arg11: memref<320000xf32, #tpu.memory_space<hbm>>, %arg12: memref<320000xf32, #tpu.memory_space<hbm>>, %arg13: memref<320000xf32, #tpu.memory_space<hbm>>, %arg14: memref<320000xf32, #tpu.memory_space<hbm>>, %arg15: memref<80xi32, #tpu.memory_space<vmem>>, %arg16: memref<80xi32, #tpu.memory_space<vmem>>, %arg17: memref<80x128xf32, #tpu.memory_space<vmem>>, %arg18: memref<80x128xf32, #tpu.memory_space<vmem>>, %arg19: memref<80xf32, #tpu.memory_space<vmem>>, %arg20: memref<80xf32, #tpu.memory_space<vmem>>, %arg21: memref<80xf32, #tpu.memory_space<vmem>>, %arg22: memref<80xf32, #tpu.memory_space<vmem>>, %arg23: memref<80xf32, #tpu.memory_space<vmem>>, %arg24: memref<80xf32, #tpu.memory_space<vmem>>, %arg25: memref<80xf32, #tpu.memory_space<vmem>>, %arg26: memref<!tpu.dma_semaphore, #tpu.memory_space<semaphore_mem>>, %arg27: memref<!tpu.dma_semaphore, #tpu.memory_space<semaphore_mem>>, %arg28: memref<!tpu.dma_semaphore, #tpu.memory_space<semaphore_mem>>, %arg29: memref<!tpu.dma_semaphore, #tpu.memory_space<semaphore_mem>>) attributes {dimension_semantics = [#tpu.dimension_semantics<core_parallel>, #tpu.dimension_semantics<subcore_parallel>], iteration_bounds = array<i64: 2, 16>, scalar_prefetch = 0 : i64, scratch_operands = 15 : i64, tpu.core_type = #tpu.core_type<sc_vector_subcore>, window_params = [{transform_indices = #map}, {transform_indices = #map}, {transform_indices = #map1}, {transform_indices = #map1}, {transform_indices = #map1}, {transform_indices = #map1}, {transform_indices = #map1}, {transform_indices = #map}, {transform_indices = #map}, {transform_indices = #map1}, {transform_indices = #map1}, {transform_indices = #map1}, {transform_indices = #map1}]} {
    %mul3A = arith.constant 2 : i32
    %mul3A_0 = arith.muli %arg1, %mul3A : i32
    %add3A = arith.addi %mul3A_0, %arg0 : i32
    %mul3A_1 = arith.constant 10000 : i32
    %mul3A_2 = arith.muli %add3A, %mul3A_1 : i32
    %scan3A = arith.constant 0 : i32
    %scan3A_3 = arith.constant 0 : i32
    %scan3A_4 = arith.constant 125 : i32
    %scan3A_5 = arith.addi %scan3A_3, %scan3A_4 : i32
    %scan3A_6 = arith.constant 1 : i32
    scf.for %scan3A_8 = %scan3A_3 to %scan3A_5 step %scan3A_6  : i32 {
      %mul3A_9 = arith.constant 80 : i32
      %mul3A_10 = arith.muli %scan3A_8, %mul3A_9 : i32
      %add3A_11 = arith.addi %mul3A_2, %mul3A_10 : i32
      "tpu.region"() ({
        %run_scoped3A = tpu.sem_alloc : memref<!tpu.dma_semaphore, #tpu.memory_space<semaphore_mem>>
        %dma_start3A_270 = tpu.memref_slice %arg7[%add3A_11] : memref<320000xi32, #tpu.memory_space<hbm>> -> memref<80xi32, #tpu.memory_space<hbm>>
        %dma_start3A_271 = tpu.memref_slice %arg7[%add3A_11] : memref<320000xi32, #tpu.memory_space<hbm>> -> memref<80xi32, #tpu.memory_space<hbm>>
        tpu.enqueue_dma source(%dma_start3A_271 : memref<80xi32, #tpu.memory_space<hbm>>) target(%arg15 : memref<80xi32, #tpu.memory_space<vmem>>) target_semaphore(%run_scoped3A : memref<!tpu.dma_semaphore, #tpu.memory_space<semaphore_mem>>)
        %dma_wait3A_272 = tpu.memref_slice %arg7[%add3A_11] : memref<320000xi32, #tpu.memory_space<hbm>> -> memref<80xi32, #tpu.memory_space<hbm>>
        %dma_wait3A_273 = tpu.memref_slice %arg7[%add3A_11] : memref<320000xi32, #tpu.memory_space<hbm>> -> memref<80xi32, #tpu.memory_space<hbm>>
        tpu.wait_dma2 semaphore(%run_scoped3A : memref<!tpu.dma_semaphore, #tpu.memory_space<semaphore_mem>>) src(%dma_wait3A_273 : memref<80xi32, #tpu.memory_space<hbm>>) dst(%arg15 : memref<80xi32, #tpu.memory_space<vmem>>)
        tpu.yield
      }) : () -> ()
      "tpu.region"() ({
        %run_scoped3A = tpu.sem_alloc : memref<!tpu.dma_semaphore, #tpu.memory_space<semaphore_mem>>
        %dma_start3A_270 = tpu.memref_slice %arg8[%add3A_11] : memref<320000xi32, #tpu.memory_space<hbm>> -> memref<80xi32, #tpu.memory_space<hbm>>
        %dma_start3A_271 = tpu.memref_slice %arg8[%add3A_11] : memref<320000xi32, #tpu.memory_space<hbm>> -> memref<80xi32, #tpu.memory_space<hbm>>
        tpu.enqueue_dma source(%dma_start3A_271 : memref<80xi32, #tpu.memory_space<hbm>>) target(%arg16 : memref<80xi32, #tpu.memory_space<vmem>>) target_semaphore(%run_scoped3A : memref<!tpu.dma_semaphore, #tpu.memory_space<semaphore_mem>>)
        %dma_wait3A_272 = tpu.memref_slice %arg8[%add3A_11] : memref<320000xi32, #tpu.memory_space<hbm>> -> memref<80xi32, #tpu.memory_space<hbm>>
        %dma_wait3A_273 = tpu.memref_slice %arg8[%add3A_11] : memref<320000xi32, #tpu.memory_space<hbm>> -> memref<80xi32, #tpu.memory_space<hbm>>
        tpu.wait_dma2 semaphore(%run_scoped3A : memref<!tpu.dma_semaphore, #tpu.memory_space<semaphore_mem>>) src(%dma_wait3A_273 : memref<80xi32, #tpu.memory_space<hbm>>) dst(%arg16 : memref<80xi32, #tpu.memory_space<vmem>>)
        tpu.yield
      }) : () -> ()
      %dma_start3A = arith.constant 0 : i32
      %dma_start3A_12 = arith.constant 0 : i32
      %dma_start3A_13 = tpu.memref_slice %arg2[%dma_start3A, %dma_start3A_12] : memref<10000x128xf32, #tpu.memory_space<hbm>> -> memref<10000x128xf32, #tpu.memory_space<hbm>>
      tpu.enqueue_indirect_dma source(%dma_start3A_13 : memref<10000x128xf32, #tpu.memory_space<hbm>>) target(%arg17 : memref<80x128xf32, #tpu.memory_space<vmem>>) offsets(%arg15 : memref<80xi32, #tpu.memory_space<vmem>>) semaphore(%arg26 : memref<!tpu.dma_semaphore, #tpu.memory_space<semaphore_mem>>)
      %dma_start3A_14 = arith.constant 0 : i32
      %dma_start3A_15 = arith.constant 0 : i32
      %dma_start3A_16 = tpu.memref_slice %arg3[%dma_start3A_14, %dma_start3A_15] : memref<10000x128xf32, #tpu.memory_space<hbm>> -> memref<10000x128xf32, #tpu.memory_space<hbm>>
      tpu.enqueue_indirect_dma source(%dma_start3A_16 : memref<10000x128xf32, #tpu.memory_space<hbm>>) target(%arg18 : memref<80x128xf32, #tpu.memory_space<vmem>>) offsets(%arg16 : memref<80xi32, #tpu.memory_space<vmem>>) semaphore(%arg27 : memref<!tpu.dma_semaphore, #tpu.memory_space<semaphore_mem>>)
      %dma_start3A_17 = arith.constant 0 : i32
      %dma_start3A_18 = tpu.memref_slice %arg4[%dma_start3A_17] : memref<10000xf32, #tpu.memory_space<hbm>> -> memref<10000xf32, #tpu.memory_space<hbm>>
      tpu.enqueue_indirect_dma source(%dma_start3A_18 : memref<10000xf32, #tpu.memory_space<hbm>>) target(%arg19 : memref<80xf32, #tpu.memory_space<vmem>>) offsets(%arg15 : memref<80xi32, #tpu.memory_space<vmem>>) semaphore(%arg28 : memref<!tpu.dma_semaphore, #tpu.memory_space<semaphore_mem>>)
      %dma_start3A_19 = arith.constant 0 : i32
      %dma_start3A_20 = tpu.memref_slice %arg5[%dma_start3A_19] : memref<10000xf32, #tpu.memory_space<hbm>> -> memref<10000xf32, #tpu.memory_space<hbm>>
      tpu.enqueue_indirect_dma source(%dma_start3A_20 : memref<10000xf32, #tpu.memory_space<hbm>>) target(%arg20 : memref<80xf32, #tpu.memory_space<vmem>>) offsets(%arg15 : memref<80xi32, #tpu.memory_space<vmem>>) semaphore(%arg28 : memref<!tpu.dma_semaphore, #tpu.memory_space<semaphore_mem>>)
      %dma_start3A_21 = arith.constant 0 : i32
      %dma_start3A_22 = tpu.memref_slice %arg6[%dma_start3A_21] : memref<10000xf32, #tpu.memory_space<hbm>> -> memref<10000xf32, #tpu.memory_space<hbm>>
      tpu.enqueue_indirect_dma source(%dma_start3A_22 : memref<10000xf32, #tpu.memory_space<hbm>>) target(%arg21 : memref<80xf32, #tpu.memory_space<vmem>>) offsets(%arg15 : memref<80xi32, #tpu.memory_space<vmem>>) semaphore(%arg28 : memref<!tpu.dma_semaphore, #tpu.memory_space<semaphore_mem>>)
      %dma_start3A_23 = arith.constant 0 : i32
      %dma_start3A_24 = tpu.memref_slice %arg4[%dma_start3A_23] : memref<10000xf32, #tpu.memory_space<hbm>> -> memref<10000xf32, #tpu.memory_space<hbm>>
      tpu.enqueue_indirect_dma source(%dma_start3A_24 : memref<10000xf32, #tpu.memory_space<hbm>>) target(%arg22 : memref<80xf32, #tpu.memory_space<vmem>>) offsets(%arg16 : memref<80xi32, #tpu.memory_space<vmem>>) semaphore(%arg29 : memref<!tpu.dma_semaphore, #tpu.memory_space<semaphore_mem>>)
      %dma_start3A_25 = arith.constant 0 : i32
      %dma_start3A_26 = tpu.memref_slice %arg5[%dma_start3A_25] : memref<10000xf32, #tpu.memory_space<hbm>> -> memref<10000xf32, #tpu.memory_space<hbm>>
      tpu.enqueue_indirect_dma source(%dma_start3A_26 : memref<10000xf32, #tpu.memory_space<hbm>>) target(%arg23 : memref<80xf32, #tpu.memory_space<vmem>>) offsets(%arg16 : memref<80xi32, #tpu.memory_space<vmem>>) semaphore(%arg29 : memref<!tpu.dma_semaphore, #tpu.memory_space<semaphore_mem>>)
      %dma_start3A_27 = arith.constant 0 : i32
      %dma_start3A_28 = tpu.memref_slice %arg6[%dma_start3A_27] : memref<10000xf32, #tpu.memory_space<hbm>> -> memref<10000xf32, #tpu.memory_space<hbm>>
      tpu.enqueue_indirect_dma source(%dma_start3A_28 : memref<10000xf32, #tpu.memory_space<hbm>>) target(%arg24 : memref<80xf32, #tpu.memory_space<vmem>>) offsets(%arg16 : memref<80xi32, #tpu.memory_space<vmem>>) semaphore(%arg29 : memref<!tpu.dma_semaphore, #tpu.memory_space<semaphore_mem>>)
      %dma_wait3A = arith.constant 0 : i32
      %dma_wait3A_29 = tpu.memref_slice %arg4[%dma_wait3A] : memref<10000xf32, #tpu.memory_space<hbm>> -> memref<10000xf32, #tpu.memory_space<hbm>>
      tpu.wait_indirect_dma semaphore(%arg28 : memref<!tpu.dma_semaphore, #tpu.memory_space<semaphore_mem>>) src(%dma_wait3A_29 : memref<10000xf32, #tpu.memory_space<hbm>>) dst(%arg19 : memref<80xf32, #tpu.memory_space<vmem>>)
      %dma_wait3A_30 = arith.constant 0 : i32
      %dma_wait3A_31 = tpu.memref_slice %arg5[%dma_wait3A_30] : memref<10000xf32, #tpu.memory_space<hbm>> -> memref<10000xf32, #tpu.memory_space<hbm>>
      tpu.wait_indirect_dma semaphore(%arg28 : memref<!tpu.dma_semaphore, #tpu.memory_space<semaphore_mem>>) src(%dma_wait3A_31 : memref<10000xf32, #tpu.memory_space<hbm>>) dst(%arg20 : memref<80xf32, #tpu.memory_space<vmem>>)
      %dma_wait3A_32 = arith.constant 0 : i32
      %dma_wait3A_33 = tpu.memref_slice %arg6[%dma_wait3A_32] : memref<10000xf32, #tpu.memory_space<hbm>> -> memref<10000xf32, #tpu.memory_space<hbm>>
      tpu.wait_indirect_dma semaphore(%arg28 : memref<!tpu.dma_semaphore, #tpu.memory_space<semaphore_mem>>) src(%dma_wait3A_33 : memref<10000xf32, #tpu.memory_space<hbm>>) dst(%arg21 : memref<80xf32, #tpu.memory_space<vmem>>)
      %dma_wait3A_34 = arith.constant 0 : i32
      %dma_wait3A_35 = tpu.memref_slice %arg4[%dma_wait3A_34] : memref<10000xf32, #tpu.memory_space<hbm>> -> memref<10000xf32, #tpu.memory_space<hbm>>
      tpu.wait_indirect_dma semaphore(%arg29 : memref<!tpu.dma_semaphore, #tpu.memory_space<semaphore_mem>>) src(%dma_wait3A_35 : memref<10000xf32, #tpu.memory_space<hbm>>) dst(%arg22 : memref<80xf32, #tpu.memory_space<vmem>>)
      %dma_wait3A_36 = arith.constant 0 : i32
      %dma_wait3A_37 = tpu.memref_slice %arg5[%dma_wait3A_36] : memref<10000xf32, #tpu.memory_space<hbm>> -> memref<10000xf32, #tpu.memory_space<hbm>>
      tpu.wait_indirect_dma semaphore(%arg29 : memref<!tpu.dma_semaphore, #tpu.memory_space<semaphore_mem>>) src(%dma_wait3A_37 : memref<10000xf32, #tpu.memory_space<hbm>>) dst(%arg23 : memref<80xf32, #tpu.memory_space<vmem>>)
      %dma_wait3A_38 = arith.constant 0 : i32
      %dma_wait3A_39 = tpu.memref_slice %arg6[%dma_wait3A_38] : memref<10000xf32, #tpu.memory_space<hbm>> -> memref<10000xf32, #tpu.memory_space<hbm>>
      tpu.wait_indirect_dma semaphore(%arg29 : memref<!tpu.dma_semaphore, #tpu.memory_space<semaphore_mem>>) src(%dma_wait3A_39 : memref<10000xf32, #tpu.memory_space<hbm>>) dst(%arg24 : memref<80xf32, #tpu.memory_space<vmem>>)
      %scan3A_40 = arith.constant 0 : i32
      %scan3A_41 = arith.constant 0 : i32
      %mul3A_42 = arith.constant 16 : i32
      %mul3A_43 = arith.muli %scan3A_41, %mul3A_42 : i32
      %get3A = arith.index_cast %mul3A_43 : i32 to index
      %get3A_44 = tpu.vector_load %arg19[%get3A] {strides = array<i32>} : memref<80xf32, #tpu.memory_space<vmem>>, vector<16xf32>,
      %get3A_45 = vector.shape_cast %get3A_44 : vector<16xf32> to vector<16xf32>
      %get3A_46 = arith.index_cast %mul3A_43 : i32 to index
      %get3A_47 = tpu.vector_load %arg22[%get3A_46] {strides = array<i32>} : memref<80xf32, #tpu.memory_space<vmem>>, vector<16xf32>,
      %get3A_48 = vector.shape_cast %get3A_47 : vector<16xf32> to vector<16xf32>
      %sub3A = arith.subf %get3A_45, %get3A_48 : vector<16xf32>
      %get3A_49 = arith.index_cast %mul3A_43 : i32 to index
      %get3A_50 = tpu.vector_load %arg20[%get3A_49] {strides = array<i32>} : memref<80xf32, #tpu.memory_space<vmem>>, vector<16xf32>,
      %get3A_51 = vector.shape_cast %get3A_50 : vector<16xf32> to vector<16xf32>
      %get3A_52 = arith.index_cast %mul3A_43 : i32 to index
      %get3A_53 = tpu.vector_load %arg23[%get3A_52] {strides = array<i32>} : memref<80xf32, #tpu.memory_space<vmem>>, vector<16xf32>,
      %get3A_54 = vector.shape_cast %get3A_53 : vector<16xf32> to vector<16xf32>
      %sub3A_55 = arith.subf %get3A_51, %get3A_54 : vector<16xf32>
      %get3A_56 = arith.index_cast %mul3A_43 : i32 to index
      %get3A_57 = tpu.vector_load %arg21[%get3A_56] {strides = array<i32>} : memref<80xf32, #tpu.memory_space<vmem>>, vector<16xf32>,
      %get3A_58 = vector.shape_cast %get3A_57 : vector<16xf32> to vector<16xf32>
      %get3A_59 = arith.index_cast %mul3A_43 : i32 to index
      %get3A_60 = tpu.vector_load %arg24[%get3A_59] {strides = array<i32>} : memref<80xf32, #tpu.memory_space<vmem>>, vector<16xf32>,
      %get3A_61 = vector.shape_cast %get3A_60 : vector<16xf32> to vector<16xf32>
      %sub3A_62 = arith.subf %get3A_58, %get3A_61 : vector<16xf32>
      %swap3A = arith.index_cast %mul3A_43 : i32 to index
      %swap3A_63 = tpu.vector_load %arg19[%swap3A] {strides = array<i32>} : memref<80xf32, #tpu.memory_space<vmem>>, vector<16xf32>,
      %swap3A_64 = vector.shape_cast %swap3A_63 : vector<16xf32> to vector<16xf32>
      %swap3A_65 = vector.shape_cast %sub3A : vector<16xf32> to vector<16xf32>
      tpu.vector_store %arg19[%swap3A], %swap3A_65 {strides = array<i32>} : memref<80xf32, #tpu.memory_space<vmem>>, vector<16xf32>,
      %swap3A_66 = arith.index_cast %mul3A_43 : i32 to index
      %swap3A_67 = tpu.vector_load %arg20[%swap3A_66] {strides = array<i32>} : memref<80xf32, #tpu.memory_space<vmem>>, vector<16xf32>,
      %swap3A_68 = vector.shape_cast %swap3A_67 : vector<16xf32> to vector<16xf32>
      %swap3A_69 = vector.shape_cast %sub3A_55 : vector<16xf32> to vector<16xf32>
      tpu.vector_store %arg20[%swap3A_66], %swap3A_69 {strides = array<i32>} : memref<80xf32, #tpu.memory_space<vmem>>, vector<16xf32>,
      %swap3A_70 = arith.index_cast %mul3A_43 : i32 to index
      %swap3A_71 = tpu.vector_load %arg21[%swap3A_70] {strides = array<i32>} : memref<80xf32, #tpu.memory_space<vmem>>, vector<16xf32>,
      %swap3A_72 = vector.shape_cast %swap3A_71 : vector<16xf32> to vector<16xf32>
      %swap3A_73 = vector.shape_cast %sub3A_62 : vector<16xf32> to vector<16xf32>
      tpu.vector_store %arg21[%swap3A_70], %swap3A_73 {strides = array<i32>} : memref<80xf32, #tpu.memory_space<vmem>>, vector<16xf32>,
      %mul3A_74 = arith.mulf %sub3A, %sub3A : vector<16xf32>
      %mul3A_75 = arith.mulf %sub3A_55, %sub3A_55 : vector<16xf32>
      %add3A_76 = arith.addf %mul3A_74, %mul3A_75 : vector<16xf32>
      %mul3A_77 = arith.mulf %sub3A_62, %sub3A_62 : vector<16xf32>
      %add3A_78 = arith.addf %add3A_76, %mul3A_77 : vector<16xf32>
      %swap3A_79 = arith.index_cast %mul3A_43 : i32 to index
      %swap3A_80 = tpu.vector_load %arg25[%swap3A_79] {strides = array<i32>} : memref<80xf32, #tpu.memory_space<vmem>>, vector<16xf32>,
      %swap3A_81 = vector.shape_cast %swap3A_80 : vector<16xf32> to vector<16xf32>
      %swap3A_82 = vector.shape_cast %add3A_78 : vector<16xf32> to vector<16xf32>
      tpu.vector_store %arg25[%swap3A_79], %swap3A_82 {strides = array<i32>} : memref<80xf32, #tpu.memory_space<vmem>>, vector<16xf32>,
      %scan3A_83 = arith.constant 1 : i32
      %mul3A_84 = arith.constant 16 : i32
      %mul3A_85 = arith.muli %scan3A_83, %mul3A_84 : i32
      %get3A_86 = arith.index_cast %mul3A_85 : i32 to index
      %get3A_87 = tpu.vector_load %arg19[%get3A_86] {strides = array<i32>} : memref<80xf32, #tpu.memory_space<vmem>>, vector<16xf32>,
      %get3A_88 = vector.shape_cast %get3A_87 : vector<16xf32> to vector<16xf32>
      %get3A_89 = arith.index_cast %mul3A_85 : i32 to index
      %get3A_90 = tpu.vector_load %arg22[%get3A_89] {strides = array<i32>} : memref<80xf32, #tpu.memory_space<vmem>>, vector<16xf32>,
      %get3A_91 = vector.shape_cast %get3A_90 : vector<16xf32> to vector<16xf32>
      %sub3A_92 = arith.subf %get3A_88, %get3A_91 : vector<16xf32>
      %get3A_93 = arith.index_cast %mul3A_85 : i32 to index
      %get3A_94 = tpu.vector_load %arg20[%get3A_93] {strides = array<i32>} : memref<80xf32, #tpu.memory_space<vmem>>, vector<16xf32>,
      %get3A_95 = vector.shape_cast %get3A_94 : vector<16xf32> to vector<16xf32>
      %get3A_96 = arith.index_cast %mul3A_85 : i32 to index
      %get3A_97 = tpu.vector_load %arg23[%get3A_96] {strides = array<i32>} : memref<80xf32, #tpu.memory_space<vmem>>, vector<16xf32>,
      %get3A_98 = vector.shape_cast %get3A_97 : vector<16xf32> to vector<16xf32>
      %sub3A_99 = arith.subf %get3A_95, %get3A_98 : vector<16xf32>
      %get3A_100 = arith.index_cast %mul3A_85 : i32 to index
      %get3A_101 = tpu.vector_load %arg21[%get3A_100] {strides = array<i32>} : memref<80xf32, #tpu.memory_space<vmem>>, vector<16xf32>,
      %get3A_102 = vector.shape_cast %get3A_101 : vector<16xf32> to vector<16xf32>
      %get3A_103 = arith.index_cast %mul3A_85 : i32 to index
      %get3A_104 = tpu.vector_load %arg24[%get3A_103] {strides = array<i32>} : memref<80xf32, #tpu.memory_space<vmem>>, vector<16xf32>,
      %get3A_105 = vector.shape_cast %get3A_104 : vector<16xf32> to vector<16xf32>
      %sub3A_106 = arith.subf %get3A_102, %get3A_105 : vector<16xf32>
      %swap3A_107 = arith.index_cast %mul3A_85 : i32 to index
      %swap3A_108 = tpu.vector_load %arg19[%swap3A_107] {strides = array<i32>} : memref<80xf32, #tpu.memory_space<vmem>>, vector<16xf32>,
      %swap3A_109 = vector.shape_cast %swap3A_108 : vector<16xf32> to vector<16xf32>
      %swap3A_110 = vector.shape_cast %sub3A_92 : vector<16xf32> to vector<16xf32>
      tpu.vector_store %arg19[%swap3A_107], %swap3A_110 {strides = array<i32>} : memref<80xf32, #tpu.memory_space<vmem>>, vector<16xf32>,
      %swap3A_111 = arith.index_cast %mul3A_85 : i32 to index
      %swap3A_112 = tpu.vector_load %arg20[%swap3A_111] {strides = array<i32>} : memref<80xf32, #tpu.memory_space<vmem>>, vector<16xf32>,
      %swap3A_113 = vector.shape_cast %swap3A_112 : vector<16xf32> to vector<16xf32>
      %swap3A_114 = vector.shape_cast %sub3A_99 : vector<16xf32> to vector<16xf32>
      tpu.vector_store %arg20[%swap3A_111], %swap3A_114 {strides = array<i32>} : memref<80xf32, #tpu.memory_space<vmem>>, vector<16xf32>,
      %swap3A_115 = arith.index_cast %mul3A_85 : i32 to index
      %swap3A_116 = tpu.vector_load %arg21[%swap3A_115] {strides = array<i32>} : memref<80xf32, #tpu.memory_space<vmem>>, vector<16xf32>,
      %swap3A_117 = vector.shape_cast %swap3A_116 : vector<16xf32> to vector<16xf32>
      %swap3A_118 = vector.shape_cast %sub3A_106 : vector<16xf32> to vector<16xf32>
      tpu.vector_store %arg21[%swap3A_115], %swap3A_118 {strides = array<i32>} : memref<80xf32, #tpu.memory_space<vmem>>, vector<16xf32>,
      %mul3A_119 = arith.mulf %sub3A_92, %sub3A_92 : vector<16xf32>
      %mul3A_120 = arith.mulf %sub3A_99, %sub3A_99 : vector<16xf32>
      %add3A_121 = arith.addf %mul3A_119, %mul3A_120 : vector<16xf32>
      %mul3A_122 = arith.mulf %sub3A_106, %sub3A_106 : vector<16xf32>
      %add3A_123 = arith.addf %add3A_121, %mul3A_122 : vector<16xf32>
      %swap3A_124 = arith.index_cast %mul3A_85 : i32 to index
      %swap3A_125 = tpu.vector_load %arg25[%swap3A_124] {strides = array<i32>} : memref<80xf32, #tpu.memory_space<vmem>>, vector<16xf32>,
      %swap3A_126 = vector.shape_cast %swap3A_125 : vector<16xf32> to vector<16xf32>
      %swap3A_127 = vector.shape_cast %add3A_123 : vector<16xf32> to vector<16xf32>
      tpu.vector_store %arg25[%swap3A_124], %swap3A_127 {strides = array<i32>} : memref<80xf32, #tpu.memory_space<vmem>>, vector<16xf32>,
      %scan3A_128 = arith.constant 2 : i32
      %mul3A_129 = arith.constant 16 : i32
      %mul3A_130 = arith.muli %scan3A_128, %mul3A_129 : i32
      %get3A_131 = arith.index_cast %mul3A_130 : i32 to index
      %get3A_132 = tpu.vector_load %arg19[%get3A_131] {strides = array<i32>} : memref<80xf32, #tpu.memory_space<vmem>>, vector<16xf32>,
      %get3A_133 = vector.shape_cast %get3A_132 : vector<16xf32> to vector<16xf32>
      %get3A_134 = arith.index_cast %mul3A_130 : i32 to index
      %get3A_135 = tpu.vector_load %arg22[%get3A_134] {strides = array<i32>} : memref<80xf32, #tpu.memory_space<vmem>>, vector<16xf32>,
      %get3A_136 = vector.shape_cast %get3A_135 : vector<16xf32> to vector<16xf32>
      %sub3A_137 = arith.subf %get3A_133, %get3A_136 : vector<16xf32>
      %get3A_138 = arith.index_cast %mul3A_130 : i32 to index
      %get3A_139 = tpu.vector_load %arg20[%get3A_138] {strides = array<i32>} : memref<80xf32, #tpu.memory_space<vmem>>, vector<16xf32>,
      %get3A_140 = vector.shape_cast %get3A_139 : vector<16xf32> to vector<16xf32>
      %get3A_141 = arith.index_cast %mul3A_130 : i32 to index
      %get3A_142 = tpu.vector_load %arg23[%get3A_141] {strides = array<i32>} : memref<80xf32, #tpu.memory_space<vmem>>, vector<16xf32>,
      %get3A_143 = vector.shape_cast %get3A_142 : vector<16xf32> to vector<16xf32>
      %sub3A_144 = arith.subf %get3A_140, %get3A_143 : vector<16xf32>
      %get3A_145 = arith.index_cast %mul3A_130 : i32 to index
      %get3A_146 = tpu.vector_load %arg21[%get3A_145] {strides = array<i32>} : memref<80xf32, #tpu.memory_space<vmem>>, vector<16xf32>,
      %get3A_147 = vector.shape_cast %get3A_146 : vector<16xf32> to vector<16xf32>
      %get3A_148 = arith.index_cast %mul3A_130 : i32 to index
      %get3A_149 = tpu.vector_load %arg24[%get3A_148] {strides = array<i32>} : memref<80xf32, #tpu.memory_space<vmem>>, vector<16xf32>,
      %get3A_150 = vector.shape_cast %get3A_149 : vector<16xf32> to vector<16xf32>
      %sub3A_151 = arith.subf %get3A_147, %get3A_150 : vector<16xf32>
      %swap3A_152 = arith.index_cast %mul3A_130 : i32 to index
      %swap3A_153 = tpu.vector_load %arg19[%swap3A_152] {strides = array<i32>} : memref<80xf32, #tpu.memory_space<vmem>>, vector<16xf32>,
      %swap3A_154 = vector.shape_cast %swap3A_153 : vector<16xf32> to vector<16xf32>
      %swap3A_155 = vector.shape_cast %sub3A_137 : vector<16xf32> to vector<16xf32>
      tpu.vector_store %arg19[%swap3A_152], %swap3A_155 {strides = array<i32>} : memref<80xf32, #tpu.memory_space<vmem>>, vector<16xf32>,
      %swap3A_156 = arith.index_cast %mul3A_130 : i32 to index
      %swap3A_157 = tpu.vector_load %arg20[%swap3A_156] {strides = array<i32>} : memref<80xf32, #tpu.memory_space<vmem>>, vector<16xf32>,
      %swap3A_158 = vector.shape_cast %swap3A_157 : vector<16xf32> to vector<16xf32>
      %swap3A_159 = vector.shape_cast %sub3A_144 : vector<16xf32> to vector<16xf32>
      tpu.vector_store %arg20[%swap3A_156], %swap3A_159 {strides = array<i32>} : memref<80xf32, #tpu.memory_space<vmem>>, vector<16xf32>,
      %swap3A_160 = arith.index_cast %mul3A_130 : i32 to index
      %swap3A_161 = tpu.vector_load %arg21[%swap3A_160] {strides = array<i32>} : memref<80xf32, #tpu.memory_space<vmem>>, vector<16xf32>,
      %swap3A_162 = vector.shape_cast %swap3A_161 : vector<16xf32> to vector<16xf32>
      %swap3A_163 = vector.shape_cast %sub3A_151 : vector<16xf32> to vector<16xf32>
      tpu.vector_store %arg21[%swap3A_160], %swap3A_163 {strides = array<i32>} : memref<80xf32, #tpu.memory_space<vmem>>, vector<16xf32>,
      %mul3A_164 = arith.mulf %sub3A_137, %sub3A_137 : vector<16xf32>
      %mul3A_165 = arith.mulf %sub3A_144, %sub3A_144 : vector<16xf32>
      %add3A_166 = arith.addf %mul3A_164, %mul3A_165 : vector<16xf32>
      %mul3A_167 = arith.mulf %sub3A_151, %sub3A_151 : vector<16xf32>
      %add3A_168 = arith.addf %add3A_166, %mul3A_167 : vector<16xf32>
      %swap3A_169 = arith.index_cast %mul3A_130 : i32 to index
      %swap3A_170 = tpu.vector_load %arg25[%swap3A_169] {strides = array<i32>} : memref<80xf32, #tpu.memory_space<vmem>>, vector<16xf32>,
      %swap3A_171 = vector.shape_cast %swap3A_170 : vector<16xf32> to vector<16xf32>
      %swap3A_172 = vector.shape_cast %add3A_168 : vector<16xf32> to vector<16xf32>
      tpu.vector_store %arg25[%swap3A_169], %swap3A_172 {strides = array<i32>} : memref<80xf32, #tpu.memory_space<vmem>>, vector<16xf32>,
      %scan3A_173 = arith.constant 3 : i32
      %mul3A_174 = arith.constant 16 : i32
      %mul3A_175 = arith.muli %scan3A_173, %mul3A_174 : i32
      %get3A_176 = arith.index_cast %mul3A_175 : i32 to index
      %get3A_177 = tpu.vector_load %arg19[%get3A_176] {strides = array<i32>} : memref<80xf32, #tpu.memory_space<vmem>>, vector<16xf32>,
      %get3A_178 = vector.shape_cast %get3A_177 : vector<16xf32> to vector<16xf32>
      %get3A_179 = arith.index_cast %mul3A_175 : i32 to index
      %get3A_180 = tpu.vector_load %arg22[%get3A_179] {strides = array<i32>} : memref<80xf32, #tpu.memory_space<vmem>>, vector<16xf32>,
      %get3A_181 = vector.shape_cast %get3A_180 : vector<16xf32> to vector<16xf32>
      %sub3A_182 = arith.subf %get3A_178, %get3A_181 : vector<16xf32>
      %get3A_183 = arith.index_cast %mul3A_175 : i32 to index
      %get3A_184 = tpu.vector_load %arg20[%get3A_183] {strides = array<i32>} : memref<80xf32, #tpu.memory_space<vmem>>, vector<16xf32>,
      %get3A_185 = vector.shape_cast %get3A_184 : vector<16xf32> to vector<16xf32>
      %get3A_186 = arith.index_cast %mul3A_175 : i32 to index
      %get3A_187 = tpu.vector_load %arg23[%get3A_186] {strides = array<i32>} : memref<80xf32, #tpu.memory_space<vmem>>, vector<16xf32>,
      %get3A_188 = vector.shape_cast %get3A_187 : vector<16xf32> to vector<16xf32>
      %sub3A_189 = arith.subf %get3A_185, %get3A_188 : vector<16xf32>
      %get3A_190 = arith.index_cast %mul3A_175 : i32 to index
      %get3A_191 = tpu.vector_load %arg21[%get3A_190] {strides = array<i32>} : memref<80xf32, #tpu.memory_space<vmem>>, vector<16xf32>,
      %get3A_192 = vector.shape_cast %get3A_191 : vector<16xf32> to vector<16xf32>
      %get3A_193 = arith.index_cast %mul3A_175 : i32 to index
      %get3A_194 = tpu.vector_load %arg24[%get3A_193] {strides = array<i32>} : memref<80xf32, #tpu.memory_space<vmem>>, vector<16xf32>,
      %get3A_195 = vector.shape_cast %get3A_194 : vector<16xf32> to vector<16xf32>
      %sub3A_196 = arith.subf %get3A_192, %get3A_195 : vector<16xf32>
      %swap3A_197 = arith.index_cast %mul3A_175 : i32 to index
      %swap3A_198 = tpu.vector_load %arg19[%swap3A_197] {strides = array<i32>} : memref<80xf32, #tpu.memory_space<vmem>>, vector<16xf32>,
      %swap3A_199 = vector.shape_cast %swap3A_198 : vector<16xf32> to vector<16xf32>
      %swap3A_200 = vector.shape_cast %sub3A_182 : vector<16xf32> to vector<16xf32>
      tpu.vector_store %arg19[%swap3A_197], %swap3A_200 {strides = array<i32>} : memref<80xf32, #tpu.memory_space<vmem>>, vector<16xf32>,
      %swap3A_201 = arith.index_cast %mul3A_175 : i32 to index
      %swap3A_202 = tpu.vector_load %arg20[%swap3A_201] {strides = array<i32>} : memref<80xf32, #tpu.memory_space<vmem>>, vector<16xf32>,
      %swap3A_203 = vector.shape_cast %swap3A_202 : vector<16xf32> to vector<16xf32>
      %swap3A_204 = vector.shape_cast %sub3A_189 : vector<16xf32> to vector<16xf32>
      tpu.vector_store %arg20[%swap3A_201], %swap3A_204 {strides = array<i32>} : memref<80xf32, #tpu.memory_space<vmem>>, vector<16xf32>,
      %swap3A_205 = arith.index_cast %mul3A_175 : i32 to index
      %swap3A_206 = tpu.vector_load %arg21[%swap3A_205] {strides = array<i32>} : memref<80xf32, #tpu.memory_space<vmem>>, vector<16xf32>,
      %swap3A_207 = vector.shape_cast %swap3A_206 : vector<16xf32> to vector<16xf32>
      %swap3A_208 = vector.shape_cast %sub3A_196 : vector<16xf32> to vector<16xf32>
      tpu.vector_store %arg21[%swap3A_205], %swap3A_208 {strides = array<i32>} : memref<80xf32, #tpu.memory_space<vmem>>, vector<16xf32>,
      %mul3A_209 = arith.mulf %sub3A_182, %sub3A_182 : vector<16xf32>
      %mul3A_210 = arith.mulf %sub3A_189, %sub3A_189 : vector<16xf32>
      %add3A_211 = arith.addf %mul3A_209, %mul3A_210 : vector<16xf32>
      %mul3A_212 = arith.mulf %sub3A_196, %sub3A_196 : vector<16xf32>
      %add3A_213 = arith.addf %add3A_211, %mul3A_212 : vector<16xf32>
      %swap3A_214 = arith.index_cast %mul3A_175 : i32 to index
      %swap3A_215 = tpu.vector_load %arg25[%swap3A_214] {strides = array<i32>} : memref<80xf32, #tpu.memory_space<vmem>>, vector<16xf32>,
      %swap3A_216 = vector.shape_cast %swap3A_215 : vector<16xf32> to vector<16xf32>
      %swap3A_217 = vector.shape_cast %add3A_213 : vector<16xf32> to vector<16xf32>
      tpu.vector_store %arg25[%swap3A_214], %swap3A_217 {strides = array<i32>} : memref<80xf32, #tpu.memory_space<vmem>>, vector<16xf32>,
      %scan3A_218 = arith.constant 4 : i32
      %mul3A_219 = arith.constant 16 : i32
      %mul3A_220 = arith.muli %scan3A_218, %mul3A_219 : i32
      %get3A_221 = arith.index_cast %mul3A_220 : i32 to index
      %get3A_222 = tpu.vector_load %arg19[%get3A_221] {strides = array<i32>} : memref<80xf32, #tpu.memory_space<vmem>>, vector<16xf32>,
      %get3A_223 = vector.shape_cast %get3A_222 : vector<16xf32> to vector<16xf32>
      %get3A_224 = arith.index_cast %mul3A_220 : i32 to index
      %get3A_225 = tpu.vector_load %arg22[%get3A_224] {strides = array<i32>} : memref<80xf32, #tpu.memory_space<vmem>>, vector<16xf32>,
      %get3A_226 = vector.shape_cast %get3A_225 : vector<16xf32> to vector<16xf32>
      %sub3A_227 = arith.subf %get3A_223, %get3A_226 : vector<16xf32>
      %get3A_228 = arith.index_cast %mul3A_220 : i32 to index
      %get3A_229 = tpu.vector_load %arg20[%get3A_228] {strides = array<i32>} : memref<80xf32, #tpu.memory_space<vmem>>, vector<16xf32>,
      %get3A_230 = vector.shape_cast %get3A_229 : vector<16xf32> to vector<16xf32>
      %get3A_231 = arith.index_cast %mul3A_220 : i32 to index
      %get3A_232 = tpu.vector_load %arg23[%get3A_231] {strides = array<i32>} : memref<80xf32, #tpu.memory_space<vmem>>, vector<16xf32>,
      %get3A_233 = vector.shape_cast %get3A_232 : vector<16xf32> to vector<16xf32>
      %sub3A_234 = arith.subf %get3A_230, %get3A_233 : vector<16xf32>
      %get3A_235 = arith.index_cast %mul3A_220 : i32 to index
      %get3A_236 = tpu.vector_load %arg21[%get3A_235] {strides = array<i32>} : memref<80xf32, #tpu.memory_space<vmem>>, vector<16xf32>,
      %get3A_237 = vector.shape_cast %get3A_236 : vector<16xf32> to vector<16xf32>
      %get3A_238 = arith.index_cast %mul3A_220 : i32 to index
      %get3A_239 = tpu.vector_load %arg24[%get3A_238] {strides = array<i32>} : memref<80xf32, #tpu.memory_space<vmem>>, vector<16xf32>,
      %get3A_240 = vector.shape_cast %get3A_239 : vector<16xf32> to vector<16xf32>
      %sub3A_241 = arith.subf %get3A_237, %get3A_240 : vector<16xf32>
      %swap3A_242 = arith.index_cast %mul3A_220 : i32 to index
      %swap3A_243 = tpu.vector_load %arg19[%swap3A_242] {strides = array<i32>} : memref<80xf32, #tpu.memory_space<vmem>>, vector<16xf32>,
      %swap3A_244 = vector.shape_cast %swap3A_243 : vector<16xf32> to vector<16xf32>
      %swap3A_245 = vector.shape_cast %sub3A_227 : vector<16xf32> to vector<16xf32>
      tpu.vector_store %arg19[%swap3A_242], %swap3A_245 {strides = array<i32>} : memref<80xf32, #tpu.memory_space<vmem>>, vector<16xf32>,
      %swap3A_246 = arith.index_cast %mul3A_220 : i32 to index
      %swap3A_247 = tpu.vector_load %arg20[%swap3A_246] {strides = array<i32>} : memref<80xf32, #tpu.memory_space<vmem>>, vector<16xf32>,
      %swap3A_248 = vector.shape_cast %swap3A_247 : vector<16xf32> to vector<16xf32>
      %swap3A_249 = vector.shape_cast %sub3A_234 : vector<16xf32> to vector<16xf32>
      tpu.vector_store %arg20[%swap3A_246], %swap3A_249 {strides = array<i32>} : memref<80xf32, #tpu.memory_space<vmem>>, vector<16xf32>,
      %swap3A_250 = arith.index_cast %mul3A_220 : i32 to index
      %swap3A_251 = tpu.vector_load %arg21[%swap3A_250] {strides = array<i32>} : memref<80xf32, #tpu.memory_space<vmem>>, vector<16xf32>,
      %swap3A_252 = vector.shape_cast %swap3A_251 : vector<16xf32> to vector<16xf32>
      %swap3A_253 = vector.shape_cast %sub3A_241 : vector<16xf32> to vector<16xf32>
      tpu.vector_store %arg21[%swap3A_250], %swap3A_253 {strides = array<i32>} : memref<80xf32, #tpu.memory_space<vmem>>, vector<16xf32>,
      %mul3A_254 = arith.mulf %sub3A_227, %sub3A_227 : vector<16xf32>
      %mul3A_255 = arith.mulf %sub3A_234, %sub3A_234 : vector<16xf32>
      %add3A_256 = arith.addf %mul3A_254, %mul3A_255 : vector<16xf32>
      %mul3A_257 = arith.mulf %sub3A_241, %sub3A_241 : vector<16xf32>
      %add3A_258 = arith.addf %add3A_256, %mul3A_257 : vector<16xf32>
      %swap3A_259 = arith.index_cast %mul3A_220 : i32 to index
      %swap3A_260 = tpu.vector_load %arg25[%swap3A_259] {strides = array<i32>} : memref<80xf32, #tpu.memory_space<vmem>>, vector<16xf32>,
      %swap3A_261 = vector.shape_cast %swap3A_260 : vector<16xf32> to vector<16xf32>
      %swap3A_262 = vector.shape_cast %add3A_258 : vector<16xf32> to vector<16xf32>
      tpu.vector_store %arg25[%swap3A_259], %swap3A_262 {strides = array<i32>} : memref<80xf32, #tpu.memory_space<vmem>>, vector<16xf32>,
      %scan3A_263 = arith.constant 5 : i32
      "tpu.region"() ({
        %run_scoped3A = tpu.sem_alloc : memref<!tpu.dma_semaphore, #tpu.memory_space<semaphore_mem>>
        %dma_start3A_270 = tpu.memref_slice %arg11[%add3A_11] : memref<320000xf32, #tpu.memory_space<hbm>> -> memref<80xf32, #tpu.memory_space<hbm>>
        %dma_start3A_271 = tpu.memref_slice %arg11[%add3A_11] : memref<320000xf32, #tpu.memory_space<hbm>> -> memref<80xf32, #tpu.memory_space<hbm>>
        tpu.enqueue_dma source(%arg19 : memref<80xf32, #tpu.memory_space<vmem>>) target(%dma_start3A_271 : memref<80xf32, #tpu.memory_space<hbm>>) target_semaphore(%run_scoped3A : memref<!tpu.dma_semaphore, #tpu.memory_space<semaphore_mem>>)
        %dma_wait3A_272 = tpu.memref_slice %arg11[%add3A_11] : memref<320000xf32, #tpu.memory_space<hbm>> -> memref<80xf32, #tpu.memory_space<hbm>>
        %dma_wait3A_273 = tpu.memref_slice %arg11[%add3A_11] : memref<320000xf32, #tpu.memory_space<hbm>> -> memref<80xf32, #tpu.memory_space<hbm>>
        tpu.wait_dma2 semaphore(%run_scoped3A : memref<!tpu.dma_semaphore, #tpu.memory_space<semaphore_mem>>) src(%arg19 : memref<80xf32, #tpu.memory_space<vmem>>) dst(%dma_wait3A_273 : memref<80xf32, #tpu.memory_space<hbm>>)
        tpu.yield
      }) : () -> ()
      "tpu.region"() ({
        %run_scoped3A = tpu.sem_alloc : memref<!tpu.dma_semaphore, #tpu.memory_space<semaphore_mem>>
        %dma_start3A_270 = tpu.memref_slice %arg12[%add3A_11] : memref<320000xf32, #tpu.memory_space<hbm>> -> memref<80xf32, #tpu.memory_space<hbm>>
        %dma_start3A_271 = tpu.memref_slice %arg12[%add3A_11] : memref<320000xf32, #tpu.memory_space<hbm>> -> memref<80xf32, #tpu.memory_space<hbm>>
        tpu.enqueue_dma source(%arg20 : memref<80xf32, #tpu.memory_space<vmem>>) target(%dma_start3A_271 : memref<80xf32, #tpu.memory_space<hbm>>) target_semaphore(%run_scoped3A : memref<!tpu.dma_semaphore, #tpu.memory_space<semaphore_mem>>)
        %dma_wait3A_272 = tpu.memref_slice %arg12[%add3A_11] : memref<320000xf32, #tpu.memory_space<hbm>> -> memref<80xf32, #tpu.memory_space<hbm>>
        %dma_wait3A_273 = tpu.memref_slice %arg12[%add3A_11] : memref<320000xf32, #tpu.memory_space<hbm>> -> memref<80xf32, #tpu.memory_space<hbm>>
        tpu.wait_dma2 semaphore(%run_scoped3A : memref<!tpu.dma_semaphore, #tpu.memory_space<semaphore_mem>>) src(%arg20 : memref<80xf32, #tpu.memory_space<vmem>>) dst(%dma_wait3A_273 : memref<80xf32, #tpu.memory_space<hbm>>)
        tpu.yield
      }) : () -> ()
      "tpu.region"() ({
        %run_scoped3A = tpu.sem_alloc : memref<!tpu.dma_semaphore, #tpu.memory_space<semaphore_mem>>
        %dma_start3A_270 = tpu.memref_slice %arg13[%add3A_11] : memref<320000xf32, #tpu.memory_space<hbm>> -> memref<80xf32, #tpu.memory_space<hbm>>
        %dma_start3A_271 = tpu.memref_slice %arg13[%add3A_11] : memref<320000xf32, #tpu.memory_space<hbm>> -> memref<80xf32, #tpu.memory_space<hbm>>
        tpu.enqueue_dma source(%arg21 : memref<80xf32, #tpu.memory_space<vmem>>) target(%dma_start3A_271 : memref<80xf32, #tpu.memory_space<hbm>>) target_semaphore(%run_scoped3A : memref<!tpu.dma_semaphore, #tpu.memory_space<semaphore_mem>>)
        %dma_wait3A_272 = tpu.memref_slice %arg13[%add3A_11] : memref<320000xf32, #tpu.memory_space<hbm>> -> memref<80xf32, #tpu.memory_space<hbm>>
        %dma_wait3A_273 = tpu.memref_slice %arg13[%add3A_11] : memref<320000xf32, #tpu.memory_space<hbm>> -> memref<80xf32, #tpu.memory_space<hbm>>
        tpu.wait_dma2 semaphore(%run_scoped3A : memref<!tpu.dma_semaphore, #tpu.memory_space<semaphore_mem>>) src(%arg21 : memref<80xf32, #tpu.memory_space<vmem>>) dst(%dma_wait3A_273 : memref<80xf32, #tpu.memory_space<hbm>>)
        tpu.yield
      }) : () -> ()
      "tpu.region"() ({
        %run_scoped3A = tpu.sem_alloc : memref<!tpu.dma_semaphore, #tpu.memory_space<semaphore_mem>>
        %dma_start3A_270 = tpu.memref_slice %arg14[%add3A_11] : memref<320000xf32, #tpu.memory_space<hbm>> -> memref<80xf32, #tpu.memory_space<hbm>>
        %dma_start3A_271 = tpu.memref_slice %arg14[%add3A_11] : memref<320000xf32, #tpu.memory_space<hbm>> -> memref<80xf32, #tpu.memory_space<hbm>>
        tpu.enqueue_dma source(%arg25 : memref<80xf32, #tpu.memory_space<vmem>>) target(%dma_start3A_271 : memref<80xf32, #tpu.memory_space<hbm>>) target_semaphore(%run_scoped3A : memref<!tpu.dma_semaphore, #tpu.memory_space<semaphore_mem>>)
        %dma_wait3A_272 = tpu.memref_slice %arg14[%add3A_11] : memref<320000xf32, #tpu.memory_space<hbm>> -> memref<80xf32, #tpu.memory_space<hbm>>
        %dma_wait3A_273 = tpu.memref_slice %arg14[%add3A_11] : memref<320000xf32, #tpu.memory_space<hbm>> -> memref<80xf32, #tpu.memory_space<hbm>>
        tpu.wait_dma2 semaphore(%run_scoped3A : memref<!tpu.dma_semaphore, #tpu.memory_space<semaphore_mem>>) src(%arg25 : memref<80xf32, #tpu.memory_space<vmem>>) dst(%dma_wait3A_273 : memref<80xf32, #tpu.memory_space<hbm>>)
        tpu.yield
      }) : () -> ()
      %dma_wait3A_264 = arith.constant 0 : i32
      %dma_wait3A_265 = arith.constant 0 : i32
      %dma_wait3A_266 = tpu.memref_slice %arg2[%dma_wait3A_264, %dma_wait3A_265] : memref<10000x128xf32, #tpu.memory_space<hbm>> -> memref<10000x128xf32, #tpu.memory_space<hbm>>
      tpu.wait_indirect_dma semaphore(%arg26 : memref<!tpu.dma_semaphore, #tpu.memory_space<semaphore_mem>>) src(%dma_wait3A_266 : memref<10000x128xf32, #tpu.memory_space<hbm>>) dst(%arg17 : memref<80x128xf32, #tpu.memory_space<vmem>>)
      %dma_wait3A_267 = arith.constant 0 : i32
      %dma_wait3A_268 = arith.constant 0 : i32
      %dma_wait3A_269 = tpu.memref_slice %arg3[%dma_wait3A_267, %dma_wait3A_268] : memref<10000x128xf32, #tpu.memory_space<hbm>> -> memref<10000x128xf32, #tpu.memory_space<hbm>>
      tpu.wait_indirect_dma semaphore(%arg27 : memref<!tpu.dma_semaphore, #tpu.memory_space<semaphore_mem>>) src(%dma_wait3A_269 : memref<10000x128xf32, #tpu.memory_space<hbm>>) dst(%arg18 : memref<80x128xf32, #tpu.memory_space<vmem>>)
      "tpu.region"() ({
        %run_scoped3A = tpu.sem_alloc : memref<!tpu.dma_semaphore, #tpu.memory_space<semaphore_mem>>
        %dma_start3A_270 = arith.constant 0 : i32
        %dma_start3A_271 = tpu.memref_slice %arg9[%add3A_11, %dma_start3A_270] : memref<320000x128xf32, #tpu.memory_space<hbm>> -> memref<80x128xf32, #tpu.memory_space<hbm>>
        %dma_start3A_272 = arith.constant 0 : i32
        %dma_start3A_273 = tpu.memref_slice %arg9[%add3A_11, %dma_start3A_272] : memref<320000x128xf32, #tpu.memory_space<hbm>> -> memref<80x128xf32, #tpu.memory_space<hbm>>
        tpu.enqueue_dma source(%arg17 : memref<80x128xf32, #tpu.memory_space<vmem>>) target(%dma_start3A_273 : memref<80x128xf32, #tpu.memory_space<hbm>>) target_semaphore(%run_scoped3A : memref<!tpu.dma_semaphore, #tpu.memory_space<semaphore_mem>>)
        %dma_wait3A_274 = arith.constant 0 : i32
        %dma_wait3A_275 = tpu.memref_slice %arg9[%add3A_11, %dma_wait3A_274] : memref<320000x128xf32, #tpu.memory_space<hbm>> -> memref<80x128xf32, #tpu.memory_space<hbm>>
        %dma_wait3A_276 = arith.constant 0 : i32
        %dma_wait3A_277 = tpu.memref_slice %arg9[%add3A_11, %dma_wait3A_276] : memref<320000x128xf32, #tpu.memory_space<hbm>> -> memref<80x128xf32, #tpu.memory_space<hbm>>
        tpu.wait_dma2 semaphore(%run_scoped3A : memref<!tpu.dma_semaphore, #tpu.memory_space<semaphore_mem>>) src(%arg17 : memref<80x128xf32, #tpu.memory_space<vmem>>) dst(%dma_wait3A_277 : memref<80x128xf32, #tpu.memory_space<hbm>>)
        tpu.yield
      }) : () -> ()
      "tpu.region"() ({
        %run_scoped3A = tpu.sem_alloc : memref<!tpu.dma_semaphore, #tpu.memory_space<semaphore_mem>>
        %dma_start3A_270 = arith.constant 0 : i32
        %dma_start3A_271 = tpu.memref_slice %arg10[%add3A_11, %dma_start3A_270] : memref<320000x128xf32, #tpu.memory_space<hbm>> -> memref<80x128xf32, #tpu.memory_space<hbm>>
        %dma_start3A_272 = arith.constant 0 : i32
        %dma_start3A_273 = tpu.memref_slice %arg10[%add3A_11, %dma_start3A_272] : memref<320000x128xf32, #tpu.memory_space<hbm>> -> memref<80x128xf32, #tpu.memory_space<hbm>>
        tpu.enqueue_dma source(%arg18 : memref<80x128xf32, #tpu.memory_space<vmem>>) target(%dma_start3A_273 : memref<80x128xf32, #tpu.memory_space<hbm>>) target_semaphore(%run_scoped3A : memref<!tpu.dma_semaphore, #tpu.memory_space<semaphore_mem>>)
        %dma_wait3A_274 = arith.constant 0 : i32
        %dma_wait3A_275 = tpu.memref_slice %arg10[%add3A_11, %dma_wait3A_274] : memref<320000x128xf32, #tpu.memory_space<hbm>> -> memref<80x128xf32, #tpu.memory_space<hbm>>
        %dma_wait3A_276 = arith.constant 0 : i32
        %dma_wait3A_277 = tpu.memref_slice %arg10[%add3A_11, %dma_wait3A_276] : memref<320000x128xf32, #tpu.memory_space<hbm>> -> memref<80x128xf32, #tpu.memory_space<hbm>>
        tpu.wait_dma2 semaphore(%run_scoped3A : memref<!tpu.dma_semaphore, #tpu.memory_space<semaphore_mem>>) src(%arg18 : memref<80x128xf32, #tpu.memory_space<vmem>>) dst(%dma_wait3A_277 : memref<80x128xf32, #tpu.memory_space<hbm>>)
        tpu.yield
      }) : () -> ()
    }
    %scan3A_7 = arith.constant 125 : i32
    return
  }
}

#map = affine_map<(d0, d1) -> (0, 0)>
#map1 = affine_map<(d0, d1) -> (0)>
module attributes {stable_mosaic.version = 14 : i64} {
  func.func @_stage3e(%arg0: i32, %arg1: i32, %arg2: memref<320000x128xf32, #tpu.memory_space<hbm>>, %arg3: memref<320000xi32, #tpu.memory_space<hbm>>, %arg4: memref<20480x128xf32, #tpu.memory_space<hbm>>, %arg5: memref<80xi32, #tpu.memory_space<vmem>>, %arg6: memref<80x128xf32, #tpu.memory_space<vmem>>, %arg7: memref<80x16xf32, #tpu.memory_space<vmem>>, %arg8: memref<10240x128xf32, #tpu.memory_space<vmem_shared>>) attributes {dimension_semantics = [#tpu.dimension_semantics<core_parallel>, #tpu.dimension_semantics<subcore_parallel>], iteration_bounds = array<i64: 2, 16>, scalar_prefetch = 0 : i64, scratch_operands = 4 : i64, tpu.core_type = #tpu.core_type<sc_vector_subcore>, window_params = [{transform_indices = #map}, {transform_indices = #map1}, {transform_indices = #map}]} {
    %mul3A = arith.constant 2 : i32
    %mul3A_0 = arith.muli %arg1, %mul3A : i32
    %add3A = arith.addi %mul3A_0, %arg0 : i32
    %mul3A_1 = arith.constant 10000 : i32
    %mul3A_2 = arith.muli %add3A, %mul3A_1 : i32
    %mul3A_3 = arith.constant 640 : i32
    %mul3A_4 = arith.muli %arg1, %mul3A_3 : i32
    %broadcast_in_dim3A = arith.constant 0.000000e+00 : f32
    %broadcast_in_dim3A_5 = vector.broadcast %broadcast_in_dim3A : f32 to vector<16xf32>
    %scan3A = arith.constant 0 : i32
    %scan3A_6 = arith.constant 0 : i32
    %scan3A_7 = arith.constant 80 : i32
    %scan3A_8 = arith.addi %scan3A_6, %scan3A_7 : i32
    %scan3A_9 = arith.constant 4 : i32
    scf.for %scan3A_90 = %scan3A_6 to %scan3A_8 step %scan3A_9  : i32 {
      %swap3A = arith.index_cast %scan3A_90 : i32 to index
      %swap3A_91 = arith.constant 0 : index
      %swap3A_92 = tpu.vector_load %arg6[%swap3A, %swap3A_91] {strides = array<i32>} : memref<80x128xf32, #tpu.memory_space<vmem>>, vector<1x16xf32>,
      %swap3A_93 = vector.shape_cast %swap3A_92 : vector<1x16xf32> to vector<16xf32>
      %swap3A_94 = vector.shape_cast %broadcast_in_dim3A_5 : vector<16xf32> to vector<1x16xf32>
      tpu.vector_store %arg6[%swap3A, %swap3A_91], %swap3A_94 {strides = array<i32>} : memref<80x128xf32, #tpu.memory_space<vmem>>, vector<1x16xf32>,
      %swap3A_95 = arith.index_cast %scan3A_90 : i32 to index
      %swap3A_96 = arith.constant 16 : index
      %swap3A_97 = tpu.vector_load %arg6[%swap3A_95, %swap3A_96] {strides = array<i32>} : memref<80x128xf32, #tpu.memory_space<vmem>>, vector<1x16xf32>,
      %swap3A_98 = vector.shape_cast %swap3A_97 : vector<1x16xf32> to vector<16xf32>
      %swap3A_99 = vector.shape_cast %broadcast_in_dim3A_5 : vector<16xf32> to vector<1x16xf32>
      tpu.vector_store %arg6[%swap3A_95, %swap3A_96], %swap3A_99 {strides = array<i32>} : memref<80x128xf32, #tpu.memory_space<vmem>>, vector<1x16xf32>,
      %swap3A_100 = arith.index_cast %scan3A_90 : i32 to index
      %swap3A_101 = arith.constant 32 : index
      %swap3A_102 = tpu.vector_load %arg6[%swap3A_100, %swap3A_101] {strides = array<i32>} : memref<80x128xf32, #tpu.memory_space<vmem>>, vector<1x16xf32>,
      %swap3A_103 = vector.shape_cast %swap3A_102 : vector<1x16xf32> to vector<16xf32>
      %swap3A_104 = vector.shape_cast %broadcast_in_dim3A_5 : vector<16xf32> to vector<1x16xf32>
      tpu.vector_store %arg6[%swap3A_100, %swap3A_101], %swap3A_104 {strides = array<i32>} : memref<80x128xf32, #tpu.memory_space<vmem>>, vector<1x16xf32>,
      %swap3A_105 = arith.index_cast %scan3A_90 : i32 to index
      %swap3A_106 = arith.constant 48 : index
      %swap3A_107 = tpu.vector_load %arg6[%swap3A_105, %swap3A_106] {strides = array<i32>} : memref<80x128xf32, #tpu.memory_space<vmem>>, vector<1x16xf32>,
      %swap3A_108 = vector.shape_cast %swap3A_107 : vector<1x16xf32> to vector<16xf32>
      %swap3A_109 = vector.shape_cast %broadcast_in_dim3A_5 : vector<16xf32> to vector<1x16xf32>
      tpu.vector_store %arg6[%swap3A_105, %swap3A_106], %swap3A_109 {strides = array<i32>} : memref<80x128xf32, #tpu.memory_space<vmem>>, vector<1x16xf32>,
      %swap3A_110 = arith.index_cast %scan3A_90 : i32 to index
      %swap3A_111 = arith.constant 64 : index
      %swap3A_112 = tpu.vector_load %arg6[%swap3A_110, %swap3A_111] {strides = array<i32>} : memref<80x128xf32, #tpu.memory_space<vmem>>, vector<1x16xf32>,
      %swap3A_113 = vector.shape_cast %swap3A_112 : vector<1x16xf32> to vector<16xf32>
      %swap3A_114 = vector.shape_cast %broadcast_in_dim3A_5 : vector<16xf32> to vector<1x16xf32>
      tpu.vector_store %arg6[%swap3A_110, %swap3A_111], %swap3A_114 {strides = array<i32>} : memref<80x128xf32, #tpu.memory_space<vmem>>, vector<1x16xf32>,
      %swap3A_115 = arith.index_cast %scan3A_90 : i32 to index
      %swap3A_116 = arith.constant 80 : index
      %swap3A_117 = tpu.vector_load %arg6[%swap3A_115, %swap3A_116] {strides = array<i32>} : memref<80x128xf32, #tpu.memory_space<vmem>>, vector<1x16xf32>,
      %swap3A_118 = vector.shape_cast %swap3A_117 : vector<1x16xf32> to vector<16xf32>
      %swap3A_119 = vector.shape_cast %broadcast_in_dim3A_5 : vector<16xf32> to vector<1x16xf32>
      tpu.vector_store %arg6[%swap3A_115, %swap3A_116], %swap3A_119 {strides = array<i32>} : memref<80x128xf32, #tpu.memory_space<vmem>>, vector<1x16xf32>,
      %swap3A_120 = arith.index_cast %scan3A_90 : i32 to index
      %swap3A_121 = arith.constant 96 : index
      %swap3A_122 = tpu.vector_load %arg6[%swap3A_120, %swap3A_121] {strides = array<i32>} : memref<80x128xf32, #tpu.memory_space<vmem>>, vector<1x16xf32>,
      %swap3A_123 = vector.shape_cast %swap3A_122 : vector<1x16xf32> to vector<16xf32>
      %swap3A_124 = vector.shape_cast %broadcast_in_dim3A_5 : vector<16xf32> to vector<1x16xf32>
      tpu.vector_store %arg6[%swap3A_120, %swap3A_121], %swap3A_124 {strides = array<i32>} : memref<80x128xf32, #tpu.memory_space<vmem>>, vector<1x16xf32>,
      %swap3A_125 = arith.index_cast %scan3A_90 : i32 to index
      %swap3A_126 = arith.constant 112 : index
      %swap3A_127 = tpu.vector_load %arg6[%swap3A_125, %swap3A_126] {strides = array<i32>} : memref<80x128xf32, #tpu.memory_space<vmem>>, vector<1x16xf32>,
      %swap3A_128 = vector.shape_cast %swap3A_127 : vector<1x16xf32> to vector<16xf32>
      %swap3A_129 = vector.shape_cast %broadcast_in_dim3A_5 : vector<16xf32> to vector<1x16xf32>
      tpu.vector_store %arg6[%swap3A_125, %swap3A_126], %swap3A_129 {strides = array<i32>} : memref<80x128xf32, #tpu.memory_space<vmem>>, vector<1x16xf32>,
      %scan3A_130 = arith.constant 1 : i32
      %scan3A_131 = arith.addi %scan3A_90, %scan3A_130 : i32
      %swap3A_132 = arith.index_cast %scan3A_131 : i32 to index
      %swap3A_133 = arith.constant 0 : index
      %swap3A_134 = tpu.vector_load %arg6[%swap3A_132, %swap3A_133] {strides = array<i32>} : memref<80x128xf32, #tpu.memory_space<vmem>>, vector<1x16xf32>,
      %swap3A_135 = vector.shape_cast %swap3A_134 : vector<1x16xf32> to vector<16xf32>
      %swap3A_136 = vector.shape_cast %broadcast_in_dim3A_5 : vector<16xf32> to vector<1x16xf32>
      tpu.vector_store %arg6[%swap3A_132, %swap3A_133], %swap3A_136 {strides = array<i32>} : memref<80x128xf32, #tpu.memory_space<vmem>>, vector<1x16xf32>,
      %swap3A_137 = arith.index_cast %scan3A_131 : i32 to index
      %swap3A_138 = arith.constant 16 : index
      %swap3A_139 = tpu.vector_load %arg6[%swap3A_137, %swap3A_138] {strides = array<i32>} : memref<80x128xf32, #tpu.memory_space<vmem>>, vector<1x16xf32>,
      %swap3A_140 = vector.shape_cast %swap3A_139 : vector<1x16xf32> to vector<16xf32>
      %swap3A_141 = vector.shape_cast %broadcast_in_dim3A_5 : vector<16xf32> to vector<1x16xf32>
      tpu.vector_store %arg6[%swap3A_137, %swap3A_138], %swap3A_141 {strides = array<i32>} : memref<80x128xf32, #tpu.memory_space<vmem>>, vector<1x16xf32>,
      %swap3A_142 = arith.index_cast %scan3A_131 : i32 to index
      %swap3A_143 = arith.constant 32 : index
      %swap3A_144 = tpu.vector_load %arg6[%swap3A_142, %swap3A_143] {strides = array<i32>} : memref<80x128xf32, #tpu.memory_space<vmem>>, vector<1x16xf32>,
      %swap3A_145 = vector.shape_cast %swap3A_144 : vector<1x16xf32> to vector<16xf32>
      %swap3A_146 = vector.shape_cast %broadcast_in_dim3A_5 : vector<16xf32> to vector<1x16xf32>
      tpu.vector_store %arg6[%swap3A_142, %swap3A_143], %swap3A_146 {strides = array<i32>} : memref<80x128xf32, #tpu.memory_space<vmem>>, vector<1x16xf32>,
      %swap3A_147 = arith.index_cast %scan3A_131 : i32 to index
      %swap3A_148 = arith.constant 48 : index
      %swap3A_149 = tpu.vector_load %arg6[%swap3A_147, %swap3A_148] {strides = array<i32>} : memref<80x128xf32, #tpu.memory_space<vmem>>, vector<1x16xf32>,
      %swap3A_150 = vector.shape_cast %swap3A_149 : vector<1x16xf32> to vector<16xf32>
      %swap3A_151 = vector.shape_cast %broadcast_in_dim3A_5 : vector<16xf32> to vector<1x16xf32>
      tpu.vector_store %arg6[%swap3A_147, %swap3A_148], %swap3A_151 {strides = array<i32>} : memref<80x128xf32, #tpu.memory_space<vmem>>, vector<1x16xf32>,
      %swap3A_152 = arith.index_cast %scan3A_131 : i32 to index
      %swap3A_153 = arith.constant 64 : index
      %swap3A_154 = tpu.vector_load %arg6[%swap3A_152, %swap3A_153] {strides = array<i32>} : memref<80x128xf32, #tpu.memory_space<vmem>>, vector<1x16xf32>,
      %swap3A_155 = vector.shape_cast %swap3A_154 : vector<1x16xf32> to vector<16xf32>
      %swap3A_156 = vector.shape_cast %broadcast_in_dim3A_5 : vector<16xf32> to vector<1x16xf32>
      tpu.vector_store %arg6[%swap3A_152, %swap3A_153], %swap3A_156 {strides = array<i32>} : memref<80x128xf32, #tpu.memory_space<vmem>>, vector<1x16xf32>,
      %swap3A_157 = arith.index_cast %scan3A_131 : i32 to index
      %swap3A_158 = arith.constant 80 : index
      %swap3A_159 = tpu.vector_load %arg6[%swap3A_157, %swap3A_158] {strides = array<i32>} : memref<80x128xf32, #tpu.memory_space<vmem>>, vector<1x16xf32>,
      %swap3A_160 = vector.shape_cast %swap3A_159 : vector<1x16xf32> to vector<16xf32>
      %swap3A_161 = vector.shape_cast %broadcast_in_dim3A_5 : vector<16xf32> to vector<1x16xf32>
      tpu.vector_store %arg6[%swap3A_157, %swap3A_158], %swap3A_161 {strides = array<i32>} : memref<80x128xf32, #tpu.memory_space<vmem>>, vector<1x16xf32>,
      %swap3A_162 = arith.index_cast %scan3A_131 : i32 to index
      %swap3A_163 = arith.constant 96 : index
      %swap3A_164 = tpu.vector_load %arg6[%swap3A_162, %swap3A_163] {strides = array<i32>} : memref<80x128xf32, #tpu.memory_space<vmem>>, vector<1x16xf32>,
      %swap3A_165 = vector.shape_cast %swap3A_164 : vector<1x16xf32> to vector<16xf32>
      %swap3A_166 = vector.shape_cast %broadcast_in_dim3A_5 : vector<16xf32> to vector<1x16xf32>
      tpu.vector_store %arg6[%swap3A_162, %swap3A_163], %swap3A_166 {strides = array<i32>} : memref<80x128xf32, #tpu.memory_space<vmem>>, vector<1x16xf32>,
      %swap3A_167 = arith.index_cast %scan3A_131 : i32 to index
      %swap3A_168 = arith.constant 112 : index
      %swap3A_169 = tpu.vector_load %arg6[%swap3A_167, %swap3A_168] {strides = array<i32>} : memref<80x128xf32, #tpu.memory_space<vmem>>, vector<1x16xf32>,
      %swap3A_170 = vector.shape_cast %swap3A_169 : vector<1x16xf32> to vector<16xf32>
      %swap3A_171 = vector.shape_cast %broadcast_in_dim3A_5 : vector<16xf32> to vector<1x16xf32>
      tpu.vector_store %arg6[%swap3A_167, %swap3A_168], %swap3A_171 {strides = array<i32>} : memref<80x128xf32, #tpu.memory_space<vmem>>, vector<1x16xf32>,
      %scan3A_172 = arith.constant 2 : i32
      %scan3A_173 = arith.addi %scan3A_90, %scan3A_172 : i32
      %swap3A_174 = arith.index_cast %scan3A_173 : i32 to index
      %swap3A_175 = arith.constant 0 : index
      %swap3A_176 = tpu.vector_load %arg6[%swap3A_174, %swap3A_175] {strides = array<i32>} : memref<80x128xf32, #tpu.memory_space<vmem>>, vector<1x16xf32>,
      %swap3A_177 = vector.shape_cast %swap3A_176 : vector<1x16xf32> to vector<16xf32>
      %swap3A_178 = vector.shape_cast %broadcast_in_dim3A_5 : vector<16xf32> to vector<1x16xf32>
      tpu.vector_store %arg6[%swap3A_174, %swap3A_175], %swap3A_178 {strides = array<i32>} : memref<80x128xf32, #tpu.memory_space<vmem>>, vector<1x16xf32>,
      %swap3A_179 = arith.index_cast %scan3A_173 : i32 to index
      %swap3A_180 = arith.constant 16 : index
      %swap3A_181 = tpu.vector_load %arg6[%swap3A_179, %swap3A_180] {strides = array<i32>} : memref<80x128xf32, #tpu.memory_space<vmem>>, vector<1x16xf32>,
      %swap3A_182 = vector.shape_cast %swap3A_181 : vector<1x16xf32> to vector<16xf32>
      %swap3A_183 = vector.shape_cast %broadcast_in_dim3A_5 : vector<16xf32> to vector<1x16xf32>
      tpu.vector_store %arg6[%swap3A_179, %swap3A_180], %swap3A_183 {strides = array<i32>} : memref<80x128xf32, #tpu.memory_space<vmem>>, vector<1x16xf32>,
      %swap3A_184 = arith.index_cast %scan3A_173 : i32 to index
      %swap3A_185 = arith.constant 32 : index
      %swap3A_186 = tpu.vector_load %arg6[%swap3A_184, %swap3A_185] {strides = array<i32>} : memref<80x128xf32, #tpu.memory_space<vmem>>, vector<1x16xf32>,
      %swap3A_187 = vector.shape_cast %swap3A_186 : vector<1x16xf32> to vector<16xf32>
      %swap3A_188 = vector.shape_cast %broadcast_in_dim3A_5 : vector<16xf32> to vector<1x16xf32>
      tpu.vector_store %arg6[%swap3A_184, %swap3A_185], %swap3A_188 {strides = array<i32>} : memref<80x128xf32, #tpu.memory_space<vmem>>, vector<1x16xf32>,
      %swap3A_189 = arith.index_cast %scan3A_173 : i32 to index
      %swap3A_190 = arith.constant 48 : index
      %swap3A_191 = tpu.vector_load %arg6[%swap3A_189, %swap3A_190] {strides = array<i32>} : memref<80x128xf32, #tpu.memory_space<vmem>>, vector<1x16xf32>,
      %swap3A_192 = vector.shape_cast %swap3A_191 : vector<1x16xf32> to vector<16xf32>
      %swap3A_193 = vector.shape_cast %broadcast_in_dim3A_5 : vector<16xf32> to vector<1x16xf32>
      tpu.vector_store %arg6[%swap3A_189, %swap3A_190], %swap3A_193 {strides = array<i32>} : memref<80x128xf32, #tpu.memory_space<vmem>>, vector<1x16xf32>,
      %swap3A_194 = arith.index_cast %scan3A_173 : i32 to index
      %swap3A_195 = arith.constant 64 : index
      %swap3A_196 = tpu.vector_load %arg6[%swap3A_194, %swap3A_195] {strides = array<i32>} : memref<80x128xf32, #tpu.memory_space<vmem>>, vector<1x16xf32>,
      %swap3A_197 = vector.shape_cast %swap3A_196 : vector<1x16xf32> to vector<16xf32>
      %swap3A_198 = vector.shape_cast %broadcast_in_dim3A_5 : vector<16xf32> to vector<1x16xf32>
      tpu.vector_store %arg6[%swap3A_194, %swap3A_195], %swap3A_198 {strides = array<i32>} : memref<80x128xf32, #tpu.memory_space<vmem>>, vector<1x16xf32>,
      %swap3A_199 = arith.index_cast %scan3A_173 : i32 to index
      %swap3A_200 = arith.constant 80 : index
      %swap3A_201 = tpu.vector_load %arg6[%swap3A_199, %swap3A_200] {strides = array<i32>} : memref<80x128xf32, #tpu.memory_space<vmem>>, vector<1x16xf32>,
      %swap3A_202 = vector.shape_cast %swap3A_201 : vector<1x16xf32> to vector<16xf32>
      %swap3A_203 = vector.shape_cast %broadcast_in_dim3A_5 : vector<16xf32> to vector<1x16xf32>
      tpu.vector_store %arg6[%swap3A_199, %swap3A_200], %swap3A_203 {strides = array<i32>} : memref<80x128xf32, #tpu.memory_space<vmem>>, vector<1x16xf32>,
      %swap3A_204 = arith.index_cast %scan3A_173 : i32 to index
      %swap3A_205 = arith.constant 96 : index
      %swap3A_206 = tpu.vector_load %arg6[%swap3A_204, %swap3A_205] {strides = array<i32>} : memref<80x128xf32, #tpu.memory_space<vmem>>, vector<1x16xf32>,
      %swap3A_207 = vector.shape_cast %swap3A_206 : vector<1x16xf32> to vector<16xf32>
      %swap3A_208 = vector.shape_cast %broadcast_in_dim3A_5 : vector<16xf32> to vector<1x16xf32>
      tpu.vector_store %arg6[%swap3A_204, %swap3A_205], %swap3A_208 {strides = array<i32>} : memref<80x128xf32, #tpu.memory_space<vmem>>, vector<1x16xf32>,
      %swap3A_209 = arith.index_cast %scan3A_173 : i32 to index
      %swap3A_210 = arith.constant 112 : index
      %swap3A_211 = tpu.vector_load %arg6[%swap3A_209, %swap3A_210] {strides = array<i32>} : memref<80x128xf32, #tpu.memory_space<vmem>>, vector<1x16xf32>,
      %swap3A_212 = vector.shape_cast %swap3A_211 : vector<1x16xf32> to vector<16xf32>
      %swap3A_213 = vector.shape_cast %broadcast_in_dim3A_5 : vector<16xf32> to vector<1x16xf32>
      tpu.vector_store %arg6[%swap3A_209, %swap3A_210], %swap3A_213 {strides = array<i32>} : memref<80x128xf32, #tpu.memory_space<vmem>>, vector<1x16xf32>,
      %scan3A_214 = arith.constant 3 : i32
      %scan3A_215 = arith.addi %scan3A_90, %scan3A_214 : i32
      %swap3A_216 = arith.index_cast %scan3A_215 : i32 to index
      %swap3A_217 = arith.constant 0 : index
      %swap3A_218 = tpu.vector_load %arg6[%swap3A_216, %swap3A_217] {strides = array<i32>} : memref<80x128xf32, #tpu.memory_space<vmem>>, vector<1x16xf32>,
      %swap3A_219 = vector.shape_cast %swap3A_218 : vector<1x16xf32> to vector<16xf32>
      %swap3A_220 = vector.shape_cast %broadcast_in_dim3A_5 : vector<16xf32> to vector<1x16xf32>
      tpu.vector_store %arg6[%swap3A_216, %swap3A_217], %swap3A_220 {strides = array<i32>} : memref<80x128xf32, #tpu.memory_space<vmem>>, vector<1x16xf32>,
      %swap3A_221 = arith.index_cast %scan3A_215 : i32 to index
      %swap3A_222 = arith.constant 16 : index
      %swap3A_223 = tpu.vector_load %arg6[%swap3A_221, %swap3A_222] {strides = array<i32>} : memref<80x128xf32, #tpu.memory_space<vmem>>, vector<1x16xf32>,
      %swap3A_224 = vector.shape_cast %swap3A_223 : vector<1x16xf32> to vector<16xf32>
      %swap3A_225 = vector.shape_cast %broadcast_in_dim3A_5 : vector<16xf32> to vector<1x16xf32>
      tpu.vector_store %arg6[%swap3A_221, %swap3A_222], %swap3A_225 {strides = array<i32>} : memref<80x128xf32, #tpu.memory_space<vmem>>, vector<1x16xf32>,
      %swap3A_226 = arith.index_cast %scan3A_215 : i32 to index
      %swap3A_227 = arith.constant 32 : index
      %swap3A_228 = tpu.vector_load %arg6[%swap3A_226, %swap3A_227] {strides = array<i32>} : memref<80x128xf32, #tpu.memory_space<vmem>>, vector<1x16xf32>,
      %swap3A_229 = vector.shape_cast %swap3A_228 : vector<1x16xf32> to vector<16xf32>
      %swap3A_230 = vector.shape_cast %broadcast_in_dim3A_5 : vector<16xf32> to vector<1x16xf32>
      tpu.vector_store %arg6[%swap3A_226, %swap3A_227], %swap3A_230 {strides = array<i32>} : memref<80x128xf32, #tpu.memory_space<vmem>>, vector<1x16xf32>,
      %swap3A_231 = arith.index_cast %scan3A_215 : i32 to index
      %swap3A_232 = arith.constant 48 : index
      %swap3A_233 = tpu.vector_load %arg6[%swap3A_231, %swap3A_232] {strides = array<i32>} : memref<80x128xf32, #tpu.memory_space<vmem>>, vector<1x16xf32>,
      %swap3A_234 = vector.shape_cast %swap3A_233 : vector<1x16xf32> to vector<16xf32>
      %swap3A_235 = vector.shape_cast %broadcast_in_dim3A_5 : vector<16xf32> to vector<1x16xf32>
      tpu.vector_store %arg6[%swap3A_231, %swap3A_232], %swap3A_235 {strides = array<i32>} : memref<80x128xf32, #tpu.memory_space<vmem>>, vector<1x16xf32>,
      %swap3A_236 = arith.index_cast %scan3A_215 : i32 to index
      %swap3A_237 = arith.constant 64 : index
      %swap3A_238 = tpu.vector_load %arg6[%swap3A_236, %swap3A_237] {strides = array<i32>} : memref<80x128xf32, #tpu.memory_space<vmem>>, vector<1x16xf32>,
      %swap3A_239 = vector.shape_cast %swap3A_238 : vector<1x16xf32> to vector<16xf32>
      %swap3A_240 = vector.shape_cast %broadcast_in_dim3A_5 : vector<16xf32> to vector<1x16xf32>
      tpu.vector_store %arg6[%swap3A_236, %swap3A_237], %swap3A_240 {strides = array<i32>} : memref<80x128xf32, #tpu.memory_space<vmem>>, vector<1x16xf32>,
      %swap3A_241 = arith.index_cast %scan3A_215 : i32 to index
      %swap3A_242 = arith.constant 80 : index
      %swap3A_243 = tpu.vector_load %arg6[%swap3A_241, %swap3A_242] {strides = array<i32>} : memref<80x128xf32, #tpu.memory_space<vmem>>, vector<1x16xf32>,
      %swap3A_244 = vector.shape_cast %swap3A_243 : vector<1x16xf32> to vector<16xf32>
      %swap3A_245 = vector.shape_cast %broadcast_in_dim3A_5 : vector<16xf32> to vector<1x16xf32>
      tpu.vector_store %arg6[%swap3A_241, %swap3A_242], %swap3A_245 {strides = array<i32>} : memref<80x128xf32, #tpu.memory_space<vmem>>, vector<1x16xf32>,
      %swap3A_246 = arith.index_cast %scan3A_215 : i32 to index
      %swap3A_247 = arith.constant 96 : index
      %swap3A_248 = tpu.vector_load %arg6[%swap3A_246, %swap3A_247] {strides = array<i32>} : memref<80x128xf32, #tpu.memory_space<vmem>>, vector<1x16xf32>,
      %swap3A_249 = vector.shape_cast %swap3A_248 : vector<1x16xf32> to vector<16xf32>
      %swap3A_250 = vector.shape_cast %broadcast_in_dim3A_5 : vector<16xf32> to vector<1x16xf32>
      tpu.vector_store %arg6[%swap3A_246, %swap3A_247], %swap3A_250 {strides = array<i32>} : memref<80x128xf32, #tpu.memory_space<vmem>>, vector<1x16xf32>,
      %swap3A_251 = arith.index_cast %scan3A_215 : i32 to index
      %swap3A_252 = arith.constant 112 : index
      %swap3A_253 = tpu.vector_load %arg6[%swap3A_251, %swap3A_252] {strides = array<i32>} : memref<80x128xf32, #tpu.memory_space<vmem>>, vector<1x16xf32>,
      %swap3A_254 = vector.shape_cast %swap3A_253 : vector<1x16xf32> to vector<16xf32>
      %swap3A_255 = vector.shape_cast %broadcast_in_dim3A_5 : vector<16xf32> to vector<1x16xf32>
      tpu.vector_store %arg6[%swap3A_251, %swap3A_252], %swap3A_255 {strides = array<i32>} : memref<80x128xf32, #tpu.memory_space<vmem>>, vector<1x16xf32>,
    }
    %scan3A_10 = arith.constant 80 : i32
    %add3A_11 = arith.constant 0 : i32
    %add3A_12 = arith.addi %mul3A_4, %add3A_11 : i32
    "tpu.region"() ({
      %run_scoped3A = tpu.sem_alloc : memref<!tpu.dma_semaphore, #tpu.memory_space<semaphore_mem>>
      %dma_start3A = arith.constant 0 : i32
      %dma_start3A_90 = tpu.memref_slice %arg8[%add3A_12, %dma_start3A] : memref<10240x128xf32, #tpu.memory_space<vmem_shared>> -> memref<80x128xf32, #tpu.memory_space<vmem_shared>>
      %dma_start3A_91 = arith.constant 0 : i32
      %dma_start3A_92 = tpu.memref_slice %arg8[%add3A_12, %dma_start3A_91] : memref<10240x128xf32, #tpu.memory_space<vmem_shared>> -> memref<80x128xf32, #tpu.memory_space<vmem_shared>>
      tpu.enqueue_dma source(%arg6 : memref<80x128xf32, #tpu.memory_space<vmem>>) target(%dma_start3A_92 : memref<80x128xf32, #tpu.memory_space<vmem_shared>>) target_semaphore(%run_scoped3A : memref<!tpu.dma_semaphore, #tpu.memory_space<semaphore_mem>>)
      %dma_wait3A = arith.constant 0 : i32
      %dma_wait3A_93 = tpu.memref_slice %arg8[%add3A_12, %dma_wait3A] : memref<10240x128xf32, #tpu.memory_space<vmem_shared>> -> memref<80x128xf32, #tpu.memory_space<vmem_shared>>
      %dma_wait3A_94 = arith.constant 0 : i32
      %dma_wait3A_95 = tpu.memref_slice %arg8[%add3A_12, %dma_wait3A_94] : memref<10240x128xf32, #tpu.memory_space<vmem_shared>> -> memref<80x128xf32, #tpu.memory_space<vmem_shared>>
      tpu.wait_dma2 semaphore(%run_scoped3A : memref<!tpu.dma_semaphore, #tpu.memory_space<semaphore_mem>>) src(%arg6 : memref<80x128xf32, #tpu.memory_space<vmem>>) dst(%dma_wait3A_95 : memref<80x128xf32, #tpu.memory_space<vmem_shared>>)
      tpu.yield
    }) : () -> ()
    %add3A_13 = arith.constant 80 : i32
    %add3A_14 = arith.addi %mul3A_4, %add3A_13 : i32
    "tpu.region"() ({
      %run_scoped3A = tpu.sem_alloc : memref<!tpu.dma_semaphore, #tpu.memory_space<semaphore_mem>>
      %dma_start3A = arith.constant 0 : i32
      %dma_start3A_90 = tpu.memref_slice %arg8[%add3A_14, %dma_start3A] : memref<10240x128xf32, #tpu.memory_space<vmem_shared>> -> memref<80x128xf32, #tpu.memory_space<vmem_shared>>
      %dma_start3A_91 = arith.constant 0 : i32
      %dma_start3A_92 = tpu.memref_slice %arg8[%add3A_14, %dma_start3A_91] : memref<10240x128xf32, #tpu.memory_space<vmem_shared>> -> memref<80x128xf32, #tpu.memory_space<vmem_shared>>
      tpu.enqueue_dma source(%arg6 : memref<80x128xf32, #tpu.memory_space<vmem>>) target(%dma_start3A_92 : memref<80x128xf32, #tpu.memory_space<vmem_shared>>) target_semaphore(%run_scoped3A : memref<!tpu.dma_semaphore, #tpu.memory_space<semaphore_mem>>)
      %dma_wait3A = arith.constant 0 : i32
      %dma_wait3A_93 = tpu.memref_slice %arg8[%add3A_14, %dma_wait3A] : memref<10240x128xf32, #tpu.memory_space<vmem_shared>> -> memref<80x128xf32, #tpu.memory_space<vmem_shared>>
      %dma_wait3A_94 = arith.constant 0 : i32
      %dma_wait3A_95 = tpu.memref_slice %arg8[%add3A_14, %dma_wait3A_94] : memref<10240x128xf32, #tpu.memory_space<vmem_shared>> -> memref<80x128xf32, #tpu.memory_space<vmem_shared>>
      tpu.wait_dma2 semaphore(%run_scoped3A : memref<!tpu.dma_semaphore, #tpu.memory_space<semaphore_mem>>) src(%arg6 : memref<80x128xf32, #tpu.memory_space<vmem>>) dst(%dma_wait3A_95 : memref<80x128xf32, #tpu.memory_space<vmem_shared>>)
      tpu.yield
    }) : () -> ()
    %add3A_15 = arith.constant 160 : i32
    %add3A_16 = arith.addi %mul3A_4, %add3A_15 : i32
    "tpu.region"() ({
      %run_scoped3A = tpu.sem_alloc : memref<!tpu.dma_semaphore, #tpu.memory_space<semaphore_mem>>
      %dma_start3A = arith.constant 0 : i32
      %dma_start3A_90 = tpu.memref_slice %arg8[%add3A_16, %dma_start3A] : memref<10240x128xf32, #tpu.memory_space<vmem_shared>> -> memref<80x128xf32, #tpu.memory_space<vmem_shared>>
      %dma_start3A_91 = arith.constant 0 : i32
      %dma_start3A_92 = tpu.memref_slice %arg8[%add3A_16, %dma_start3A_91] : memref<10240x128xf32, #tpu.memory_space<vmem_shared>> -> memref<80x128xf32, #tpu.memory_space<vmem_shared>>
      tpu.enqueue_dma source(%arg6 : memref<80x128xf32, #tpu.memory_space<vmem>>) target(%dma_start3A_92 : memref<80x128xf32, #tpu.memory_space<vmem_shared>>) target_semaphore(%run_scoped3A : memref<!tpu.dma_semaphore, #tpu.memory_space<semaphore_mem>>)
      %dma_wait3A = arith.constant 0 : i32
      %dma_wait3A_93 = tpu.memref_slice %arg8[%add3A_16, %dma_wait3A] : memref<10240x128xf32, #tpu.memory_space<vmem_shared>> -> memref<80x128xf32, #tpu.memory_space<vmem_shared>>
      %dma_wait3A_94 = arith.constant 0 : i32
      %dma_wait3A_95 = tpu.memref_slice %arg8[%add3A_16, %dma_wait3A_94] : memref<10240x128xf32, #tpu.memory_space<vmem_shared>> -> memref<80x128xf32, #tpu.memory_space<vmem_shared>>
      tpu.wait_dma2 semaphore(%run_scoped3A : memref<!tpu.dma_semaphore, #tpu.memory_space<semaphore_mem>>) src(%arg6 : memref<80x128xf32, #tpu.memory_space<vmem>>) dst(%dma_wait3A_95 : memref<80x128xf32, #tpu.memory_space<vmem_shared>>)
      tpu.yield
    }) : () -> ()
    %add3A_17 = arith.constant 240 : i32
    %add3A_18 = arith.addi %mul3A_4, %add3A_17 : i32
    "tpu.region"() ({
      %run_scoped3A = tpu.sem_alloc : memref<!tpu.dma_semaphore, #tpu.memory_space<semaphore_mem>>
      %dma_start3A = arith.constant 0 : i32
      %dma_start3A_90 = tpu.memref_slice %arg8[%add3A_18, %dma_start3A] : memref<10240x128xf32, #tpu.memory_space<vmem_shared>> -> memref<80x128xf32, #tpu.memory_space<vmem_shared>>
      %dma_start3A_91 = arith.constant 0 : i32
      %dma_start3A_92 = tpu.memref_slice %arg8[%add3A_18, %dma_start3A_91] : memref<10240x128xf32, #tpu.memory_space<vmem_shared>> -> memref<80x128xf32, #tpu.memory_space<vmem_shared>>
      tpu.enqueue_dma source(%arg6 : memref<80x128xf32, #tpu.memory_space<vmem>>) target(%dma_start3A_92 : memref<80x128xf32, #tpu.memory_space<vmem_shared>>) target_semaphore(%run_scoped3A : memref<!tpu.dma_semaphore, #tpu.memory_space<semaphore_mem>>)
      %dma_wait3A = arith.constant 0 : i32
      %dma_wait3A_93 = tpu.memref_slice %arg8[%add3A_18, %dma_wait3A] : memref<10240x128xf32, #tpu.memory_space<vmem_shared>> -> memref<80x128xf32, #tpu.memory_space<vmem_shared>>
      %dma_wait3A_94 = arith.constant 0 : i32
      %dma_wait3A_95 = tpu.memref_slice %arg8[%add3A_18, %dma_wait3A_94] : memref<10240x128xf32, #tpu.memory_space<vmem_shared>> -> memref<80x128xf32, #tpu.memory_space<vmem_shared>>
      tpu.wait_dma2 semaphore(%run_scoped3A : memref<!tpu.dma_semaphore, #tpu.memory_space<semaphore_mem>>) src(%arg6 : memref<80x128xf32, #tpu.memory_space<vmem>>) dst(%dma_wait3A_95 : memref<80x128xf32, #tpu.memory_space<vmem_shared>>)
      tpu.yield
    }) : () -> ()
    %add3A_19 = arith.constant 320 : i32
    %add3A_20 = arith.addi %mul3A_4, %add3A_19 : i32
    "tpu.region"() ({
      %run_scoped3A = tpu.sem_alloc : memref<!tpu.dma_semaphore, #tpu.memory_space<semaphore_mem>>
      %dma_start3A = arith.constant 0 : i32
      %dma_start3A_90 = tpu.memref_slice %arg8[%add3A_20, %dma_start3A] : memref<10240x128xf32, #tpu.memory_space<vmem_shared>> -> memref<80x128xf32, #tpu.memory_space<vmem_shared>>
      %dma_start3A_91 = arith.constant 0 : i32
      %dma_start3A_92 = tpu.memref_slice %arg8[%add3A_20, %dma_start3A_91] : memref<10240x128xf32, #tpu.memory_space<vmem_shared>> -> memref<80x128xf32, #tpu.memory_space<vmem_shared>>
      tpu.enqueue_dma source(%arg6 : memref<80x128xf32, #tpu.memory_space<vmem>>) target(%dma_start3A_92 : memref<80x128xf32, #tpu.memory_space<vmem_shared>>) target_semaphore(%run_scoped3A : memref<!tpu.dma_semaphore, #tpu.memory_space<semaphore_mem>>)
      %dma_wait3A = arith.constant 0 : i32
      %dma_wait3A_93 = tpu.memref_slice %arg8[%add3A_20, %dma_wait3A] : memref<10240x128xf32, #tpu.memory_space<vmem_shared>> -> memref<80x128xf32, #tpu.memory_space<vmem_shared>>
      %dma_wait3A_94 = arith.constant 0 : i32
      %dma_wait3A_95 = tpu.memref_slice %arg8[%add3A_20, %dma_wait3A_94] : memref<10240x128xf32, #tpu.memory_space<vmem_shared>> -> memref<80x128xf32, #tpu.memory_space<vmem_shared>>
      tpu.wait_dma2 semaphore(%run_scoped3A : memref<!tpu.dma_semaphore, #tpu.memory_space<semaphore_mem>>) src(%arg6 : memref<80x128xf32, #tpu.memory_space<vmem>>) dst(%dma_wait3A_95 : memref<80x128xf32, #tpu.memory_space<vmem_shared>>)
      tpu.yield
    }) : () -> ()
    %add3A_21 = arith.constant 400 : i32
    %add3A_22 = arith.addi %mul3A_4, %add3A_21 : i32
    "tpu.region"() ({
      %run_scoped3A = tpu.sem_alloc : memref<!tpu.dma_semaphore, #tpu.memory_space<semaphore_mem>>
      %dma_start3A = arith.constant 0 : i32
      %dma_start3A_90 = tpu.memref_slice %arg8[%add3A_22, %dma_start3A] : memref<10240x128xf32, #tpu.memory_space<vmem_shared>> -> memref<80x128xf32, #tpu.memory_space<vmem_shared>>
      %dma_start3A_91 = arith.constant 0 : i32
      %dma_start3A_92 = tpu.memref_slice %arg8[%add3A_22, %dma_start3A_91] : memref<10240x128xf32, #tpu.memory_space<vmem_shared>> -> memref<80x128xf32, #tpu.memory_space<vmem_shared>>
      tpu.enqueue_dma source(%arg6 : memref<80x128xf32, #tpu.memory_space<vmem>>) target(%dma_start3A_92 : memref<80x128xf32, #tpu.memory_space<vmem_shared>>) target_semaphore(%run_scoped3A : memref<!tpu.dma_semaphore, #tpu.memory_space<semaphore_mem>>)
      %dma_wait3A = arith.constant 0 : i32
      %dma_wait3A_93 = tpu.memref_slice %arg8[%add3A_22, %dma_wait3A] : memref<10240x128xf32, #tpu.memory_space<vmem_shared>> -> memref<80x128xf32, #tpu.memory_space<vmem_shared>>
      %dma_wait3A_94 = arith.constant 0 : i32
      %dma_wait3A_95 = tpu.memref_slice %arg8[%add3A_22, %dma_wait3A_94] : memref<10240x128xf32, #tpu.memory_space<vmem_shared>> -> memref<80x128xf32, #tpu.memory_space<vmem_shared>>
      tpu.wait_dma2 semaphore(%run_scoped3A : memref<!tpu.dma_semaphore, #tpu.memory_space<semaphore_mem>>) src(%arg6 : memref<80x128xf32, #tpu.memory_space<vmem>>) dst(%dma_wait3A_95 : memref<80x128xf32, #tpu.memory_space<vmem_shared>>)
      tpu.yield
    }) : () -> ()
    %add3A_23 = arith.constant 480 : i32
    %add3A_24 = arith.addi %mul3A_4, %add3A_23 : i32
    "tpu.region"() ({
      %run_scoped3A = tpu.sem_alloc : memref<!tpu.dma_semaphore, #tpu.memory_space<semaphore_mem>>
      %dma_start3A = arith.constant 0 : i32
      %dma_start3A_90 = tpu.memref_slice %arg8[%add3A_24, %dma_start3A] : memref<10240x128xf32, #tpu.memory_space<vmem_shared>> -> memref<80x128xf32, #tpu.memory_space<vmem_shared>>
      %dma_start3A_91 = arith.constant 0 : i32
      %dma_start3A_92 = tpu.memref_slice %arg8[%add3A_24, %dma_start3A_91] : memref<10240x128xf32, #tpu.memory_space<vmem_shared>> -> memref<80x128xf32, #tpu.memory_space<vmem_shared>>
      tpu.enqueue_dma source(%arg6 : memref<80x128xf32, #tpu.memory_space<vmem>>) target(%dma_start3A_92 : memref<80x128xf32, #tpu.memory_space<vmem_shared>>) target_semaphore(%run_scoped3A : memref<!tpu.dma_semaphore, #tpu.memory_space<semaphore_mem>>)
      %dma_wait3A = arith.constant 0 : i32
      %dma_wait3A_93 = tpu.memref_slice %arg8[%add3A_24, %dma_wait3A] : memref<10240x128xf32, #tpu.memory_space<vmem_shared>> -> memref<80x128xf32, #tpu.memory_space<vmem_shared>>
      %dma_wait3A_94 = arith.constant 0 : i32
      %dma_wait3A_95 = tpu.memref_slice %arg8[%add3A_24, %dma_wait3A_94] : memref<10240x128xf32, #tpu.memory_space<vmem_shared>> -> memref<80x128xf32, #tpu.memory_space<vmem_shared>>
      tpu.wait_dma2 semaphore(%run_scoped3A : memref<!tpu.dma_semaphore, #tpu.memory_space<semaphore_mem>>) src(%arg6 : memref<80x128xf32, #tpu.memory_space<vmem>>) dst(%dma_wait3A_95 : memref<80x128xf32, #tpu.memory_space<vmem_shared>>)
      tpu.yield
    }) : () -> ()
    %add3A_25 = arith.constant 560 : i32
    %add3A_26 = arith.addi %mul3A_4, %add3A_25 : i32
    "tpu.region"() ({
      %run_scoped3A = tpu.sem_alloc : memref<!tpu.dma_semaphore, #tpu.memory_space<semaphore_mem>>
      %dma_start3A = arith.constant 0 : i32
      %dma_start3A_90 = tpu.memref_slice %arg8[%add3A_26, %dma_start3A] : memref<10240x128xf32, #tpu.memory_space<vmem_shared>> -> memref<80x128xf32, #tpu.memory_space<vmem_shared>>
      %dma_start3A_91 = arith.constant 0 : i32
      %dma_start3A_92 = tpu.memref_slice %arg8[%add3A_26, %dma_start3A_91] : memref<10240x128xf32, #tpu.memory_space<vmem_shared>> -> memref<80x128xf32, #tpu.memory_space<vmem_shared>>
      tpu.enqueue_dma source(%arg6 : memref<80x128xf32, #tpu.memory_space<vmem>>) target(%dma_start3A_92 : memref<80x128xf32, #tpu.memory_space<vmem_shared>>) target_semaphore(%run_scoped3A : memref<!tpu.dma_semaphore, #tpu.memory_space<semaphore_mem>>)
      %dma_wait3A = arith.constant 0 : i32
      %dma_wait3A_93 = tpu.memref_slice %arg8[%add3A_26, %dma_wait3A] : memref<10240x128xf32, #tpu.memory_space<vmem_shared>> -> memref<80x128xf32, #tpu.memory_space<vmem_shared>>
      %dma_wait3A_94 = arith.constant 0 : i32
      %dma_wait3A_95 = tpu.memref_slice %arg8[%add3A_26, %dma_wait3A_94] : memref<10240x128xf32, #tpu.memory_space<vmem_shared>> -> memref<80x128xf32, #tpu.memory_space<vmem_shared>>
      tpu.wait_dma2 semaphore(%run_scoped3A : memref<!tpu.dma_semaphore, #tpu.memory_space<semaphore_mem>>) src(%arg6 : memref<80x128xf32, #tpu.memory_space<vmem>>) dst(%dma_wait3A_95 : memref<80x128xf32, #tpu.memory_space<vmem_shared>>)
      tpu.yield
    }) : () -> ()
    %barrier3A = arith.constant 0 : index
    tpu.barrier barrier_id(%barrier3A)
    %scan3A_27 = arith.constant 0 : i32
    %scan3A_28 = arith.constant 0 : i32
    %scan3A_29 = arith.constant 125 : i32
    %scan3A_30 = arith.addi %scan3A_28, %scan3A_29 : i32
    %scan3A_31 = arith.constant 1 : i32
    scf.for %scan3A_90 = %scan3A_28 to %scan3A_30 step %scan3A_31  : i32 {
      %mul3A_91 = arith.constant 80 : i32
      %mul3A_92 = arith.muli %scan3A_90, %mul3A_91 : i32
      %add3A_93 = arith.addi %mul3A_2, %mul3A_92 : i32
      "tpu.region"() ({
        %run_scoped3A = tpu.sem_alloc : memref<!tpu.dma_semaphore, #tpu.memory_space<semaphore_mem>>
        %dma_start3A = tpu.memref_slice %arg3[%add3A_93] : memref<320000xi32, #tpu.memory_space<hbm>> -> memref<80xi32, #tpu.memory_space<hbm>>
        %dma_start3A_94 = tpu.memref_slice %arg3[%add3A_93] : memref<320000xi32, #tpu.memory_space<hbm>> -> memref<80xi32, #tpu.memory_space<hbm>>
        tpu.enqueue_dma source(%dma_start3A_94 : memref<80xi32, #tpu.memory_space<hbm>>) target(%arg5 : memref<80xi32, #tpu.memory_space<vmem>>) target_semaphore(%run_scoped3A : memref<!tpu.dma_semaphore, #tpu.memory_space<semaphore_mem>>)
        %dma_wait3A = tpu.memref_slice %arg3[%add3A_93] : memref<320000xi32, #tpu.memory_space<hbm>> -> memref<80xi32, #tpu.memory_space<hbm>>
        %dma_wait3A_95 = tpu.memref_slice %arg3[%add3A_93] : memref<320000xi32, #tpu.memory_space<hbm>> -> memref<80xi32, #tpu.memory_space<hbm>>
        tpu.wait_dma2 semaphore(%run_scoped3A : memref<!tpu.dma_semaphore, #tpu.memory_space<semaphore_mem>>) src(%dma_wait3A_95 : memref<80xi32, #tpu.memory_space<hbm>>) dst(%arg5 : memref<80xi32, #tpu.memory_space<vmem>>)
        tpu.yield
      }) : () -> ()
      "tpu.region"() ({
        %run_scoped3A = tpu.sem_alloc : memref<!tpu.dma_semaphore, #tpu.memory_space<semaphore_mem>>
        %dma_start3A = arith.constant 0 : i32
        %dma_start3A_94 = tpu.memref_slice %arg2[%add3A_93, %dma_start3A] : memref<320000x128xf32, #tpu.memory_space<hbm>> -> memref<80x128xf32, #tpu.memory_space<hbm>>
        %dma_start3A_95 = arith.constant 0 : i32
        %dma_start3A_96 = tpu.memref_slice %arg2[%add3A_93, %dma_start3A_95] : memref<320000x128xf32, #tpu.memory_space<hbm>> -> memref<80x128xf32, #tpu.memory_space<hbm>>
        tpu.enqueue_dma source(%dma_start3A_96 : memref<80x128xf32, #tpu.memory_space<hbm>>) target(%arg6 : memref<80x128xf32, #tpu.memory_space<vmem>>) target_semaphore(%run_scoped3A : memref<!tpu.dma_semaphore, #tpu.memory_space<semaphore_mem>>)
        %dma_wait3A = arith.constant 0 : i32
        %dma_wait3A_97 = tpu.memref_slice %arg2[%add3A_93, %dma_wait3A] : memref<320000x128xf32, #tpu.memory_space<hbm>> -> memref<80x128xf32, #tpu.memory_space<hbm>>
        %dma_wait3A_98 = arith.constant 0 : i32
        %dma_wait3A_99 = tpu.memref_slice %arg2[%add3A_93, %dma_wait3A_98] : memref<320000x128xf32, #tpu.memory_space<hbm>> -> memref<80x128xf32, #tpu.memory_space<hbm>>
        tpu.wait_dma2 semaphore(%run_scoped3A : memref<!tpu.dma_semaphore, #tpu.memory_space<semaphore_mem>>) src(%dma_wait3A_99 : memref<80x128xf32, #tpu.memory_space<hbm>>) dst(%arg6 : memref<80x128xf32, #tpu.memory_space<vmem>>)
        tpu.yield
      }) : () -> ()
      "tpu.region"() ({
        %run_scoped3A = tpu.sem_alloc : memref<!tpu.dma_semaphore, #tpu.memory_space<semaphore_mem>>
        %dma_start3A = arith.constant 0 : i32
        %dma_start3A_94 = arith.constant 0 : i32
        %dma_start3A_95 = tpu.memref_slice %arg8[%dma_start3A, %dma_start3A_94] : memref<10240x128xf32, #tpu.memory_space<vmem_shared>> -> memref<10240x128xf32, #tpu.memory_space<vmem_shared>>
        tpu.enqueue_indirect_dma source(%arg6 : memref<80x128xf32, #tpu.memory_space<vmem>>) target(%dma_start3A_95 : memref<10240x128xf32, #tpu.memory_space<vmem_shared>>) offsets(%arg5 : memref<80xi32, #tpu.memory_space<vmem>>) semaphore(%run_scoped3A : memref<!tpu.dma_semaphore, #tpu.memory_space<semaphore_mem>>) {add = true}
        %dma_wait3A = arith.constant 0 : i32
        %dma_wait3A_96 = arith.constant 0 : i32
        %dma_wait3A_97 = tpu.memref_slice %arg8[%dma_wait3A, %dma_wait3A_96] : memref<10240x128xf32, #tpu.memory_space<vmem_shared>> -> memref<10240x128xf32, #tpu.memory_space<vmem_shared>>
        tpu.wait_indirect_dma semaphore(%run_scoped3A : memref<!tpu.dma_semaphore, #tpu.memory_space<semaphore_mem>>) src(%arg6 : memref<80x128xf32, #tpu.memory_space<vmem>>) dst(%dma_wait3A_97 : memref<10240x128xf32, #tpu.memory_space<vmem_shared>>)
        tpu.yield
      }) : () -> ()
    }
    %scan3A_32 = arith.constant 125 : i32
    %barrier3A_33 = arith.constant 0 : index
    tpu.barrier barrier_id(%barrier3A_33)
    %add3A_34 = arith.constant 0 : i32
    %add3A_35 = arith.addi %mul3A_4, %add3A_34 : i32
    %mul3A_36 = arith.constant 10240 : i32
    %mul3A_37 = arith.muli %arg0, %mul3A_36 : i32
    %add3A_38 = arith.addi %mul3A_37, %mul3A_4 : i32
    %add3A_39 = arith.constant 0 : i32
    %add3A_40 = arith.addi %add3A_38, %add3A_39 : i32
    "tpu.region"() ({
      %run_scoped3A = tpu.sem_alloc : memref<!tpu.dma_semaphore, #tpu.memory_space<semaphore_mem>>
      %dma_start3A = arith.constant 0 : i32
      %dma_start3A_90 = tpu.memref_slice %arg8[%add3A_35, %dma_start3A] : memref<10240x128xf32, #tpu.memory_space<vmem_shared>> -> memref<80x128xf32, #tpu.memory_space<vmem_shared>>
      %dma_start3A_91 = arith.constant 0 : i32
      %dma_start3A_92 = tpu.memref_slice %arg8[%add3A_35, %dma_start3A_91] : memref<10240x128xf32, #tpu.memory_space<vmem_shared>> -> memref<80x128xf32, #tpu.memory_space<vmem_shared>>
      tpu.enqueue_dma source(%dma_start3A_92 : memref<80x128xf32, #tpu.memory_space<vmem_shared>>) target(%arg6 : memref<80x128xf32, #tpu.memory_space<vmem>>) target_semaphore(%run_scoped3A : memref<!tpu.dma_semaphore, #tpu.memory_space<semaphore_mem>>)
      %dma_wait3A = arith.constant 0 : i32
      %dma_wait3A_93 = tpu.memref_slice %arg8[%add3A_35, %dma_wait3A] : memref<10240x128xf32, #tpu.memory_space<vmem_shared>> -> memref<80x128xf32, #tpu.memory_space<vmem_shared>>
      %dma_wait3A_94 = arith.constant 0 : i32
      %dma_wait3A_95 = tpu.memref_slice %arg8[%add3A_35, %dma_wait3A_94] : memref<10240x128xf32, #tpu.memory_space<vmem_shared>> -> memref<80x128xf32, #tpu.memory_space<vmem_shared>>
      tpu.wait_dma2 semaphore(%run_scoped3A : memref<!tpu.dma_semaphore, #tpu.memory_space<semaphore_mem>>) src(%dma_wait3A_95 : memref<80x128xf32, #tpu.memory_space<vmem_shared>>) dst(%arg6 : memref<80x128xf32, #tpu.memory_space<vmem>>)
      tpu.yield
    }) : () -> ()
    "tpu.region"() ({
      %run_scoped3A = tpu.sem_alloc : memref<!tpu.dma_semaphore, #tpu.memory_space<semaphore_mem>>
      %dma_start3A = arith.constant 0 : i32
      %dma_start3A_90 = tpu.memref_slice %arg4[%add3A_40, %dma_start3A] : memref<20480x128xf32, #tpu.memory_space<hbm>> -> memref<80x128xf32, #tpu.memory_space<hbm>>
      %dma_start3A_91 = arith.constant 0 : i32
      %dma_start3A_92 = tpu.memref_slice %arg4[%add3A_40, %dma_start3A_91] : memref<20480x128xf32, #tpu.memory_space<hbm>> -> memref<80x128xf32, #tpu.memory_space<hbm>>
      tpu.enqueue_dma source(%arg6 : memref<80x128xf32, #tpu.memory_space<vmem>>) target(%dma_start3A_92 : memref<80x128xf32, #tpu.memory_space<hbm>>) target_semaphore(%run_scoped3A : memref<!tpu.dma_semaphore, #tpu.memory_space<semaphore_mem>>)
      %dma_wait3A = arith.constant 0 : i32
      %dma_wait3A_93 = tpu.memref_slice %arg4[%add3A_40, %dma_wait3A] : memref<20480x128xf32, #tpu.memory_space<hbm>> -> memref<80x128xf32, #tpu.memory_space<hbm>>
      %dma_wait3A_94 = arith.constant 0 : i32
      %dma_wait3A_95 = tpu.memref_slice %arg4[%add3A_40, %dma_wait3A_94] : memref<20480x128xf32, #tpu.memory_space<hbm>> -> memref<80x128xf32, #tpu.memory_space<hbm>>
      tpu.wait_dma2 semaphore(%run_scoped3A : memref<!tpu.dma_semaphore, #tpu.memory_space<semaphore_mem>>) src(%arg6 : memref<80x128xf32, #tpu.memory_space<vmem>>) dst(%dma_wait3A_95 : memref<80x128xf32, #tpu.memory_space<hbm>>)
      tpu.yield
    }) : () -> ()
    %add3A_41 = arith.constant 80 : i32
    %add3A_42 = arith.addi %mul3A_4, %add3A_41 : i32
    %mul3A_43 = arith.constant 10240 : i32
    %mul3A_44 = arith.muli %arg0, %mul3A_43 : i32
    %add3A_45 = arith.addi %mul3A_44, %mul3A_4 : i32
    %add3A_46 = arith.constant 80 : i32
    %add3A_47 = arith.addi %add3A_45, %add3A_46 : i32
    "tpu.region"() ({
      %run_scoped3A = tpu.sem_alloc : memref<!tpu.dma_semaphore, #tpu.memory_space<semaphore_mem>>
      %dma_start3A = arith.constant 0 : i32
      %dma_start3A_90 = tpu.memref_slice %arg8[%add3A_42, %dma_start3A] : memref<10240x128xf32, #tpu.memory_space<vmem_shared>> -> memref<80x128xf32, #tpu.memory_space<vmem_shared>>
      %dma_start3A_91 = arith.constant 0 : i32
      %dma_start3A_92 = tpu.memref_slice %arg8[%add3A_42, %dma_start3A_91] : memref<10240x128xf32, #tpu.memory_space<vmem_shared>> -> memref<80x128xf32, #tpu.memory_space<vmem_shared>>
      tpu.enqueue_dma source(%dma_start3A_92 : memref<80x128xf32, #tpu.memory_space<vmem_shared>>) target(%arg6 : memref<80x128xf32, #tpu.memory_space<vmem>>) target_semaphore(%run_scoped3A : memref<!tpu.dma_semaphore, #tpu.memory_space<semaphore_mem>>)
      %dma_wait3A = arith.constant 0 : i32
      %dma_wait3A_93 = tpu.memref_slice %arg8[%add3A_42, %dma_wait3A] : memref<10240x128xf32, #tpu.memory_space<vmem_shared>> -> memref<80x128xf32, #tpu.memory_space<vmem_shared>>
      %dma_wait3A_94 = arith.constant 0 : i32
      %dma_wait3A_95 = tpu.memref_slice %arg8[%add3A_42, %dma_wait3A_94] : memref<10240x128xf32, #tpu.memory_space<vmem_shared>> -> memref<80x128xf32, #tpu.memory_space<vmem_shared>>
      tpu.wait_dma2 semaphore(%run_scoped3A : memref<!tpu.dma_semaphore, #tpu.memory_space<semaphore_mem>>) src(%dma_wait3A_95 : memref<80x128xf32, #tpu.memory_space<vmem_shared>>) dst(%arg6 : memref<80x128xf32, #tpu.memory_space<vmem>>)
      tpu.yield
    }) : () -> ()
    "tpu.region"() ({
      %run_scoped3A = tpu.sem_alloc : memref<!tpu.dma_semaphore, #tpu.memory_space<semaphore_mem>>
      %dma_start3A = arith.constant 0 : i32
      %dma_start3A_90 = tpu.memref_slice %arg4[%add3A_47, %dma_start3A] : memref<20480x128xf32, #tpu.memory_space<hbm>> -> memref<80x128xf32, #tpu.memory_space<hbm>>
      %dma_start3A_91 = arith.constant 0 : i32
      %dma_start3A_92 = tpu.memref_slice %arg4[%add3A_47, %dma_start3A_91] : memref<20480x128xf32, #tpu.memory_space<hbm>> -> memref<80x128xf32, #tpu.memory_space<hbm>>
      tpu.enqueue_dma source(%arg6 : memref<80x128xf32, #tpu.memory_space<vmem>>) target(%dma_start3A_92 : memref<80x128xf32, #tpu.memory_space<hbm>>) target_semaphore(%run_scoped3A : memref<!tpu.dma_semaphore, #tpu.memory_space<semaphore_mem>>)
      %dma_wait3A = arith.constant 0 : i32
      %dma_wait3A_93 = tpu.memref_slice %arg4[%add3A_47, %dma_wait3A] : memref<20480x128xf32, #tpu.memory_space<hbm>> -> memref<80x128xf32, #tpu.memory_space<hbm>>
      %dma_wait3A_94 = arith.constant 0 : i32
      %dma_wait3A_95 = tpu.memref_slice %arg4[%add3A_47, %dma_wait3A_94] : memref<20480x128xf32, #tpu.memory_space<hbm>> -> memref<80x128xf32, #tpu.memory_space<hbm>>
      tpu.wait_dma2 semaphore(%run_scoped3A : memref<!tpu.dma_semaphore, #tpu.memory_space<semaphore_mem>>) src(%arg6 : memref<80x128xf32, #tpu.memory_space<vmem>>) dst(%dma_wait3A_95 : memref<80x128xf32, #tpu.memory_space<hbm>>)
      tpu.yield
    }) : () -> ()
    %add3A_48 = arith.constant 160 : i32
    %add3A_49 = arith.addi %mul3A_4, %add3A_48 : i32
    %mul3A_50 = arith.constant 10240 : i32
    %mul3A_51 = arith.muli %arg0, %mul3A_50 : i32
    %add3A_52 = arith.addi %mul3A_51, %mul3A_4 : i32
    %add3A_53 = arith.constant 160 : i32
    %add3A_54 = arith.addi %add3A_52, %add3A_53 : i32
    "tpu.region"() ({
      %run_scoped3A = tpu.sem_alloc : memref<!tpu.dma_semaphore, #tpu.memory_space<semaphore_mem>>
      %dma_start3A = arith.constant 0 : i32
      %dma_start3A_90 = tpu.memref_slice %arg8[%add3A_49, %dma_start3A] : memref<10240x128xf32, #tpu.memory_space<vmem_shared>> -> memref<80x128xf32, #tpu.memory_space<vmem_shared>>
      %dma_start3A_91 = arith.constant 0 : i32
      %dma_start3A_92 = tpu.memref_slice %arg8[%add3A_49, %dma_start3A_91] : memref<10240x128xf32, #tpu.memory_space<vmem_shared>> -> memref<80x128xf32, #tpu.memory_space<vmem_shared>>
      tpu.enqueue_dma source(%dma_start3A_92 : memref<80x128xf32, #tpu.memory_space<vmem_shared>>) target(%arg6 : memref<80x128xf32, #tpu.memory_space<vmem>>) target_semaphore(%run_scoped3A : memref<!tpu.dma_semaphore, #tpu.memory_space<semaphore_mem>>)
      %dma_wait3A = arith.constant 0 : i32
      %dma_wait3A_93 = tpu.memref_slice %arg8[%add3A_49, %dma_wait3A] : memref<10240x128xf32, #tpu.memory_space<vmem_shared>> -> memref<80x128xf32, #tpu.memory_space<vmem_shared>>
      %dma_wait3A_94 = arith.constant 0 : i32
      %dma_wait3A_95 = tpu.memref_slice %arg8[%add3A_49, %dma_wait3A_94] : memref<10240x128xf32, #tpu.memory_space<vmem_shared>> -> memref<80x128xf32, #tpu.memory_space<vmem_shared>>
      tpu.wait_dma2 semaphore(%run_scoped3A : memref<!tpu.dma_semaphore, #tpu.memory_space<semaphore_mem>>) src(%dma_wait3A_95 : memref<80x128xf32, #tpu.memory_space<vmem_shared>>) dst(%arg6 : memref<80x128xf32, #tpu.memory_space<vmem>>)
      tpu.yield
    }) : () -> ()
    "tpu.region"() ({
      %run_scoped3A = tpu.sem_alloc : memref<!tpu.dma_semaphore, #tpu.memory_space<semaphore_mem>>
      %dma_start3A = arith.constant 0 : i32
      %dma_start3A_90 = tpu.memref_slice %arg4[%add3A_54, %dma_start3A] : memref<20480x128xf32, #tpu.memory_space<hbm>> -> memref<80x128xf32, #tpu.memory_space<hbm>>
      %dma_start3A_91 = arith.constant 0 : i32
      %dma_start3A_92 = tpu.memref_slice %arg4[%add3A_54, %dma_start3A_91] : memref<20480x128xf32, #tpu.memory_space<hbm>> -> memref<80x128xf32, #tpu.memory_space<hbm>>
      tpu.enqueue_dma source(%arg6 : memref<80x128xf32, #tpu.memory_space<vmem>>) target(%dma_start3A_92 : memref<80x128xf32, #tpu.memory_space<hbm>>) target_semaphore(%run_scoped3A : memref<!tpu.dma_semaphore, #tpu.memory_space<semaphore_mem>>)
      %dma_wait3A = arith.constant 0 : i32
      %dma_wait3A_93 = tpu.memref_slice %arg4[%add3A_54, %dma_wait3A] : memref<20480x128xf32, #tpu.memory_space<hbm>> -> memref<80x128xf32, #tpu.memory_space<hbm>>
      %dma_wait3A_94 = arith.constant 0 : i32
      %dma_wait3A_95 = tpu.memref_slice %arg4[%add3A_54, %dma_wait3A_94] : memref<20480x128xf32, #tpu.memory_space<hbm>> -> memref<80x128xf32, #tpu.memory_space<hbm>>
      tpu.wait_dma2 semaphore(%run_scoped3A : memref<!tpu.dma_semaphore, #tpu.memory_space<semaphore_mem>>) src(%arg6 : memref<80x128xf32, #tpu.memory_space<vmem>>) dst(%dma_wait3A_95 : memref<80x128xf32, #tpu.memory_space<hbm>>)
      tpu.yield
    }) : () -> ()
    %add3A_55 = arith.constant 240 : i32
    %add3A_56 = arith.addi %mul3A_4, %add3A_55 : i32
    %mul3A_57 = arith.constant 10240 : i32
    %mul3A_58 = arith.muli %arg0, %mul3A_57 : i32
    %add3A_59 = arith.addi %mul3A_58, %mul3A_4 : i32
    %add3A_60 = arith.constant 240 : i32
    %add3A_61 = arith.addi %add3A_59, %add3A_60 : i32
    "tpu.region"() ({
      %run_scoped3A = tpu.sem_alloc : memref<!tpu.dma_semaphore, #tpu.memory_space<semaphore_mem>>
      %dma_start3A = arith.constant 0 : i32
      %dma_start3A_90 = tpu.memref_slice %arg8[%add3A_56, %dma_start3A] : memref<10240x128xf32, #tpu.memory_space<vmem_shared>> -> memref<80x128xf32, #tpu.memory_space<vmem_shared>>
      %dma_start3A_91 = arith.constant 0 : i32
      %dma_start3A_92 = tpu.memref_slice %arg8[%add3A_56, %dma_start3A_91] : memref<10240x128xf32, #tpu.memory_space<vmem_shared>> -> memref<80x128xf32, #tpu.memory_space<vmem_shared>>
      tpu.enqueue_dma source(%dma_start3A_92 : memref<80x128xf32, #tpu.memory_space<vmem_shared>>) target(%arg6 : memref<80x128xf32, #tpu.memory_space<vmem>>) target_semaphore(%run_scoped3A : memref<!tpu.dma_semaphore, #tpu.memory_space<semaphore_mem>>)
      %dma_wait3A = arith.constant 0 : i32
      %dma_wait3A_93 = tpu.memref_slice %arg8[%add3A_56, %dma_wait3A] : memref<10240x128xf32, #tpu.memory_space<vmem_shared>> -> memref<80x128xf32, #tpu.memory_space<vmem_shared>>
      %dma_wait3A_94 = arith.constant 0 : i32
      %dma_wait3A_95 = tpu.memref_slice %arg8[%add3A_56, %dma_wait3A_94] : memref<10240x128xf32, #tpu.memory_space<vmem_shared>> -> memref<80x128xf32, #tpu.memory_space<vmem_shared>>
      tpu.wait_dma2 semaphore(%run_scoped3A : memref<!tpu.dma_semaphore, #tpu.memory_space<semaphore_mem>>) src(%dma_wait3A_95 : memref<80x128xf32, #tpu.memory_space<vmem_shared>>) dst(%arg6 : memref<80x128xf32, #tpu.memory_space<vmem>>)
      tpu.yield
    }) : () -> ()
    "tpu.region"() ({
      %run_scoped3A = tpu.sem_alloc : memref<!tpu.dma_semaphore, #tpu.memory_space<semaphore_mem>>
      %dma_start3A = arith.constant 0 : i32
      %dma_start3A_90 = tpu.memref_slice %arg4[%add3A_61, %dma_start3A] : memref<20480x128xf32, #tpu.memory_space<hbm>> -> memref<80x128xf32, #tpu.memory_space<hbm>>
      %dma_start3A_91 = arith.constant 0 : i32
      %dma_start3A_92 = tpu.memref_slice %arg4[%add3A_61, %dma_start3A_91] : memref<20480x128xf32, #tpu.memory_space<hbm>> -> memref<80x128xf32, #tpu.memory_space<hbm>>
      tpu.enqueue_dma source(%arg6 : memref<80x128xf32, #tpu.memory_space<vmem>>) target(%dma_start3A_92 : memref<80x128xf32, #tpu.memory_space<hbm>>) target_semaphore(%run_scoped3A : memref<!tpu.dma_semaphore, #tpu.memory_space<semaphore_mem>>)
      %dma_wait3A = arith.constant 0 : i32
      %dma_wait3A_93 = tpu.memref_slice %arg4[%add3A_61, %dma_wait3A] : memref<20480x128xf32, #tpu.memory_space<hbm>> -> memref<80x128xf32, #tpu.memory_space<hbm>>
      %dma_wait3A_94 = arith.constant 0 : i32
      %dma_wait3A_95 = tpu.memref_slice %arg4[%add3A_61, %dma_wait3A_94] : memref<20480x128xf32, #tpu.memory_space<hbm>> -> memref<80x128xf32, #tpu.memory_space<hbm>>
      tpu.wait_dma2 semaphore(%run_scoped3A : memref<!tpu.dma_semaphore, #tpu.memory_space<semaphore_mem>>) src(%arg6 : memref<80x128xf32, #tpu.memory_space<vmem>>) dst(%dma_wait3A_95 : memref<80x128xf32, #tpu.memory_space<hbm>>)
      tpu.yield
    }) : () -> ()
    %add3A_62 = arith.constant 320 : i32
    %add3A_63 = arith.addi %mul3A_4, %add3A_62 : i32
    %mul3A_64 = arith.constant 10240 : i32
    %mul3A_65 = arith.muli %arg0, %mul3A_64 : i32
    %add3A_66 = arith.addi %mul3A_65, %mul3A_4 : i32
    %add3A_67 = arith.constant 320 : i32
    %add3A_68 = arith.addi %add3A_66, %add3A_67 : i32
    "tpu.region"() ({
      %run_scoped3A = tpu.sem_alloc : memref<!tpu.dma_semaphore, #tpu.memory_space<semaphore_mem>>
      %dma_start3A = arith.constant 0 : i32
      %dma_start3A_90 = tpu.memref_slice %arg8[%add3A_63, %dma_start3A] : memref<10240x128xf32, #tpu.memory_space<vmem_shared>> -> memref<80x128xf32, #tpu.memory_space<vmem_shared>>
      %dma_start3A_91 = arith.constant 0 : i32
      %dma_start3A_92 = tpu.memref_slice %arg8[%add3A_63, %dma_start3A_91] : memref<10240x128xf32, #tpu.memory_space<vmem_shared>> -> memref<80x128xf32, #tpu.memory_space<vmem_shared>>
      tpu.enqueue_dma source(%dma_start3A_92 : memref<80x128xf32, #tpu.memory_space<vmem_shared>>) target(%arg6 : memref<80x128xf32, #tpu.memory_space<vmem>>) target_semaphore(%run_scoped3A : memref<!tpu.dma_semaphore, #tpu.memory_space<semaphore_mem>>)
      %dma_wait3A = arith.constant 0 : i32
      %dma_wait3A_93 = tpu.memref_slice %arg8[%add3A_63, %dma_wait3A] : memref<10240x128xf32, #tpu.memory_space<vmem_shared>> -> memref<80x128xf32, #tpu.memory_space<vmem_shared>>
      %dma_wait3A_94 = arith.constant 0 : i32
      %dma_wait3A_95 = tpu.memref_slice %arg8[%add3A_63, %dma_wait3A_94] : memref<10240x128xf32, #tpu.memory_space<vmem_shared>> -> memref<80x128xf32, #tpu.memory_space<vmem_shared>>
      tpu.wait_dma2 semaphore(%run_scoped3A : memref<!tpu.dma_semaphore, #tpu.memory_space<semaphore_mem>>) src(%dma_wait3A_95 : memref<80x128xf32, #tpu.memory_space<vmem_shared>>) dst(%arg6 : memref<80x128xf32, #tpu.memory_space<vmem>>)
      tpu.yield
    }) : () -> ()
    "tpu.region"() ({
      %run_scoped3A = tpu.sem_alloc : memref<!tpu.dma_semaphore, #tpu.memory_space<semaphore_mem>>
      %dma_start3A = arith.constant 0 : i32
      %dma_start3A_90 = tpu.memref_slice %arg4[%add3A_68, %dma_start3A] : memref<20480x128xf32, #tpu.memory_space<hbm>> -> memref<80x128xf32, #tpu.memory_space<hbm>>
      %dma_start3A_91 = arith.constant 0 : i32
      %dma_start3A_92 = tpu.memref_slice %arg4[%add3A_68, %dma_start3A_91] : memref<20480x128xf32, #tpu.memory_space<hbm>> -> memref<80x128xf32, #tpu.memory_space<hbm>>
      tpu.enqueue_dma source(%arg6 : memref<80x128xf32, #tpu.memory_space<vmem>>) target(%dma_start3A_92 : memref<80x128xf32, #tpu.memory_space<hbm>>) target_semaphore(%run_scoped3A : memref<!tpu.dma_semaphore, #tpu.memory_space<semaphore_mem>>)
      %dma_wait3A = arith.constant 0 : i32
      %dma_wait3A_93 = tpu.memref_slice %arg4[%add3A_68, %dma_wait3A] : memref<20480x128xf32, #tpu.memory_space<hbm>> -> memref<80x128xf32, #tpu.memory_space<hbm>>
      %dma_wait3A_94 = arith.constant 0 : i32
      %dma_wait3A_95 = tpu.memref_slice %arg4[%add3A_68, %dma_wait3A_94] : memref<20480x128xf32, #tpu.memory_space<hbm>> -> memref<80x128xf32, #tpu.memory_space<hbm>>
      tpu.wait_dma2 semaphore(%run_scoped3A : memref<!tpu.dma_semaphore, #tpu.memory_space<semaphore_mem>>) src(%arg6 : memref<80x128xf32, #tpu.memory_space<vmem>>) dst(%dma_wait3A_95 : memref<80x128xf32, #tpu.memory_space<hbm>>)
      tpu.yield
    }) : () -> ()
    %add3A_69 = arith.constant 400 : i32
    %add3A_70 = arith.addi %mul3A_4, %add3A_69 : i32
    %mul3A_71 = arith.constant 10240 : i32
    %mul3A_72 = arith.muli %arg0, %mul3A_71 : i32
    %add3A_73 = arith.addi %mul3A_72, %mul3A_4 : i32
    %add3A_74 = arith.constant 400 : i32
    %add3A_75 = arith.addi %add3A_73, %add3A_74 : i32
    "tpu.region"() ({
      %run_scoped3A = tpu.sem_alloc : memref<!tpu.dma_semaphore, #tpu.memory_space<semaphore_mem>>
      %dma_start3A = arith.constant 0 : i32
      %dma_start3A_90 = tpu.memref_slice %arg8[%add3A_70, %dma_start3A] : memref<10240x128xf32, #tpu.memory_space<vmem_shared>> -> memref<80x128xf32, #tpu.memory_space<vmem_shared>>
      %dma_start3A_91 = arith.constant 0 : i32
      %dma_start3A_92 = tpu.memref_slice %arg8[%add3A_70, %dma_start3A_91] : memref<10240x128xf32, #tpu.memory_space<vmem_shared>> -> memref<80x128xf32, #tpu.memory_space<vmem_shared>>
      tpu.enqueue_dma source(%dma_start3A_92 : memref<80x128xf32, #tpu.memory_space<vmem_shared>>) target(%arg6 : memref<80x128xf32, #tpu.memory_space<vmem>>) target_semaphore(%run_scoped3A : memref<!tpu.dma_semaphore, #tpu.memory_space<semaphore_mem>>)
      %dma_wait3A = arith.constant 0 : i32
      %dma_wait3A_93 = tpu.memref_slice %arg8[%add3A_70, %dma_wait3A] : memref<10240x128xf32, #tpu.memory_space<vmem_shared>> -> memref<80x128xf32, #tpu.memory_space<vmem_shared>>
      %dma_wait3A_94 = arith.constant 0 : i32
      %dma_wait3A_95 = tpu.memref_slice %arg8[%add3A_70, %dma_wait3A_94] : memref<10240x128xf32, #tpu.memory_space<vmem_shared>> -> memref<80x128xf32, #tpu.memory_space<vmem_shared>>
      tpu.wait_dma2 semaphore(%run_scoped3A : memref<!tpu.dma_semaphore, #tpu.memory_space<semaphore_mem>>) src(%dma_wait3A_95 : memref<80x128xf32, #tpu.memory_space<vmem_shared>>) dst(%arg6 : memref<80x128xf32, #tpu.memory_space<vmem>>)
      tpu.yield
    }) : () -> ()
    "tpu.region"() ({
      %run_scoped3A = tpu.sem_alloc : memref<!tpu.dma_semaphore, #tpu.memory_space<semaphore_mem>>
      %dma_start3A = arith.constant 0 : i32
      %dma_start3A_90 = tpu.memref_slice %arg4[%add3A_75, %dma_start3A] : memref<20480x128xf32, #tpu.memory_space<hbm>> -> memref<80x128xf32, #tpu.memory_space<hbm>>
      %dma_start3A_91 = arith.constant 0 : i32
      %dma_start3A_92 = tpu.memref_slice %arg4[%add3A_75, %dma_start3A_91] : memref<20480x128xf32, #tpu.memory_space<hbm>> -> memref<80x128xf32, #tpu.memory_space<hbm>>
      tpu.enqueue_dma source(%arg6 : memref<80x128xf32, #tpu.memory_space<vmem>>) target(%dma_start3A_92 : memref<80x128xf32, #tpu.memory_space<hbm>>) target_semaphore(%run_scoped3A : memref<!tpu.dma_semaphore, #tpu.memory_space<semaphore_mem>>)
      %dma_wait3A = arith.constant 0 : i32
      %dma_wait3A_93 = tpu.memref_slice %arg4[%add3A_75, %dma_wait3A] : memref<20480x128xf32, #tpu.memory_space<hbm>> -> memref<80x128xf32, #tpu.memory_space<hbm>>
      %dma_wait3A_94 = arith.constant 0 : i32
      %dma_wait3A_95 = tpu.memref_slice %arg4[%add3A_75, %dma_wait3A_94] : memref<20480x128xf32, #tpu.memory_space<hbm>> -> memref<80x128xf32, #tpu.memory_space<hbm>>
      tpu.wait_dma2 semaphore(%run_scoped3A : memref<!tpu.dma_semaphore, #tpu.memory_space<semaphore_mem>>) src(%arg6 : memref<80x128xf32, #tpu.memory_space<vmem>>) dst(%dma_wait3A_95 : memref<80x128xf32, #tpu.memory_space<hbm>>)
      tpu.yield
    }) : () -> ()
    %add3A_76 = arith.constant 480 : i32
    %add3A_77 = arith.addi %mul3A_4, %add3A_76 : i32
    %mul3A_78 = arith.constant 10240 : i32
    %mul3A_79 = arith.muli %arg0, %mul3A_78 : i32
    %add3A_80 = arith.addi %mul3A_79, %mul3A_4 : i32
    %add3A_81 = arith.constant 480 : i32
    %add3A_82 = arith.addi %add3A_80, %add3A_81 : i32
    "tpu.region"() ({
      %run_scoped3A = tpu.sem_alloc : memref<!tpu.dma_semaphore, #tpu.memory_space<semaphore_mem>>
      %dma_start3A = arith.constant 0 : i32
      %dma_start3A_90 = tpu.memref_slice %arg8[%add3A_77, %dma_start3A] : memref<10240x128xf32, #tpu.memory_space<vmem_shared>> -> memref<80x128xf32, #tpu.memory_space<vmem_shared>>
      %dma_start3A_91 = arith.constant 0 : i32
      %dma_start3A_92 = tpu.memref_slice %arg8[%add3A_77, %dma_start3A_91] : memref<10240x128xf32, #tpu.memory_space<vmem_shared>> -> memref<80x128xf32, #tpu.memory_space<vmem_shared>>
      tpu.enqueue_dma source(%dma_start3A_92 : memref<80x128xf32, #tpu.memory_space<vmem_shared>>) target(%arg6 : memref<80x128xf32, #tpu.memory_space<vmem>>) target_semaphore(%run_scoped3A : memref<!tpu.dma_semaphore, #tpu.memory_space<semaphore_mem>>)
      %dma_wait3A = arith.constant 0 : i32
      %dma_wait3A_93 = tpu.memref_slice %arg8[%add3A_77, %dma_wait3A] : memref<10240x128xf32, #tpu.memory_space<vmem_shared>> -> memref<80x128xf32, #tpu.memory_space<vmem_shared>>
      %dma_wait3A_94 = arith.constant 0 : i32
      %dma_wait3A_95 = tpu.memref_slice %arg8[%add3A_77, %dma_wait3A_94] : memref<10240x128xf32, #tpu.memory_space<vmem_shared>> -> memref<80x128xf32, #tpu.memory_space<vmem_shared>>
      tpu.wait_dma2 semaphore(%run_scoped3A : memref<!tpu.dma_semaphore, #tpu.memory_space<semaphore_mem>>) src(%dma_wait3A_95 : memref<80x128xf32, #tpu.memory_space<vmem_shared>>) dst(%arg6 : memref<80x128xf32, #tpu.memory_space<vmem>>)
      tpu.yield
    }) : () -> ()
    "tpu.region"() ({
      %run_scoped3A = tpu.sem_alloc : memref<!tpu.dma_semaphore, #tpu.memory_space<semaphore_mem>>
      %dma_start3A = arith.constant 0 : i32
      %dma_start3A_90 = tpu.memref_slice %arg4[%add3A_82, %dma_start3A] : memref<20480x128xf32, #tpu.memory_space<hbm>> -> memref<80x128xf32, #tpu.memory_space<hbm>>
      %dma_start3A_91 = arith.constant 0 : i32
      %dma_start3A_92 = tpu.memref_slice %arg4[%add3A_82, %dma_start3A_91] : memref<20480x128xf32, #tpu.memory_space<hbm>> -> memref<80x128xf32, #tpu.memory_space<hbm>>
      tpu.enqueue_dma source(%arg6 : memref<80x128xf32, #tpu.memory_space<vmem>>) target(%dma_start3A_92 : memref<80x128xf32, #tpu.memory_space<hbm>>) target_semaphore(%run_scoped3A : memref<!tpu.dma_semaphore, #tpu.memory_space<semaphore_mem>>)
      %dma_wait3A = arith.constant 0 : i32
      %dma_wait3A_93 = tpu.memref_slice %arg4[%add3A_82, %dma_wait3A] : memref<20480x128xf32, #tpu.memory_space<hbm>> -> memref<80x128xf32, #tpu.memory_space<hbm>>
      %dma_wait3A_94 = arith.constant 0 : i32
      %dma_wait3A_95 = tpu.memref_slice %arg4[%add3A_82, %dma_wait3A_94] : memref<20480x128xf32, #tpu.memory_space<hbm>> -> memref<80x128xf32, #tpu.memory_space<hbm>>
      tpu.wait_dma2 semaphore(%run_scoped3A : memref<!tpu.dma_semaphore, #tpu.memory_space<semaphore_mem>>) src(%arg6 : memref<80x128xf32, #tpu.memory_space<vmem>>) dst(%dma_wait3A_95 : memref<80x128xf32, #tpu.memory_space<hbm>>)
      tpu.yield
    }) : () -> ()
    %add3A_83 = arith.constant 560 : i32
    %add3A_84 = arith.addi %mul3A_4, %add3A_83 : i32
    %mul3A_85 = arith.constant 10240 : i32
    %mul3A_86 = arith.muli %arg0, %mul3A_85 : i32
    %add3A_87 = arith.addi %mul3A_86, %mul3A_4 : i32
    %add3A_88 = arith.constant 560 : i32
    %add3A_89 = arith.addi %add3A_87, %add3A_88 : i32
    "tpu.region"() ({
      %run_scoped3A = tpu.sem_alloc : memref<!tpu.dma_semaphore, #tpu.memory_space<semaphore_mem>>
      %dma_start3A = arith.constant 0 : i32
      %dma_start3A_90 = tpu.memref_slice %arg8[%add3A_84, %dma_start3A] : memref<10240x128xf32, #tpu.memory_space<vmem_shared>> -> memref<80x128xf32, #tpu.memory_space<vmem_shared>>
      %dma_start3A_91 = arith.constant 0 : i32
      %dma_start3A_92 = tpu.memref_slice %arg8[%add3A_84, %dma_start3A_91] : memref<10240x128xf32, #tpu.memory_space<vmem_shared>> -> memref<80x128xf32, #tpu.memory_space<vmem_shared>>
      tpu.enqueue_dma source(%dma_start3A_92 : memref<80x128xf32, #tpu.memory_space<vmem_shared>>) target(%arg6 : memref<80x128xf32, #tpu.memory_space<vmem>>) target_semaphore(%run_scoped3A : memref<!tpu.dma_semaphore, #tpu.memory_space<semaphore_mem>>)
      %dma_wait3A = arith.constant 0 : i32
      %dma_wait3A_93 = tpu.memref_slice %arg8[%add3A_84, %dma_wait3A] : memref<10240x128xf32, #tpu.memory_space<vmem_shared>> -> memref<80x128xf32, #tpu.memory_space<vmem_shared>>
      %dma_wait3A_94 = arith.constant 0 : i32
      %dma_wait3A_95 = tpu.memref_slice %arg8[%add3A_84, %dma_wait3A_94] : memref<10240x128xf32, #tpu.memory_space<vmem_shared>> -> memref<80x128xf32, #tpu.memory_space<vmem_shared>>
      tpu.wait_dma2 semaphore(%run_scoped3A : memref<!tpu.dma_semaphore, #tpu.memory_space<semaphore_mem>>) src(%dma_wait3A_95 : memref<80x128xf32, #tpu.memory_space<vmem_shared>>) dst(%arg6 : memref<80x128xf32, #tpu.memory_space<vmem>>)
      tpu.yield
    }) : () -> ()
    "tpu.region"() ({
      %run_scoped3A = tpu.sem_alloc : memref<!tpu.dma_semaphore, #tpu.memory_space<semaphore_mem>>
      %dma_start3A = arith.constant 0 : i32
      %dma_start3A_90 = tpu.memref_slice %arg4[%add3A_89, %dma_start3A] : memref<20480x128xf32, #tpu.memory_space<hbm>> -> memref<80x128xf32, #tpu.memory_space<hbm>>
      %dma_start3A_91 = arith.constant 0 : i32
      %dma_start3A_92 = tpu.memref_slice %arg4[%add3A_89, %dma_start3A_91] : memref<20480x128xf32, #tpu.memory_space<hbm>> -> memref<80x128xf32, #tpu.memory_space<hbm>>
      tpu.enqueue_dma source(%arg6 : memref<80x128xf32, #tpu.memory_space<vmem>>) target(%dma_start3A_92 : memref<80x128xf32, #tpu.memory_space<hbm>>) target_semaphore(%run_scoped3A : memref<!tpu.dma_semaphore, #tpu.memory_space<semaphore_mem>>)
      %dma_wait3A = arith.constant 0 : i32
      %dma_wait3A_93 = tpu.memref_slice %arg4[%add3A_89, %dma_wait3A] : memref<20480x128xf32, #tpu.memory_space<hbm>> -> memref<80x128xf32, #tpu.memory_space<hbm>>
      %dma_wait3A_94 = arith.constant 0 : i32
      %dma_wait3A_95 = tpu.memref_slice %arg4[%add3A_89, %dma_wait3A_94] : memref<20480x128xf32, #tpu.memory_space<hbm>> -> memref<80x128xf32, #tpu.memory_space<hbm>>
      tpu.wait_dma2 semaphore(%run_scoped3A : memref<!tpu.dma_semaphore, #tpu.memory_space<semaphore_mem>>) src(%arg6 : memref<80x128xf32, #tpu.memory_space<vmem>>) dst(%dma_wait3A_95 : memref<80x128xf32, #tpu.memory_space<hbm>>)
      tpu.yield
    }) : () -> ()
    return
  }
}

module attributes {stable_mosaic.version = 14 : i64} {
  func.func @_stage0_body(%arg0: i32, %arg1: memref<2000x128xf32, #tpu.memory_space<vmem>>, %arg2: memref<128x128xf32, #tpu.memory_space<vmem>>, %arg3: memref<128x128xf32, #tpu.memory_space<vmem>>, %arg4: memref<1x128xf32, #tpu.memory_space<vmem>>, %arg5: memref<2000x128xf32, #tpu.memory_space<vmem>>, %arg6: memref<2000x128xf32, #tpu.memory_space<vmem>>) attributes {dimension_semantics = [#tpu.dimension_semantics<arbitrary>], iteration_bounds = array<i64: 5>, scalar_prefetch = 0 : i64, scratch_operands = 0 : i64, tpu.core_type = #tpu.core_type<tc>, window_params = [{transform_indices = @transform_0, window_bounds = array<i64: 2000, 128>}, {pipeline_mode = #tpu.pipeline_mode<synchronous>, transform_indices = @transform_1, window_bounds = array<i64: 128, 128>}, {pipeline_mode = #tpu.pipeline_mode<synchronous>, transform_indices = @transform_2, window_bounds = array<i64: 128, 128>}, {pipeline_mode = #tpu.pipeline_mode<synchronous>, transform_indices = @transform_3, window_bounds = array<i64: 1, 128>}, {transform_indices = @transform_4, window_bounds = array<i64: 2000, 128>}, {transform_indices = @transform_5, window_bounds = array<i64: 2000, 128>}]} {
    %get3A = arith.constant 0 : index
    %get3A_0 = arith.constant 0 : index
    %get3A_1 = vector.load %arg1[%get3A, %get3A_0] : memref<2000x128xf32, #tpu.memory_space<vmem>>, vector<2000x128xf32>
    %get3A_2 = arith.constant 0 : index
    %get3A_3 = arith.constant 0 : index
    %get3A_4 = vector.load %arg2[%get3A_2, %get3A_3] : memref<128x128xf32, #tpu.memory_space<vmem>>, vector<128x128xf32>
    %dot_general3A = arith.constant dense<0.000000e+00> : vector<2000x128xf32>
    %dot_general3A_5 = tpu.matmul %get3A_1, %get3A_4, %dot_general3A {dimension_numbers = #tpu.dot_dimension_numbers<[1], [0], [0], [1], [0, 0, 1, 1], [], []>, transpose_lhs_hint = false} : vector<2000x128xf32>, vector<128x128xf32>, vector<2000x128xf32> -> vector<2000x128xf32>
    %get3A_6 = arith.constant 0 : index
    %get3A_7 = arith.constant 0 : index
    %get3A_8 = vector.load %arg4[%get3A_6, %get3A_7] : memref<1x128xf32, #tpu.memory_space<vmem>>, vector<1x128xf32>
    %add3A = vector.broadcast %get3A_8 : vector<1x128xf32> to vector<2000x128xf32>
    %add3A_9 = arith.addf %dot_general3A_5, %add3A : vector<2000x128xf32>
    %swap3A = arith.constant 0 : index
    %swap3A_10 = arith.constant 0 : index
    %swap3A_11 = vector.load %arg5[%swap3A, %swap3A_10] : memref<2000x128xf32, #tpu.memory_space<vmem>>, vector<2000x128xf32>
    tpu.vector_store %arg5[%swap3A, %swap3A_10], %add3A_9 {strides = array<i32>} : memref<2000x128xf32, #tpu.memory_space<vmem>>, vector<2000x128xf32>,
    %get3A_12 = arith.constant 0 : index
    %get3A_13 = arith.constant 0 : index
    %get3A_14 = vector.load %arg3[%get3A_12, %get3A_13] : memref<128x128xf32, #tpu.memory_space<vmem>>, vector<128x128xf32>
    %dot_general3A_15 = arith.constant dense<0.000000e+00> : vector<2000x128xf32>
    %dot_general3A_16 = tpu.matmul %get3A_1, %get3A_14, %dot_general3A_15 {dimension_numbers = #tpu.dot_dimension_numbers<[1], [0], [0], [1], [0, 0, 1, 1], [], []>, transpose_lhs_hint = false} : vector<2000x128xf32>, vector<128x128xf32>, vector<2000x128xf32> -> vector<2000x128xf32>
    %swap3A_17 = arith.constant 0 : index
    %swap3A_18 = arith.constant 0 : index
    %swap3A_19 = vector.load %arg6[%swap3A_17, %swap3A_18] : memref<2000x128xf32, #tpu.memory_space<vmem>>, vector<2000x128xf32>
    tpu.vector_store %arg6[%swap3A_17, %swap3A_18], %dot_general3A_16 {strides = array<i32>} : memref<2000x128xf32, #tpu.memory_space<vmem>>, vector<2000x128xf32>,
    return
  }
  func.func @transform_0(%arg0: i32) -> (i32, i32) {
    %c0_i32 = arith.constant 0 : i32
    %c0_i32_0 = arith.constant 0 : i32
    return %arg0, %c0_i32 : i32, i32
  }
  func.func @transform_1(%arg0: i32) -> (i32, i32) {
    %c0_i32 = arith.constant 0 : i32
    %c0_i32_0 = arith.constant 0 : i32
    %c0_i32_1 = arith.constant 0 : i32
    return %c0_i32, %c0_i32_0 : i32, i32
  }
  func.func @transform_2(%arg0: i32) -> (i32, i32) {
    %c0_i32 = arith.constant 0 : i32
    %c0_i32_0 = arith.constant 0 : i32
    %c0_i32_1 = arith.constant 0 : i32
    return %c0_i32, %c0_i32_0 : i32, i32
  }
  func.func @transform_3(%arg0: i32) -> (i32, i32) {
    %c0_i32 = arith.constant 0 : i32
    %c0_i32_0 = arith.constant 0 : i32
    %c0_i32_1 = arith.constant 0 : i32
    return %c0_i32, %c0_i32_0 : i32, i32
  }
  func.func @transform_4(%arg0: i32) -> (i32, i32) {
    %c0_i32 = arith.constant 0 : i32
    %c0_i32_0 = arith.constant 0 : i32
    return %arg0, %c0_i32 : i32, i32
  }
  func.func @transform_5(%arg0: i32) -> (i32, i32) {
    %c0_i32 = arith.constant 0 : i32
    %c0_i32_0 = arith.constant 0 : i32
    return %arg0, %c0_i32 : i32, i32
  }
}

module attributes {stable_mosaic.version = 14 : i64} {
  func.func @_stage2_body(%arg0: i32, %arg1: memref<2560x128xf32, #tpu.memory_space<vmem>>, %arg2: memref<2560x128xf32, #tpu.memory_space<vmem>>, %arg3: memref<2560x128xf32, #tpu.memory_space<vmem>>, %arg4: memref<2560x1xf32, #tpu.memory_space<vmem>>, %arg5: memref<2560x1xf32, #tpu.memory_space<vmem>>, %arg6: memref<2560x1xf32, #tpu.memory_space<vmem>>, %arg7: memref<2560x1xf32, #tpu.memory_space<vmem>>, %arg8: memref<128x128xf32, #tpu.memory_space<vmem>>, %arg9: memref<1x128xf32, #tpu.memory_space<vmem>>, %arg10: memref<128x128xf32, #tpu.memory_space<vmem>>, %arg11: memref<1x128xf32, #tpu.memory_space<vmem>>, %arg12: memref<128x128xf32, #tpu.memory_space<vmem>>, %arg13: memref<1x128xf32, #tpu.memory_space<vmem>>, %arg14: memref<128x1xf32, #tpu.memory_space<vmem>>, %arg15: memref<2560x128xf32, #tpu.memory_space<vmem>>, %arg16: memref<2560x16xf32, #tpu.memory_space<vmem>>) attributes {dimension_semantics = [#tpu.dimension_semantics<arbitrary>], iteration_bounds = array<i64: 125>, scalar_prefetch = 0 : i64, scratch_operands = 0 : i64, tpu.core_type = #tpu.core_type<tc>, window_params = [{transform_indices = @transform_0, window_bounds = array<i64: 2560, 128>}, {transform_indices = @transform_1, window_bounds = array<i64: 2560, 128>}, {transform_indices = @transform_2, window_bounds = array<i64: 2560, 128>}, {transform_indices = @transform_3, window_bounds = array<i64: 2560, 1>}, {transform_indices = @transform_4, window_bounds = array<i64: 2560, 1>}, {transform_indices = @transform_5, window_bounds = array<i64: 2560, 1>}, {transform_indices = @transform_6, window_bounds = array<i64: 2560, 1>}, {pipeline_mode = #tpu.pipeline_mode<synchronous>, transform_indices = @transform_7, window_bounds = array<i64: 128, 128>}, {pipeline_mode = #tpu.pipeline_mode<synchronous>, transform_indices = @transform_8, window_bounds = array<i64: 1, 128>}, {pipeline_mode = #tpu.pipeline_mode<synchronous>, transform_indices = @transform_9, window_bounds = array<i64: 128, 128>}, {pipeline_mode = #tpu.pipeline_mode<synchronous>, transform_indices = @transform_10, window_bounds = array<i64: 1, 128>}, {pipeline_mode = #tpu.pipeline_mode<synchronous>, transform_indices = @transform_11, window_bounds = array<i64: 128, 128>}, {pipeline_mode = #tpu.pipeline_mode<synchronous>, transform_indices = @transform_12, window_bounds = array<i64: 1, 128>}, {pipeline_mode = #tpu.pipeline_mode<synchronous>, transform_indices = @transform_13, window_bounds = array<i64: 128, 1>}, {transform_indices = @transform_14, window_bounds = array<i64: 2560, 128>}, {transform_indices = @transform_15, window_bounds = array<i64: 2560, 16>}]} {
    %get3A = arith.constant 0 : index
    %get3A_0 = arith.constant 0 : index
    %get3A_1 = vector.load %arg1[%get3A, %get3A_0] : memref<2560x128xf32, #tpu.memory_space<vmem>>, vector<2560x128xf32>
    %get3A_2 = arith.constant 0 : index
    %get3A_3 = arith.constant 0 : index
    %get3A_4 = vector.load %arg2[%get3A_2, %get3A_3] : memref<2560x128xf32, #tpu.memory_space<vmem>>, vector<2560x128xf32>
    %add3A = arith.addf %get3A_1, %get3A_4 : vector<2560x128xf32>
    %get3A_5 = arith.constant 0 : index
    %get3A_6 = arith.constant 0 : index
    %get3A_7 = vector.load %arg7[%get3A_5, %get3A_6] : memref<2560x1xf32, #tpu.memory_space<vmem>>, vector<2560x1xf32>
    %get3A_8 = arith.constant 0 : index
    %get3A_9 = arith.constant 0 : index
    %get3A_10 = vector.load %arg9[%get3A_8, %get3A_9] : memref<1x128xf32, #tpu.memory_space<vmem>>, vector<1x128xf32>
    %mul3A = vector.broadcast %get3A_7 : vector<2560x1xf32> to vector<2560x128xf32>
    %mul3A_11 = vector.broadcast %get3A_10 : vector<1x128xf32> to vector<2560x128xf32>
    %mul3A_12 = arith.mulf %mul3A, %mul3A_11 : vector<2560x128xf32>
    %add3A_13 = arith.addf %add3A, %mul3A_12 : vector<2560x128xf32>
    %get3A_14 = arith.constant 0 : index
    %get3A_15 = arith.constant 0 : index
    %get3A_16 = vector.load %arg3[%get3A_14, %get3A_15] : memref<2560x128xf32, #tpu.memory_space<vmem>>, vector<2560x128xf32>
    %get3A_17 = arith.constant 0 : index
    %get3A_18 = arith.constant 0 : index
    %get3A_19 = vector.load %arg8[%get3A_17, %get3A_18] : memref<128x128xf32, #tpu.memory_space<vmem>>, vector<128x128xf32>
    %dot_general3A = arith.constant dense<0.000000e+00> : vector<2560x128xf32>
    %dot_general3A_20 = tpu.matmul %get3A_16, %get3A_19, %dot_general3A {dimension_numbers = #tpu.dot_dimension_numbers<[1], [0], [0], [1], [0, 0, 1, 1], [], []>, transpose_lhs_hint = false} : vector<2560x128xf32>, vector<128x128xf32>, vector<2560x128xf32> -> vector<2560x128xf32>
    %add3A_21 = arith.addf %add3A_13, %dot_general3A_20 : vector<2560x128xf32>
    %max3A = arith.constant 0.000000e+00 : f32
    %max3A_22 = vector.broadcast %max3A : f32 to vector<2560x128xf32>
    %max3A_23 = arith.maximumf %add3A_21, %max3A_22 : vector<2560x128xf32>
    %get3A_24 = arith.constant 0 : index
    %get3A_25 = arith.constant 0 : index
    %get3A_26 = vector.load %arg10[%get3A_24, %get3A_25] : memref<128x128xf32, #tpu.memory_space<vmem>>, vector<128x128xf32>
    %dot_general3A_27 = arith.constant dense<0.000000e+00> : vector<2560x128xf32>
    %dot_general3A_28 = tpu.matmul %max3A_23, %get3A_26, %dot_general3A_27 {dimension_numbers = #tpu.dot_dimension_numbers<[1], [0], [0], [1], [0, 0, 1, 1], [], []>, transpose_lhs_hint = false} : vector<2560x128xf32>, vector<128x128xf32>, vector<2560x128xf32> -> vector<2560x128xf32>
    %get3A_29 = arith.constant 0 : index
    %get3A_30 = arith.constant 0 : index
    %get3A_31 = vector.load %arg11[%get3A_29, %get3A_30] : memref<1x128xf32, #tpu.memory_space<vmem>>, vector<1x128xf32>
    %add3A_32 = vector.broadcast %get3A_31 : vector<1x128xf32> to vector<2560x128xf32>
    %add3A_33 = arith.addf %dot_general3A_28, %add3A_32 : vector<2560x128xf32>
    %max3A_34 = arith.constant 0.000000e+00 : f32
    %max3A_35 = vector.broadcast %max3A_34 : f32 to vector<2560x128xf32>
    %max3A_36 = arith.maximumf %add3A_33, %max3A_35 : vector<2560x128xf32>
    %get3A_37 = arith.constant 0 : index
    %get3A_38 = arith.constant 0 : index
    %get3A_39 = vector.load %arg12[%get3A_37, %get3A_38] : memref<128x128xf32, #tpu.memory_space<vmem>>, vector<128x128xf32>
    %dot_general3A_40 = arith.constant dense<0.000000e+00> : vector<2560x128xf32>
    %dot_general3A_41 = tpu.matmul %max3A_36, %get3A_39, %dot_general3A_40 {dimension_numbers = #tpu.dot_dimension_numbers<[1], [0], [0], [1], [0, 0, 1, 1], [], []>, transpose_lhs_hint = false} : vector<2560x128xf32>, vector<128x128xf32>, vector<2560x128xf32> -> vector<2560x128xf32>
    %get3A_42 = arith.constant 0 : index
    %get3A_43 = arith.constant 0 : index
    %get3A_44 = vector.load %arg13[%get3A_42, %get3A_43] : memref<1x128xf32, #tpu.memory_space<vmem>>, vector<1x128xf32>
    %add3A_45 = vector.broadcast %get3A_44 : vector<1x128xf32> to vector<2560x128xf32>
    %add3A_46 = arith.addf %dot_general3A_41, %add3A_45 : vector<2560x128xf32>
    %max3A_47 = arith.constant 0.000000e+00 : f32
    %max3A_48 = vector.broadcast %max3A_47 : f32 to vector<2560x128xf32>
    %max3A_49 = arith.maximumf %add3A_46, %max3A_48 : vector<2560x128xf32>
    %get3A_50 = arith.constant 0 : index
    %get3A_51 = arith.constant 0 : index
    %get3A_52 = vector.load %arg14[%get3A_50, %get3A_51] : memref<128x1xf32, #tpu.memory_space<vmem>>, vector<128x1xf32>
    %dot_general3A_53 = arith.constant dense<0.000000e+00> : vector<2560x1xf32>
    %dot_general3A_54 = tpu.matmul %max3A_49, %get3A_52, %dot_general3A_53 {dimension_numbers = #tpu.dot_dimension_numbers<[1], [0], [0], [1], [0, 0, 1, 1], [], []>, transpose_lhs_hint = false} : vector<2560x128xf32>, vector<128x1xf32>, vector<2560x1xf32> -> vector<2560x1xf32>
    %swap3A = arith.constant 0 : index
    %swap3A_55 = arith.constant 0 : index
    %swap3A_56 = vector.load %arg15[%swap3A, %swap3A_55] : memref<2560x128xf32, #tpu.memory_space<vmem>>, vector<2560x128xf32>
    tpu.vector_store %arg15[%swap3A, %swap3A_55], %max3A_36 {strides = array<i32>} : memref<2560x128xf32, #tpu.memory_space<vmem>>, vector<2560x128xf32>,
    %get3A_57 = arith.constant 0 : index
    %get3A_58 = arith.constant 0 : index
    %get3A_59 = vector.load %arg4[%get3A_57, %get3A_58] : memref<2560x1xf32, #tpu.memory_space<vmem>>, vector<2560x1xf32>
    %mul3A_60 = arith.mulf %dot_general3A_54, %get3A_59 : vector<2560x1xf32>
    %jit3A = arith.constant -1.000000e+02 : f32
    %jit3A_61 = arith.constant 1.000000e+02 : f32
    %max3A_62 = vector.broadcast %jit3A : f32 to vector<2560x1xf32>
    %max3A_63 = arith.maximumf %max3A_62, %mul3A_60 : vector<2560x1xf32>
    %min3A = vector.broadcast %jit3A_61 : f32 to vector<2560x1xf32>
    %min3A_64 = arith.minimumf %min3A, %max3A_63 : vector<2560x1xf32>
    %get3A_65 = arith.constant 0 : index
    %get3A_66 = arith.constant 0 : index
    %get3A_67 = vector.load %arg5[%get3A_65, %get3A_66] : memref<2560x1xf32, #tpu.memory_space<vmem>>, vector<2560x1xf32>
    %mul3A_68 = arith.mulf %dot_general3A_54, %get3A_67 : vector<2560x1xf32>
    %jit3A_69 = arith.constant -1.000000e+02 : f32
    %jit3A_70 = arith.constant 1.000000e+02 : f32
    %max3A_71 = vector.broadcast %jit3A_69 : f32 to vector<2560x1xf32>
    %max3A_72 = arith.maximumf %max3A_71, %mul3A_68 : vector<2560x1xf32>
    %min3A_73 = vector.broadcast %jit3A_70 : f32 to vector<2560x1xf32>
    %min3A_74 = arith.minimumf %min3A_73, %max3A_72 : vector<2560x1xf32>
    %get3A_75 = arith.constant 0 : index
    %get3A_76 = arith.constant 0 : index
    %get3A_77 = vector.load %arg6[%get3A_75, %get3A_76] : memref<2560x1xf32, #tpu.memory_space<vmem>>, vector<2560x1xf32>
    %mul3A_78 = arith.mulf %dot_general3A_54, %get3A_77 : vector<2560x1xf32>
    %jit3A_79 = arith.constant -1.000000e+02 : f32
    %jit3A_80 = arith.constant 1.000000e+02 : f32
    %max3A_81 = vector.broadcast %jit3A_79 : f32 to vector<2560x1xf32>
    %max3A_82 = arith.maximumf %max3A_81, %mul3A_78 : vector<2560x1xf32>
    %min3A_83 = vector.broadcast %jit3A_80 : f32 to vector<2560x1xf32>
    %min3A_84 = arith.minimumf %min3A_83, %max3A_82 : vector<2560x1xf32>
    %iota3A = tpu.iota {dimensions = array<i32: 1>} : vector<2560x16xi32>
    %eq3A = arith.constant 0 : i32
    %eq3A_85 = vector.broadcast %eq3A : i32 to vector<2560x16xi32>
    %eq3A_86 = arith.cmpi eq, %iota3A, %eq3A_85 : vector<2560x16xi32>
    %eq3A_87 = arith.constant 1 : i32
    %eq3A_88 = vector.broadcast %eq3A_87 : i32 to vector<2560x16xi32>
    %eq3A_89 = arith.cmpi eq, %iota3A, %eq3A_88 : vector<2560x16xi32>
    %eq3A_90 = arith.constant 2 : i32
    %eq3A_91 = vector.broadcast %eq3A_90 : i32 to vector<2560x16xi32>
    %eq3A_92 = arith.cmpi eq, %iota3A, %eq3A_91 : vector<2560x16xi32>
    %eq3A_93 = arith.constant 3 : i32
    %eq3A_94 = vector.broadcast %eq3A_93 : i32 to vector<2560x16xi32>
    %eq3A_95 = arith.cmpi eq, %iota3A, %eq3A_94 : vector<2560x16xi32>
    %jit3A_96 = arith.constant 1.000000e+00 : f32
    %jit3A_97 = arith.constant 0.000000e+00 : f32
    %broadcast_in_dim3A = vector.broadcast %jit3A_96 : f32 to vector<2560x16xf32>
    %broadcast_in_dim3A_98 = vector.broadcast %jit3A_97 : f32 to vector<2560x16xf32>
    %select_n3A = arith.select %eq3A_95, %broadcast_in_dim3A, %broadcast_in_dim3A_98 : vector<2560x16xi1>, vector<2560x16xf32>
    %broadcast_in_dim3A_99 = vector.shape_cast %min3A_84 : vector<2560x1xf32> to vector<2560x1xf32>
    %broadcast_in_dim3A_100 = vector.broadcast %broadcast_in_dim3A_99 : vector<2560x1xf32> to vector<2560x16xf32>
    %select_n3A_101 = arith.select %eq3A_92, %broadcast_in_dim3A_100, %select_n3A : vector<2560x16xi1>, vector<2560x16xf32>
    %broadcast_in_dim3A_102 = vector.shape_cast %min3A_74 : vector<2560x1xf32> to vector<2560x1xf32>
    %broadcast_in_dim3A_103 = vector.broadcast %broadcast_in_dim3A_102 : vector<2560x1xf32> to vector<2560x16xf32>
    %select_n3A_104 = arith.select %eq3A_89, %broadcast_in_dim3A_103, %select_n3A_101 : vector<2560x16xi1>, vector<2560x16xf32>
    %broadcast_in_dim3A_105 = vector.shape_cast %min3A_64 : vector<2560x1xf32> to vector<2560x1xf32>
    %broadcast_in_dim3A_106 = vector.broadcast %broadcast_in_dim3A_105 : vector<2560x1xf32> to vector<2560x16xf32>
    %select_n3A_107 = arith.select %eq3A_86, %broadcast_in_dim3A_106, %select_n3A_104 : vector<2560x16xi1>, vector<2560x16xf32>
    %swap3A_108 = arith.constant 0 : index
    %swap3A_109 = arith.constant 0 : index
    %swap3A_110 = vector.load %arg16[%swap3A_108, %swap3A_109] : memref<2560x16xf32, #tpu.memory_space<vmem>>, vector<2560x16xf32>
    tpu.vector_store %arg16[%swap3A_108, %swap3A_109], %select_n3A_107 {strides = array<i32>} : memref<2560x16xf32, #tpu.memory_space<vmem>>, vector<2560x16xf32>,
    return
  }
  func.func @transform_0(%arg0: i32) -> (i32, i32) {
    %c0_i32 = arith.constant 0 : i32
    %c0_i32_0 = arith.constant 0 : i32
    return %arg0, %c0_i32 : i32, i32
  }
  func.func @transform_1(%arg0: i32) -> (i32, i32) {
    %c0_i32 = arith.constant 0 : i32
    %c0_i32_0 = arith.constant 0 : i32
    return %arg0, %c0_i32 : i32, i32
  }
  func.func @transform_2(%arg0: i32) -> (i32, i32) {
    %c0_i32 = arith.constant 0 : i32
    %c0_i32_0 = arith.constant 0 : i32
    return %arg0, %c0_i32 : i32, i32
  }
  func.func @transform_3(%arg0: i32) -> (i32, i32) {
    %c0_i32 = arith.constant 0 : i32
    %c0_i32_0 = arith.constant 0 : i32
    return %arg0, %c0_i32 : i32, i32
  }
  func.func @transform_4(%arg0: i32) -> (i32, i32) {
    %c0_i32 = arith.constant 0 : i32
    %c0_i32_0 = arith.constant 0 : i32
    return %arg0, %c0_i32 : i32, i32
  }
  func.func @transform_5(%arg0: i32) -> (i32, i32) {
    %c0_i32 = arith.constant 0 : i32
    %c0_i32_0 = arith.constant 0 : i32
    return %arg0, %c0_i32 : i32, i32
  }
  func.func @transform_6(%arg0: i32) -> (i32, i32) {
    %c0_i32 = arith.constant 0 : i32
    %c0_i32_0 = arith.constant 0 : i32
    return %arg0, %c0_i32 : i32, i32
  }
  func.func @transform_7(%arg0: i32) -> (i32, i32) {
    %c0_i32 = arith.constant 0 : i32
    %c0_i32_0 = arith.constant 0 : i32
    %c0_i32_1 = arith.constant 0 : i32
    return %c0_i32, %c0_i32_0 : i32, i32
  }
  func.func @transform_8(%arg0: i32) -> (i32, i32) {
    %c0_i32 = arith.constant 0 : i32
    %c0_i32_0 = arith.constant 0 : i32
    %c0_i32_1 = arith.constant 0 : i32
    return %c0_i32, %c0_i32_0 : i32, i32
  }
  func.func @transform_9(%arg0: i32) -> (i32, i32) {
    %c0_i32 = arith.constant 0 : i32
    %c0_i32_0 = arith.constant 0 : i32
    %c0_i32_1 = arith.constant 0 : i32
    return %c0_i32, %c0_i32_0 : i32, i32
  }
  func.func @transform_10(%arg0: i32) -> (i32, i32) {
    %c0_i32 = arith.constant 0 : i32
    %c0_i32_0 = arith.constant 0 : i32
    %c0_i32_1 = arith.constant 0 : i32
    return %c0_i32, %c0_i32_0 : i32, i32
  }
  func.func @transform_11(%arg0: i32) -> (i32, i32) {
    %c0_i32 = arith.constant 0 : i32
    %c0_i32_0 = arith.constant 0 : i32
    %c0_i32_1 = arith.constant 0 : i32
    return %c0_i32, %c0_i32_0 : i32, i32
  }
  func.func @transform_12(%arg0: i32) -> (i32, i32) {
    %c0_i32 = arith.constant 0 : i32
    %c0_i32_0 = arith.constant 0 : i32
    %c0_i32_1 = arith.constant 0 : i32
    return %c0_i32, %c0_i32_0 : i32, i32
  }
  func.func @transform_13(%arg0: i32) -> (i32, i32) {
    %c0_i32 = arith.constant 0 : i32
    %c0_i32_0 = arith.constant 0 : i32
    %c0_i32_1 = arith.constant 0 : i32
    return %c0_i32, %c0_i32_0 : i32, i32
  }
  func.func @transform_14(%arg0: i32) -> (i32, i32) {
    %c0_i32 = arith.constant 0 : i32
    %c0_i32_0 = arith.constant 0 : i32
    return %arg0, %c0_i32 : i32, i32
  }
  func.func @transform_15(%arg0: i32) -> (i32, i32) {
    %c0_i32 = arith.constant 0 : i32
    %c0_i32_0 = arith.constant 0 : i32
    return %arg0, %c0_i32 : i32, i32
  }
}

module attributes {stable_mosaic.version = 14 : i64} {
  func.func @_stage4_body(%arg0: i32, %arg1: memref<2000x128xf32, #tpu.memory_space<vmem>>, %arg2: memref<2x2000x128xf32, #tpu.memory_space<vmem>>, %arg3: memref<2x2000x128xf32, #tpu.memory_space<vmem>>, %arg4: memref<2000x3xf32, #tpu.memory_space<vmem>>, %arg5: memref<128x128xf32, #tpu.memory_space<vmem>>, %arg6: memref<128x128xf32, #tpu.memory_space<vmem>>, %arg7: memref<1x128xf32, #tpu.memory_space<vmem>>, %arg8: memref<128x128xf32, #tpu.memory_space<vmem>>, %arg9: memref<1x128xf32, #tpu.memory_space<vmem>>, %arg10: memref<2000x128xf32, #tpu.memory_space<vmem>>, %arg11: memref<2000x3xf32, #tpu.memory_space<vmem>>) attributes {dimension_semantics = [#tpu.dimension_semantics<arbitrary>], iteration_bounds = array<i64: 5>, scalar_prefetch = 0 : i64, scratch_operands = 0 : i64, tpu.core_type = #tpu.core_type<tc>, window_params = [{transform_indices = @transform_0, window_bounds = array<i64: 2000, 128>}, {transform_indices = @transform_1, window_bounds = array<i64: 2, 2000, 128>}, {transform_indices = @transform_2, window_bounds = array<i64: 2, 2000, 128>}, {transform_indices = @transform_3, window_bounds = array<i64: 2000, 3>}, {pipeline_mode = #tpu.pipeline_mode<synchronous>, transform_indices = @transform_4, window_bounds = array<i64: 128, 128>}, {pipeline_mode = #tpu.pipeline_mode<synchronous>, transform_indices = @transform_5, window_bounds = array<i64: 128, 128>}, {pipeline_mode = #tpu.pipeline_mode<synchronous>, transform_indices = @transform_6, window_bounds = array<i64: 1, 128>}, {pipeline_mode = #tpu.pipeline_mode<synchronous>, transform_indices = @transform_7, window_bounds = array<i64: 128, 128>}, {pipeline_mode = #tpu.pipeline_mode<synchronous>, transform_indices = @transform_8, window_bounds = array<i64: 1, 128>}, {transform_indices = @transform_9, window_bounds = array<i64: 2000, 128>}, {transform_indices = @transform_10, window_bounds = array<i64: 2000, 3>}]} {
    %get3A = arith.constant 0 : index
    %get3A_0 = arith.constant 0 : index
    %get3A_1 = vector.load %arg1[%get3A, %get3A_0] : memref<2000x128xf32, #tpu.memory_space<vmem>>, vector<2000x128xf32>
    %get3A_2 = arith.constant 0 : index
    %get3A_3 = arith.constant 0 : index
    %get3A_4 = arith.constant 0 : index
    %get3A_5 = vector.load %arg2[%get3A_2, %get3A_3, %get3A_4] : memref<2x2000x128xf32, #tpu.memory_space<vmem>>, vector<1x2000x128xf32>
    %get3A_6 = vector.shape_cast %get3A_5 : vector<1x2000x128xf32> to vector<2000x128xf32>
    %get3A_7 = arith.constant 1 : index
    %get3A_8 = arith.constant 0 : index
    %get3A_9 = arith.constant 0 : index
    %get3A_10 = vector.load %arg2[%get3A_7, %get3A_8, %get3A_9] : memref<2x2000x128xf32, #tpu.memory_space<vmem>>, vector<1x2000x128xf32>
    %get3A_11 = vector.shape_cast %get3A_10 : vector<1x2000x128xf32> to vector<2000x128xf32>
    %add3A = arith.addf %get3A_6, %get3A_11 : vector<2000x128xf32>
    %get3A_12 = arith.constant 0 : index
    %get3A_13 = arith.constant 0 : index
    %get3A_14 = arith.constant 0 : index
    %get3A_15 = vector.load %arg3[%get3A_12, %get3A_13, %get3A_14] : memref<2x2000x128xf32, #tpu.memory_space<vmem>>, vector<1x2000x128xf32>
    %get3A_16 = vector.shape_cast %get3A_15 : vector<1x2000x128xf32> to vector<2000x128xf32>
    %get3A_17 = arith.constant 1 : index
    %get3A_18 = arith.constant 0 : index
    %get3A_19 = arith.constant 0 : index
    %get3A_20 = vector.load %arg3[%get3A_17, %get3A_18, %get3A_19] : memref<2x2000x128xf32, #tpu.memory_space<vmem>>, vector<1x2000x128xf32>
    %get3A_21 = vector.shape_cast %get3A_20 : vector<1x2000x128xf32> to vector<2000x128xf32>
    %add3A_22 = arith.addf %get3A_16, %get3A_21 : vector<2000x128xf32>
    %slice3A = vector.extract_strided_slice %add3A_22 {offsets = [0, 3], sizes = [2000, 1], strides = [1, 1]} : vector<2000x128xf32> to vector<2000x1xf32>
    %max3A = arith.constant 1.000000e+00 : f32
    %max3A_23 = vector.broadcast %max3A : f32 to vector<2000x1xf32>
    %max3A_24 = arith.maximumf %slice3A, %max3A_23 : vector<2000x1xf32>
    %slice3A_25 = vector.extract_strided_slice %add3A_22 {offsets = [0, 0], sizes = [2000, 3], strides = [1, 1]} : vector<2000x128xf32> to vector<2000x3xf32>
    %div3A = vector.broadcast %max3A_24 : vector<2000x1xf32> to vector<2000x3xf32>
    %div3A_26 = arith.divf %slice3A_25, %div3A : vector<2000x3xf32>
    %get3A_27 = arith.constant 0 : index
    %get3A_28 = arith.constant 0 : index
    %get3A_29 = vector.load %arg4[%get3A_27, %get3A_28] : memref<2000x3xf32, #tpu.memory_space<vmem>>, vector<2000x3xf32>
    %add3A_30 = arith.addf %get3A_29, %div3A_26 : vector<2000x3xf32>
    %swap3A = arith.constant 0 : index
    %swap3A_31 = arith.constant 0 : index
    %swap3A_32 = vector.load %arg11[%swap3A, %swap3A_31] : memref<2000x3xf32, #tpu.memory_space<vmem>>, vector<2000x3xf32>
    tpu.vector_store %arg11[%swap3A, %swap3A_31], %add3A_30 {strides = array<i32>} : memref<2000x3xf32, #tpu.memory_space<vmem>>, vector<2000x3xf32>,
    %get3A_33 = arith.constant 0 : index
    %get3A_34 = arith.constant 0 : index
    %get3A_35 = vector.load %arg5[%get3A_33, %get3A_34] : memref<128x128xf32, #tpu.memory_space<vmem>>, vector<128x128xf32>
    %dot_general3A = arith.constant dense<0.000000e+00> : vector<2000x128xf32>
    %dot_general3A_36 = tpu.matmul %get3A_1, %get3A_35, %dot_general3A {dimension_numbers = #tpu.dot_dimension_numbers<[1], [0], [0], [1], [0, 0, 1, 1], [], []>, transpose_lhs_hint = false} : vector<2000x128xf32>, vector<128x128xf32>, vector<2000x128xf32> -> vector<2000x128xf32>
    %get3A_37 = arith.constant 0 : index
    %get3A_38 = arith.constant 0 : index
    %get3A_39 = vector.load %arg6[%get3A_37, %get3A_38] : memref<128x128xf32, #tpu.memory_space<vmem>>, vector<128x128xf32>
    %dot_general3A_40 = arith.constant dense<0.000000e+00> : vector<2000x128xf32>
    %dot_general3A_41 = tpu.matmul %add3A, %get3A_39, %dot_general3A_40 {dimension_numbers = #tpu.dot_dimension_numbers<[1], [0], [0], [1], [0, 0, 1, 1], [], []>, transpose_lhs_hint = false} : vector<2000x128xf32>, vector<128x128xf32>, vector<2000x128xf32> -> vector<2000x128xf32>
    %add3A_42 = arith.addf %dot_general3A_36, %dot_general3A_41 : vector<2000x128xf32>
    %get3A_43 = arith.constant 0 : index
    %get3A_44 = arith.constant 0 : index
    %get3A_45 = vector.load %arg7[%get3A_43, %get3A_44] : memref<1x128xf32, #tpu.memory_space<vmem>>, vector<1x128xf32>
    %add3A_46 = vector.broadcast %get3A_45 : vector<1x128xf32> to vector<2000x128xf32>
    %add3A_47 = arith.addf %add3A_42, %add3A_46 : vector<2000x128xf32>
    %max3A_48 = arith.constant 0.000000e+00 : f32
    %max3A_49 = vector.broadcast %max3A_48 : f32 to vector<2000x128xf32>
    %max3A_50 = arith.maximumf %add3A_47, %max3A_49 : vector<2000x128xf32>
    %get3A_51 = arith.constant 0 : index
    %get3A_52 = arith.constant 0 : index
    %get3A_53 = vector.load %arg8[%get3A_51, %get3A_52] : memref<128x128xf32, #tpu.memory_space<vmem>>, vector<128x128xf32>
    %dot_general3A_54 = arith.constant dense<0.000000e+00> : vector<2000x128xf32>
    %dot_general3A_55 = tpu.matmul %max3A_50, %get3A_53, %dot_general3A_54 {dimension_numbers = #tpu.dot_dimension_numbers<[1], [0], [0], [1], [0, 0, 1, 1], [], []>, transpose_lhs_hint = false} : vector<2000x128xf32>, vector<128x128xf32>, vector<2000x128xf32> -> vector<2000x128xf32>
    %add3A_56 = arith.addf %get3A_1, %dot_general3A_55 : vector<2000x128xf32>
    %get3A_57 = arith.constant 0 : index
    %get3A_58 = arith.constant 0 : index
    %get3A_59 = vector.load %arg9[%get3A_57, %get3A_58] : memref<1x128xf32, #tpu.memory_space<vmem>>, vector<1x128xf32>
    %add3A_60 = vector.broadcast %get3A_59 : vector<1x128xf32> to vector<2000x128xf32>
    %add3A_61 = arith.addf %add3A_56, %add3A_60 : vector<2000x128xf32>
    %swap3A_62 = arith.constant 0 : index
    %swap3A_63 = arith.constant 0 : index
    %swap3A_64 = vector.load %arg10[%swap3A_62, %swap3A_63] : memref<2000x128xf32, #tpu.memory_space<vmem>>, vector<2000x128xf32>
    tpu.vector_store %arg10[%swap3A_62, %swap3A_63], %add3A_61 {strides = array<i32>} : memref<2000x128xf32, #tpu.memory_space<vmem>>, vector<2000x128xf32>,
    return
  }
  func.func @transform_0(%arg0: i32) -> (i32, i32) {
    %c0_i32 = arith.constant 0 : i32
    %c0_i32_0 = arith.constant 0 : i32
    return %arg0, %c0_i32 : i32, i32
  }
  func.func @transform_1(%arg0: i32) -> (i32, i32, i32) {
    %c0_i32 = arith.constant 0 : i32
    %c0_i32_0 = arith.constant 0 : i32
    %c0_i32_1 = arith.constant 0 : i32
    return %c0_i32, %arg0, %c0_i32_0 : i32, i32, i32
  }
  func.func @transform_2(%arg0: i32) -> (i32, i32, i32) {
    %c0_i32 = arith.constant 0 : i32
    %c0_i32_0 = arith.constant 0 : i32
    %c0_i32_1 = arith.constant 0 : i32
    return %c0_i32, %arg0, %c0_i32_0 : i32, i32, i32
  }
  func.func @transform_3(%arg0: i32) -> (i32, i32) {
    %c0_i32 = arith.constant 0 : i32
    %c0_i32_0 = arith.constant 0 : i32
    return %arg0, %c0_i32 : i32, i32
  }
  func.func @transform_4(%arg0: i32) -> (i32, i32) {
    %c0_i32 = arith.constant 0 : i32
    %c0_i32_0 = arith.constant 0 : i32
    %c0_i32_1 = arith.constant 0 : i32
    return %c0_i32, %c0_i32_0 : i32, i32
  }
  func.func @transform_5(%arg0: i32) -> (i32, i32) {
    %c0_i32 = arith.constant 0 : i32
    %c0_i32_0 = arith.constant 0 : i32
    %c0_i32_1 = arith.constant 0 : i32
    return %c0_i32, %c0_i32_0 : i32, i32
  }
  func.func @transform_6(%arg0: i32) -> (i32, i32) {
    %c0_i32 = arith.constant 0 : i32
    %c0_i32_0 = arith.constant 0 : i32
    %c0_i32_1 = arith.constant 0 : i32
    return %c0_i32, %c0_i32_0 : i32, i32
  }
  func.func @transform_7(%arg0: i32) -> (i32, i32) {
    %c0_i32 = arith.constant 0 : i32
    %c0_i32_0 = arith.constant 0 : i32
    %c0_i32_1 = arith.constant 0 : i32
    return %c0_i32, %c0_i32_0 : i32, i32
  }
  func.func @transform_8(%arg0: i32) -> (i32, i32) {
    %c0_i32 = arith.constant 0 : i32
    %c0_i32_0 = arith.constant 0 : i32
    %c0_i32_1 = arith.constant 0 : i32
    return %c0_i32, %c0_i32_0 : i32, i32
  }
  func.func @transform_9(%arg0: i32) -> (i32, i32) {
    %c0_i32 = arith.constant 0 : i32
    %c0_i32_0 = arith.constant 0 : i32
    return %arg0, %c0_i32 : i32, i32
  }
  func.func @transform_10(%arg0: i32) -> (i32, i32) {
    %c0_i32 = arith.constant 0 : i32
    %c0_i32_0 = arith.constant 0 : i32
    return %arg0, %c0_i32 : i32, i32
  }
}

</mosaic_0001>

<sc_bundles>
// kernel: kernel.11.cloned.1.call-start
scs
__scs_entry_jumppad:
0x0: {  	(pc) =	sbr.rel $0x88, $3  }
0x1: {  	(tag) =	ssettag $0x0;
	lr =	simm.s32 $0x1  }
0x2: {  	[smem:$0x3F92] =	sst lr;
	_ =	strace $0xD0000000  }
0x3: {  	_ = 	snop  }
0x4: {  	_ = 	snop  }
0x5: {  	_ = 	snop  }
0x6: {  	_ = 	snop  }
0x7: {  	_ = 	snop  }
__scs_overlays_trampoline_lowered:
0x8: {  	[smem:$0x3FA1] =	sst s0  }
0x9: {  	[smem:$0x3FA2] =	sst s1  }
0xa: {  	[smem:$0x3FA3] =	sst s2  }
0xb: {  	[smem:$0x3FA4] =	sst s3  }
0xc: {  	[smem:$0x3FA5] =	sst s4  }
0xd: {  	[smem:$0x3FA6] =	sst s5  }
0xe: {  	[smem:$0x3FA7] =	sst s6  }
0xf: {  	[smem:$0x3FA8] =	sst s7  }
0x10: {  	[smem:$0x3FA9] =	sst s8  }
0x11: {  	[smem:$0x3FAA] =	sst s9;
	s0 =	simm.s32 @!p0 $0x0  }
0x12: {  	s1 =	sld [smem:$0x3F90];
	s0 =	simm.s32 @p0 $0x1  }
0x13: {  	[smem:$0x3FAB] =	sst s0;
	s0 =	simm.s32 @!p1 $0x0  }
0x14: {  	s2 =	sld [smem:$0x3F8F];
	s0 =	simm.s32 @p1 $0x1  }
0x15: {  	[smem:$0x3FAC] =	sst s0;
	s0 =	simm.s32 @!p2 $0x0  }
0x16: {  	s3 =	sld [smem:$0x3FDB];
	s0 =	simm.s32 @p2 $0x1  }
0x17: {  	s4 =	simm.s32 $0x1BF5;
	[smem:$0x3FAE] =	sst s0  }
0x18: {  	s0 =	sld [smem:$0x3F91];
	_ =	swait.ge [sflag:s4], $0x0  }
0x19: {  	s7 =	sld [smem:$0x3F92]  }
0x1a: {  	s8 =	sadd.s32 $0xFFFFE003, lr  }
0x1b: {  	s9 =	sadd.s32 $0xFFFFFEF7, lr;
	s5 =	simm.s32 $0xFFFFFFFF;
	p2 =	slt.u32 s8, $0xFFFFF086  }
0x1c: {  	p1 =	slt.u32 s9, $0xF7A;
	s5 =	simm.s32 @!p2 $0x0  }
0x1d: {  	s5 =	simm.s32 @p1 $0x1;
	p0 =	seq.s32 s7, s2  }
0x1e: {  	s7 =	smul.u32 @!p0 $0xF7A, s2;
	p2 =	seq.s32 @!p0 s5, $0x0  }
0x1f: {  	s9 =	smul.u32 $0xF7A, s1;
	s8 =	simm.s32 @!p0 $0x1BF5;
	p2 =	por !p2, p0  }
0x20: {  	[sflag:s8] =	ssyncset.s32 @!p0 $0xFFFFF086;
	s6 =	sadd.s32 @!p0 s3, s7;
	s7 =	simm.s32 @!p0 $0x108  }
0x21: {  	s3 =	sadd.s32 s3, s9;
	s6 =	sadd.s32 @!p0 $0x88, s6;
	s7 =	simm.s32 @p2 $0x1082  }
0x22: {  	[simem:s7], [sflag:s8] =	dma.local @!p0 [hbm:s6], $0xF7A  }
0x23: {  	s9 =	sor.u32 $0xD0000000, s2;
	s6 =	simm.s32 $0x108;
	_ =	swait.ge @!p0 [sflag:s8], $0x0  }
0x24: {  	s3 =	sadd.s32 $0x88, s3;
	s6 =	simm.s32 @!p1 $0x1082;
	[sflag:s4] =	ssyncset.s32 $0xFFFFF086  }
0x25: {  	[simem:s6], [sflag:s4] =	dma.local [hbm:s3], $0xF7A  }
0x26: {  	[smem:$0x3F92] =	sst s1;
	(tag) =	ssettag s2;
	_ =	strace s9  }
0x27: {  	s1 =	sld [smem:$0x3FA2]  }
0x28: {  	s2 =	sld [smem:$0x3FA3]  }
0x29: {  	s4 =	sld [smem:$0x3FA5]  }
0x2a: {  	p0 =	seq.s32 s5, $0x0;
	s5 =	sld [smem:$0x3FA6]  }
0x2b: {  	s6 =	sld [smem:$0x3FA7]  }
0x2c: {  	s7 =	sld [smem:$0x3FA8]  }
0x2d: {  	s3 =	simm.s32 $0x108;
	s8 =	sld [smem:$0x3FA9]  }
0x2e: {  	s3 =	simm.s32 @!p0 $0x1082;
	s9 =	sld [smem:$0x3FAA]  }
0x2f: {  	lr =	sadd.s32 s0, s3;
	s0 =	sld [smem:$0x3FA1]  }
0x30: {  	s3 =	sld [smem:$0x3FA4]  }
0x31: {  	[smem:$0x3FAD] =	sst s10  }
0x32: {  	s10 =	sld [smem:$0x3FAB];
	_ =	sdelay $0x3  }
0x33: {  	p0 =	seq.s32 s10, $0x1;
	s10 =	sld [smem:$0x3FAD];
	_ =	sdelay $0x3  }
0x34: {  	[smem:$0x3FAD] =	sst s10  }
0x35: {  	s10 =	sld [smem:$0x3FAC];
	_ =	sdelay $0x3  }
0x36: {  	p1 =	seq.s32 s10, $0x1;
	s10 =	sld [smem:$0x3FAD];
	_ =	sdelay $0x3  }
0x37: {  	[smem:$0x3FAD] =	sst s10  }
0x38: {  	s10 =	sld [smem:$0x3FAE]  }
0x39: {  	_ = 	snop;
	(pc) =	sbr.ind lr, $3  }
0x3a: {  	_ = 	snop  }
0x3b: {  	_ = 	snop  }
0x3c: {  	p2 =	seq.s32 s10, $0x1;
	s10 =	sld [smem:$0x3FAD]  }
0x3d: {  	_ =	shalt  }
0x3e: {  	_ =	shalt  }
0x3f: {  	_ =	shalt  }
0x40: {  	_ =	shalt  }
0x41: {  	_ =	shalt  }
0x42: {  	_ =	shalt  }
0x43: {  	_ =	shalt  }
0x44: {  	_ =	shalt  }
0x45: {  	_ =	shalt  }
0x46: {  	_ =	shalt  }
0x47: {  	_ =	shalt  }
0x48: {  	_ =	shalt  }
0x49: {  	_ =	shalt  }
0x4a: {  	_ =	shalt  }
0x4b: {  	_ =	shalt  }
0x4c: {  	_ =	shalt  }
0x4d: {  	_ =	shalt  }
0x4e: {  	_ =	shalt  }
0x4f: {  	_ =	shalt  }
0x50: {  	_ =	shalt  }
0x51: {  	_ =	shalt  }
0x52: {  	_ =	shalt  }
0x53: {  	_ =	shalt  }
0x54: {  	_ =	shalt  }
0x55: {  	_ =	shalt  }
0x56: {  	_ =	shalt  }
0x57: {  	_ =	shalt  }
0x58: {  	_ =	shalt  }
0x59: {  	_ =	shalt  }
0x5a: {  	_ =	shalt  }
0x5b: {  	_ =	shalt  }
0x5c: {  	_ =	shalt  }
0x5d: {  	_ =	shalt  }
0x5e: {  	_ =	shalt  }
0x5f: {  	_ =	shalt  }
0x60: {  	_ =	shalt  }
0x61: {  	_ =	shalt  }
0x62: {  	_ =	shalt  }
0x63: {  	_ =	shalt  }
0x64: {  	_ =	shalt  }
0x65: {  	_ =	shalt  }
0x66: {  	_ =	shalt  }
0x67: {  	_ =	shalt  }
0x68: {  	_ =	shalt  }
0x69: {  	_ =	shalt  }
0x6a: {  	_ =	shalt  }
0x6b: {  	_ =	shalt  }
0x6c: {  	_ =	shalt  }
0x6d: {  	_ =	shalt  }
0x6e: {  	_ =	shalt  }
0x6f: {  	_ =	shalt  }
0x70: {  	_ =	shalt  }
0x71: {  	_ =	shalt  }
0x72: {  	_ =	shalt  }
0x73: {  	_ =	shalt  }
0x74: {  	_ =	shalt  }
0x75: {  	_ =	shalt  }
0x76: {  	_ =	shalt  }
0x77: {  	_ =	shalt  }
0x78: {  	_ =	shalt  }
0x79: {  	_ =	shalt  }
0x7a: {  	_ =	shalt  }
0x7b: {  	_ =	shalt  }
0x7c: {  	_ =	shalt  }
0x7d: {  	_ =	shalt  }
0x7e: {  	_ =	shalt  }
0x7f: {  	_ =	shalt  }
0x80: {  	_ =	shalt  }
0x81: {  	_ =	shalt  }
0x82: {  	_ =	shalt  }
0x83: {  	_ =	shalt  }
0x84: {  	_ =	shalt  }
0x85: {  	_ =	shalt  }
0x86: {  	_ =	shalt  }
0x87: {  	_ =	shalt  }
.Lfunc_end0:
.L_simem_size_0:
called_computation.1_lowered:
.L_overlay_start_0:
0x88: {  	s2 =	sld [smem:$0x3FD9]  }
0x89: {  	s3 =	sld [smem:$0x3FFE];
	_ =	sdelay $0x1  }
0x8a: {  	s1 =	srdreg.scid  }
0x8b: {  	s0 =	sand.u32 $0x1, s1  }
0x8c: {  	s15 =	sshll.u32 s0, $0xA;
	s2 =	sadd.s32 s3, s2  }
0x8d: {  	s2 =	sadd.s32 s2, s15  }
0x8e: {  	[smem:$0x3FB9] =	sst s2  }
0x8f: {  	_ = 	snop  }
0x90: {  	s2 =	sld [smem:$0x3FD0];
	_ =	sdelay $0x2  }
0x91: {  	s16 =	simm.s32 $0xB;
	s4 =	simm.s32 $0x10  }
0x92: {  	[smem:s4], [sflag:s16] =	dma.local [hbm:s2], $0x1  }
0x93: {  	_ =	swait.eq [sflag:s16], $0x1  }
0x94: {  	[sflag:s16] =	ssyncset.done $0x0  }
0x95: {  	[sflag:s16] =	ssyncadd.s32 $0xFFFFFFFF  }
0x96: {  	s17 =	sld [smem:$0x12];
	(tm) =	ssettm $0x1  }
0x97: {  	s18 =	sld [smem:$0x3FFB];
	_ =	sdelay $0x3  }
0x98: {  	_ =	strace s18  }
0x99: {  	s2 =	sld [smem:$0x3FFC];
	_ =	sdelay $0x3  }
0x9a: {  	_ =	strace s2  }
0x9b: {  	s2 =	sld [smem:$0x3FFD];
	_ =	sdelay $0x3  }
0x9c: {  	_ =	strace s2  }
0x9d: {  	_ =	strace $0x8FFFFFFF  }
0x9e: {  	s19 =	sld [smem:$0x3FDB];
	_ =	sdelay $0x1  }
0x9f: {  	s20 =	simm.s32 $_scs_section_size  }
0xa0: {  	s5 =	simm.s32 $_size__tile_overlayer_lowered;
	s6 =	simm.s32 $_tile_overlayer_lowered  }
0xa1: {  	s7 =	simm.s32 $0x1BFF;
	s21 =	sshll.u32 s6, $0x1;
	s4 =	sadd.s32 s20, s19  }
0xa2: {  	s22 =	simm.s32 $0x0;
	s5 =	sshll.u32 s5, $0x1;
	s6 =	sadd.s32 s21, s4  }
0xa3: {  	[timem:s22], [sflag:s7] =	dma.local [hbm:s6], s5  }
0xa4: {  	_ =	swait.ge [sflag:s7], s5  }
0xa5: {  	s5 =	ssub.s32 $0x0, s5;
	[sflag:s7] =	ssyncset.done $0x0  }
0xa6: {  	[sflag:s7] =	ssyncadd.s32 s5;
	_ =	sdelay $0x1  }
0xa7: {  	s23 =	simm.s32 $0x1B8B  }
0xa8: {  	_ =	swait.ge [sflag:s23], $0x1  }
0xa9: {  	[sflag:s23] =	ssyncset.done $0x0  }
0xaa: {  	[sflag:s23] =	ssyncadd.s32 $0xFFFFFFFF  }
0xab: {  	s5 =	sld [smem:$0x0]  }
0xac: {  	s6 =	sand.u32 $0xFFFFFFFE, s1  }
0xad: {  	p0 =	sne.s32 s1, s6  }
0xae: {  	s6 =	sshll.u32 @p0 s6, $0xE  }
0xaf: {  	s6 =	sadd.s32 @p0 $0x11B8D, s6;
	s7 =	sshll.u32 @p0 s5, $0x11  }
0xb0: {  	s6 =	sor.u32 @p0 s7, s6  }
0xb1: {  	[sflag:s6] =	ssyncadd.remote.s32 @p0 $0x1;
	_ =	sdelay $0x1  }
0xb2: {  	s6 =	simm.s32 @p0 $0x1B8D  }
0xb3: {  	_ =	swait.eq @p0 [sflag:s6], $0x1  }
0xb4: {  	[sflag:s6] =	ssyncadd.s32 @p0 $0xFFFFFFFF  }
0xb5: {  	s7 =	sshll.u32 @!p0 s1, $0xE  }
0xb6: {  	s7 =	sor.u32 @!p0 $0x4000, s7;
	s6 =	simm.s32 @!p0 $0x1B8D  }
0xb7: {  	s5 =	sshll.u32 @!p0 s5, $0x11;
	s7 =	sadd.s32 @!p0 $0x11B8D, s7;
	_ =	swait.eq @!p0 [sflag:s6], $0x1  }
0xb8: {  	s5 =	sor.u32 @!p0 s5, s7;
	[sflag:s6] =	ssyncadd.s32 @!p0 $0xFFFFFFFF  }
0xb9: {  	s25 =	simm.s32 $0x1B8E;
	s24 =	sld [smem:$0x3FFE];
	[sflag:s5] =	ssyncadd.remote.s32 @!p0 $0x1  }
0xba: {  	s26 =	simm.s32 $execute0_lowered;
	[smem:$0x3FD2] =	sst s25  }
0xbb: {  	s6 =	sshll.u32 s26, $0x1;
	_ =	strace $0x8000004C;
	[dreg:$0x1] =	wrdreg $0xFFFFFFFF  }
0xbc: {  	s28 =	simm.s32 $_size_execute0_lowered;
	s4 =	sadd.s32 s4, s6;
	[dreg:$0x0] =	wrdreg $0x0  }
0xbd: {  	s6 =	sshll.u32 s28, $0x1;
	[dreg:$0x2] =	wrdreg s4  }
0xbe: {  	[dreg:$0x3] =	wrdreg s6  }
0xbf: {  	[dreg:$0x4] =	wrdreg $0xC0  }
0xc0: {  	_ =	task [dreg:s22], $0x5FFFF  }
0xc1: {  	[dreg:$0x1] =	wrdreg $0xFFFFFFFF  }
0xc2: {  	[dreg:$0x0] =	wrdreg $0x60  }
0xc3: {  	[dreg:$0x2] =	wrdreg s24  }
0xc4: {  	[dreg:$0x3] =	wrdreg s17  }
0xc5: {  	[dreg:$0x4] =	wrdreg $0x28800  }
0xc6: {  	[dreg:$0x5] =	wrdreg $0x9  }
0xc7: {  	_ =	task.clear_ibuf [dreg:s22], $0x6FFFF;
	_ =	strace $0x9000004C  }
0xc8: {  	s29 =	simm.s32 $0x9;
	_ =	strace $0x8000004E  }
0xc9: {  	_ =	swait.ge [sflag:s29], $0x1  }
0xca: {  	[sflag:s29] =	ssyncadd.s32 $0xFFFFFFFF  }
0xcb: {  	_ =	strace $0x9000004E  }
0xcc: {  	_ =	sfence  }
0xcd: {  	s30 =	sld [smem:$0x0];
	_ =	sdelay $0x2  }
0xce: {  	s31 =	sshll.u32 s1, $0xD;
	s1 =	sshrl.u32 s1, $0x2  }
0xcf: {  	s4 =	sand.u32 $0x4000, s31;
	s1 =	sadd.s32 s1, s30  }
0xd0: {  	s0 =	sor.u32 s4, s0;
	s1 =	sshll.u32 s1, $0x11  }
0xd1: {  	s0 =	sor.u32 s1, s0  }
0xd2: {  	s0 =	sadd.s32 $0x8F2B, s0  }
0xd3: {  	[sflag:s0] =	ssyncadd.remote.s32 $0x1  }
0xd4: {  	_ =	sfence.sel $0xFFFF  }
0xd5: {  	[dreg:$0x0] =	wrdreg $0xFFFFFFFF;
	(pc) =	sbr.abs _section_cstart, $3  }
0xd6: {  	[dreg:$0x1] =	wrdreg $0xFFFFFFFF  }
0xd7: {  	_ =	task.clear_ibuf [dreg:s22], $0x2FFFF;
	_ =	strace $0x9FFFFFFF  }
0xd8: {  	(tm) =	ssettm $0x7FFFFFFF  }
0xd9: {  	_ =	shalt  }
tec
execute0_lowered:
.L_overlay_start_1:
0x0: {  	(tag) =	ssettag $0x1  }
0x1: {  	s4 =	rddreg [dreg:$0x0];
	s0 =	stileid.u32  }
0x2: {  	s10 =	rddreg [dreg:$0x1];
	s5 =	smul.u32 $0x4E20, s0  }
0x3: {  	s1 =	srdreg.scid;
	s7 =	smul.u32 $0x4E200, s0  }
0x4: {  	s2 =	rddreg [dreg:$0x2];
	s28 =	smul.u32 $0x50000, s0  }
0x5: {  	s3 =	simm.s32 $0x0;
	s16 =	sand.u32 $0x1, s1;
	s29 =	smul.u32 $0x280, s0  }
0x6: {  	s24 =	simm.s32 $0x1;
	s25 =	simm.s32 $0x50;
	s6 =	smul.u32 $0x2710, s16  }
0x7: {  	s26 =	simm.s32 $0x0;
	[smem:$0x7FF] =	sst s3;
	s9 =	smul.u32 $0x2800, s16  }
0x8: {  	_ =	strace $0x8000004D;
	s8 =	ssub.s32 $0x2, s16;
	s23 =	smul.u32 $0x27100, s16  }
0x9: {  	s21 =	sadd.s32 s7, s4;
	s30 =	sshrl.u32 s8, $0x1;
	s5 =	sadd.s32 s6, s5  }
0xa: {  	s6 =	sshrl.u32 s28, $0x2;
	s20 =	ssub.s32 s8, s30;
	s31 =	sadd.s32 s29, s9  }
0xb: {  	s21 =	sadd.s32 s23, s21;
	s23 =	simm.s32 $0x80;
	s5 =	sshrl.u32 s5, $0x3  }
0xc: {  	s11 =	sshll.u32 s31, $0x4;
	s20 =	smax.u32 s20, $0x1;
	s21 =	sadd.s32 $0x1D8BC00, s21  }
0xd: {  	s22 =	sadd.s32 s5, s4;
	s4 =	sadd.s32 s6, s2;
	s10 =	sadd.s32 s10, s11  }
0xe: {  	s5 =	sadd.s32 $0x2800, s4;
	s6 =	sadd.s32 $0x5000, s4;
	s7 =	sadd.s32 $0x7800, s4  }
0xf: {  	s8 =	sadd.s32 $0xA000, s4;
	s9 =	sadd.s32 $0xC800, s4;
	s11 =	sadd.s32 $0xF000, s4  }
0x10: {  	s12 =	sadd.s32 $0x11800, s4;
	s13 =	sadd.s32 $0x500, s10;
	s14 =	sadd.s32 $0xA00, s10  }
0x11: {  	s15 =	sadd.s32 $0xF00, s10;
	s16 =	sadd.s32 $0x1400, s10;
	s17 =	sadd.s32 $0x1900, s10  }
0x12: {  	v0 =	vimm.f32 $0.0e+00;
	s18 =	sadd.s32 $0x1E00, s10;
	s19 =	sadd.s32 $0x2300, s10;
	s22 =	sadd.s32 $0xCA00, s22  }
.LBB2_1:
0x13: {  	s28 =	simm.s32 $0x180  }
0x14: {  	[tilespmem:s28+$0xFFFFFF00] =	vst v0  }
0x15: {  	[tilespmem:s28+$0xF0] =	vst v0  }
0x16: {  	[tilespmem:s28+$0xE0] =	vst v0  }
0x17: {  	[tilespmem:s28+$0xD0] =	vst v0  }
0x18: {  	[tilespmem:s28+$0xC0] =	vst v0  }
0x19: {  	[tilespmem:s28+$0xB0] =	vst v0  }
0x1a: {  	[tilespmem:s28+$0xA0] =	vst v0  }
0x1b: {  	[tilespmem:s28+$0x90] =	vst v0  }
0x1c: {  	[tilespmem:s28+$0x80] =	vst v0  }
0x1d: {  	[tilespmem:s28+$0x70] =	vst v0  }
0x1e: {  	[tilespmem:s28+$0x60] =	vst v0  }
0x1f: {  	[tilespmem:s28+$0x50] =	vst v0  }
0x20: {  	[tilespmem:s28+$0x40] =	vst v0  }
0x21: {  	[tilespmem:s28+$0x30] =	vst v0  }
0x22: {  	[tilespmem:s28+$0x20] =	vst v0  }
0x23: {  	[tilespmem:s28+$0x10] =	vst v0  }
0x24: {  	[tilespmem:s28+$0x0] =	vst v0  }
0x25: {  	[tilespmem:s28+$0xFFFFFFF0] =	vst v0  }
0x26: {  	[tilespmem:s28+$0xFFFFFFE0] =	vst v0  }
0x27: {  	[tilespmem:s28+$0xFFFFFFD0] =	vst v0  }
0x28: {  	[tilespmem:s28+$0xFFFFFFC0] =	vst v0  }
0x29: {  	[tilespmem:s28+$0xFFFFFFB0] =	vst v0  }
0x2a: {  	[tilespmem:s28+$0xFFFFFFA0] =	vst v0  }
0x2b: {  	[tilespmem:s28+$0xFFFFFF90] =	vst v0  }
0x2c: {  	[tilespmem:s28+$0xFFFFFF80] =	vst v0  }
0x2d: {  	[tilespmem:s28+$0xFFFFFF70] =	vst v0  }
0x2e: {  	[tilespmem:s28+$0xFFFFFF60] =	vst v0  }
0x2f: {  	[tilespmem:s28+$0xFFFFFF50] =	vst v0  }
0x30: {  	[tilespmem:s28+$0xFFFFFF40] =	vst v0  }
0x31: {  	[tilespmem:s28+$0xFFFFFF30] =	vst v0  }
0x32: {  	s29 =	simm.s32 $0x0;
	[tilespmem:s28+$0xFFFFFF20] =	vst v0  }
.LBB2_2:
0x33: {  	s29 =	sadd.s32 $0x4, s29;
	[tilespmem:s28+$0xFFFFFF10] =	vst v0;
	s28 =	sadd.s32 $0x200, s28  }
0x34: {  	[tilespmem:s28+$0xFFFFFF00] =	vst v0;
	p0 =	slt.u32 s29, $0x4C  }
0x35: {  	[tilespmem:s28+$0xF0] =	vst v0  }
0x36: {  	[tilespmem:s28+$0xE0] =	vst v0  }
0x37: {  	[tilespmem:s28+$0xD0] =	vst v0  }
0x38: {  	[tilespmem:s28+$0xC0] =	vst v0  }
0x39: {  	[tilespmem:s28+$0xB0] =	vst v0  }
0x3a: {  	[tilespmem:s28+$0xA0] =	vst v0  }
0x3b: {  	[tilespmem:s28+$0x90] =	vst v0  }
0x3c: {  	[tilespmem:s28+$0x80] =	vst v0  }
0x3d: {  	[tilespmem:s28+$0x70] =	vst v0  }
0x3e: {  	[tilespmem:s28+$0x60] =	vst v0  }
0x3f: {  	[tilespmem:s28+$0x50] =	vst v0  }
0x40: {  	[tilespmem:s28+$0x40] =	vst v0  }
0x41: {  	[tilespmem:s28+$0x30] =	vst v0  }
0x42: {  	[tilespmem:s28+$0x20] =	vst v0  }
0x43: {  	[tilespmem:s28+$0x10] =	vst v0  }
0x44: {  	[tilespmem:s28+$0x0] =	vst v0  }
0x45: {  	[tilespmem:s28+$0xFFFFFFF0] =	vst v0  }
0x46: {  	[tilespmem:s28+$0xFFFFFFE0] =	vst v0  }
0x47: {  	[tilespmem:s28+$0xFFFFFFD0] =	vst v0  }
0x48: {  	[tilespmem:s28+$0xFFFFFFC0] =	vst v0  }
0x49: {  	[tilespmem:s28+$0xFFFFFFB0] =	vst v0  }
0x4a: {  	[tilespmem:s28+$0xFFFFFFA0] =	vst v0  }
0x4b: {  	[tilespmem:s28+$0xFFFFFF90] =	vst v0  }
0x4c: {  	[tilespmem:s28+$0xFFFFFF80] =	vst v0  }
0x4d: {  	[tilespmem:s28+$0xFFFFFF70] =	vst v0  }
.Ltmp0:
0x4e: {  	[tilespmem:s28+$0xFFFFFF60] =	vst v0;
	(pc) =	sbr.rel @p0 .LBB2_2-.Ltmp0, $4  }
0x4f: {  	[tilespmem:s28+$0xFFFFFF50] =	vst v0  }
0x50: {  	[tilespmem:s28+$0xFFFFFF40] =	vst v0  }
0x51: {  	[tilespmem:s28+$0xFFFFFF30] =	vst v0  }
0x52: {  	[tilespmem:s28+$0xFFFFFF20] =	vst v0  }
0x53: {  	[tilespmem:s28+$0xFFFFFF10] =	vst v0  }
0x54: {  	[spmem:s4] =	stream.linear.scatter [tilespmem:s23], [sflag:$0x1], $0x2800, $0x38;
	[tilespmem:$0x16880] =	vst v63  }
0x55: {  	_ =	swait.ge [sflag:s24], $0x2800  }
0x56: {  	[sflag:s24] =	ssyncset.done $0x0  }
0x57: {  	[sflag:s24] =	ssyncadd.s32 $0xFFFFD800  }
0x58: {  	[spmem:s5] =	stream.linear.scatter [tilespmem:s23], [sflag:$0x1], $0x2800, $0x38;
	[tilespmem:$0x16880] =	vst v63  }
0x59: {  	_ =	swait.ge [sflag:s24], $0x2800  }
0x5a: {  	[sflag:s24] =	ssyncset.done $0x0  }
0x5b: {  	[sflag:s24] =	ssyncadd.s32 $0xFFFFD800  }
0x5c: {  	[spmem:s6] =	stream.linear.scatter [tilespmem:s23], [sflag:$0x1], $0x2800, $0x38;
	[tilespmem:$0x16880] =	vst v63  }
0x5d: {  	_ =	swait.ge [sflag:s24], $0x2800  }
0x5e: {  	[sflag:s24] =	ssyncset.done $0x0  }
0x5f: {  	[sflag:s24] =	ssyncadd.s32 $0xFFFFD800  }
0x60: {  	[spmem:s7] =	stream.linear.scatter [tilespmem:s23], [sflag:$0x1], $0x2800, $0x38;
	[tilespmem:$0x16880] =	vst v63  }
0x61: {  	_ =	swait.ge [sflag:s24], $0x2800  }
0x62: {  	[sflag:s24] =	ssyncset.done $0x0  }
0x63: {  	[sflag:s24] =	ssyncadd.s32 $0xFFFFD800  }
0x64: {  	[spmem:s8] =	stream.linear.scatter [tilespmem:s23], [sflag:$0x1], $0x2800, $0x38;
	[tilespmem:$0x16880] =	vst v63  }
0x65: {  	_ =	swait.ge [sflag:s24], $0x2800  }
0x66: {  	[sflag:s24] =	ssyncset.done $0x0  }
0x67: {  	[sflag:s24] =	ssyncadd.s32 $0xFFFFD800  }
0x68: {  	[spmem:s9] =	stream.linear.scatter [tilespmem:s23], [sflag:$0x1], $0x2800, $0x38;
	[tilespmem:$0x16880] =	vst v63  }
0x69: {  	_ =	swait.ge [sflag:s24], $0x2800  }
0x6a: {  	[sflag:s24] =	ssyncset.done $0x0  }
0x6b: {  	[sflag:s24] =	ssyncadd.s32 $0xFFFFD800  }
0x6c: {  	[spmem:s11] =	stream.linear.scatter [tilespmem:s23], [sflag:$0x1], $0x2800, $0x38;
	[tilespmem:$0x16880] =	vst v63  }
0x6d: {  	_ =	swait.ge [sflag:s24], $0x2800  }
0x6e: {  	[sflag:s24] =	ssyncset.done $0x0  }
0x6f: {  	[sflag:s24] =	ssyncadd.s32 $0xFFFFD800  }
0x70: {  	[spmem:s12] =	stream.linear.scatter [tilespmem:s23], [sflag:$0x1], $0x2800, $0x38;
	[tilespmem:$0x16880] =	vst v63  }
0x71: {  	_ =	swait.ge [sflag:s24], $0x2800  }
0x72: {  	[sflag:s24] =	ssyncset.done $0x0  }
0x73: {  	[sflag:s24] =	ssyncadd.s32 $0xFFFFD800  }
0x74: {  	s28 =	sadd.s32 $0x0, s22;
	[bflag:$0x0] =	sbarrier.arrive $0xFFFF  }
0x75: {  	[tilespmem:s3], [sflag:$0x1] =	stream.linear.gather [hbm4b:s28+s3], $0x50, $0x38;
	[tilespmem:$0x16880] =	vst v63  }
0x76: {  	_ =	swait.ge [sflag:s24], $0x50  }
0x77: {  	[sflag:s24] =	ssyncset.done $0x0  }
0x78: {  	[sflag:s24] =	ssyncadd.s32 $0xFFFFFFB0  }
0x79: {  	[tilespmem:s23], [sflag:$0x1] =	stream.linear.gather [hbm4b:s21+s3], $0x2800, $0x38;
	[tilespmem:$0x16880] =	vst v63  }
0x7a: {  	_ =	swait.ge [sflag:s24], $0x2800  }
0x7b: {  	[sflag:s24] =	ssyncset.done $0x0  }
0x7c: {  	[sflag:s24] =	ssyncadd.s32 $0xFFFFD800  }
0x7d: {  	[spmem:s2] =	stream.indirect.scatter.add.f32 [tilespmem:s23], [sflag:$0x1], $0x80, s3, s25, $0xb8;
	[tilespmem:$0x16880] =	vst v63  }
0x7e: {  	s29 =	simm.s32 $0xA;
	_ =	swait.ge [sflag:s24], $0x2800  }
0x7f: {  	s30 =	simm.s32 $0x14;
	s28 =	sadd.s32 $0x500, s21;
	[sflag:s24] =	ssyncset.done $0x0  }
.LBB2_4:
0x80: {  	s31 =	sadd.s32 s29, s22  }
0x81: {  	[sflag:s24] =	ssyncadd.s32 $0xFFFFD800;
	s29 =	smov.u32 s30;
	s1 =	sadd.s32 $0xA, s30  }
0x82: {  	[tilespmem:s3], [sflag:$0x1] =	stream.linear.gather [hbm4b:s31+s3], $0x50, $0x38;
	[tilespmem:$0x16880] =	vst v63  }
0x83: {  	p0 =	sne.s32 s30, $0x4D8;
	_ =	swait.ge [sflag:s24], $0x50  }
0x84: {  	[sflag:s24] =	ssyncset.done $0x0  }
0x85: {  	[sflag:s24] =	ssyncadd.s32 $0xFFFFFFB0  }
0x86: {  	[tilespmem:s23], [sflag:$0x1] =	stream.linear.gather [hbm4b:s28+s3], $0x2800, $0x38;
	[tilespmem:$0x16880] =	vst v63  }
0x87: {  	_ =	swait.ge [sflag:s24], $0x2800  }
.Ltmp1:
0x88: {  	[sflag:s24] =	ssyncset.done $0x0;
	(pc) =	sbr.rel @p0 .LBB2_4-.Ltmp1, $4  }
0x89: {  	[sflag:s24] =	ssyncadd.s32 $0xFFFFD800  }
0x8a: {  	[spmem:s2] =	stream.indirect.scatter.add.f32 [tilespmem:s23], [sflag:$0x1], $0x80, s3, s25, $0xb8;
	[tilespmem:$0x16880] =	vst v63  }
0x8b: {  	_ =	swait.ge [sflag:s24], $0x2800  }
0x8c: {  	s30 =	smov.u32 s1;
	s28 =	sadd.s32 $0x500, s28;
	[sflag:s24] =	ssyncset.done $0x0  }
0x8d: {  	s1 =	sadd.s32 s29, s22;
	[sflag:s24] =	ssyncadd.s32 $0xFFFFD800  }
0x8e: {  	[tilespmem:s3], [sflag:$0x1] =	stream.linear.gather [hbm4b:s1+s3], $0x50, $0x38;
	[tilespmem:$0x16880] =	vst v63  }
0x8f: {  	_ =	swait.ge [sflag:s24], $0x50  }
0x90: {  	[sflag:s24] =	ssyncset.done $0x0  }
0x91: {  	[sflag:s24] =	ssyncadd.s32 $0xFFFFFFB0  }
0x92: {  	[tilespmem:s23], [sflag:$0x1] =	stream.linear.gather [hbm4b:s28+s3], $0x2800, $0x38;
	[tilespmem:$0x16880] =	vst v63  }
0x93: {  	_ =	swait.ge [sflag:s24], $0x2800  }
0x94: {  	[sflag:s24] =	ssyncset.done $0x0  }
0x95: {  	[sflag:s24] =	ssyncadd.s32 $0xFFFFD800  }
0x96: {  	[spmem:s2] =	stream.indirect.scatter.add.f32 [tilespmem:s23], [sflag:$0x1], $0x80, s3, s25, $0xb8;
	[tilespmem:$0x16880] =	vst v63  }
0x97: {  	_ =	swait.ge [sflag:s24], $0x2800  }
0x98: {  	[sflag:s24] =	ssyncset.done $0x0  }
0x99: {  	[sflag:s24] =	ssyncadd.s32 $0xFFFFD800  }
0x9a: {  	[bflag:$0x0] =	sbarrier.arrive $0xFFFF  }
0x9b: {  	[tilespmem:s23], [sflag:$0x1] =	stream.linear.gather [spmem:s4], $0x2800, $0x38;
	[tilespmem:$0x16880] =	vst v63  }
0x9c: {  	_ =	swait.ge [sflag:s24], $0x2800  }
0x9d: {  	[sflag:s24] =	ssyncset.done $0x0  }
0x9e: {  	[sflag:s24] =	ssyncadd.s32 $0xFFFFD800  }
0x9f: {  	[hbm4b:s10+s3] =	stream.linear.scatter [tilespmem:s23], [sflag:$0x1], $0x2800, $0x38;
	[tilespmem:$0x16880] =	vst v63  }
0xa0: {  	_ =	swait.ge [sflag:s24], $0x2800  }
0xa1: {  	[sflag:s24] =	ssyncset.done $0x0  }
0xa2: {  	[sflag:s24] =	ssyncadd.s32 $0xFFFFD800  }
0xa3: {  	[tilespmem:s23], [sflag:$0x1] =	stream.linear.gather [spmem:s5], $0x2800, $0x38;
	[tilespmem:$0x16880] =	vst v63  }
0xa4: {  	_ =	swait.ge [sflag:s24], $0x2800  }
0xa5: {  	[sflag:s24] =	ssyncset.done $0x0  }
0xa6: {  	[sflag:s24] =	ssyncadd.s32 $0xFFFFD800  }
0xa7: {  	[hbm4b:s13+s3] =	stream.linear.scatter [tilespmem:s23], [sflag:$0x1], $0x2800, $0x38;
	[tilespmem:$0x16880] =	vst v63  }
0xa8: {  	_ =	swait.ge [sflag:s24], $0x2800  }
0xa9: {  	[sflag:s24] =	ssyncset.done $0x0  }
0xaa: {  	[sflag:s24] =	ssyncadd.s32 $0xFFFFD800  }
0xab: {  	[tilespmem:s23], [sflag:$0x1] =	stream.linear.gather [spmem:s6], $0x2800, $0x38;
	[tilespmem:$0x16880] =	vst v63  }
0xac: {  	_ =	swait.ge [sflag:s24], $0x2800  }
0xad: {  	[sflag:s24] =	ssyncset.done $0x0  }
0xae: {  	[sflag:s24] =	ssyncadd.s32 $0xFFFFD800  }
0xaf: {  	[hbm4b:s14+s3] =	stream.linear.scatter [tilespmem:s23], [sflag:$0x1], $0x2800, $0x38;
	[tilespmem:$0x16880] =	vst v63  }
0xb0: {  	_ =	swait.ge [sflag:s24], $0x2800  }
0xb1: {  	[sflag:s24] =	ssyncset.done $0x0  }
0xb2: {  	[sflag:s24] =	ssyncadd.s32 $0xFFFFD800  }
0xb3: {  	[tilespmem:s23], [sflag:$0x1] =	stream.linear.gather [spmem:s7], $0x2800, $0x38;
	[tilespmem:$0x16880] =	vst v63  }
0xb4: {  	_ =	swait.ge [sflag:s24], $0x2800  }
0xb5: {  	[sflag:s24] =	ssyncset.done $0x0  }
0xb6: {  	[sflag:s24] =	ssyncadd.s32 $0xFFFFD800  }
0xb7: {  	[hbm4b:s15+s3] =	stream.linear.scatter [tilespmem:s23], [sflag:$0x1], $0x2800, $0x38;
	[tilespmem:$0x16880] =	vst v63  }
0xb8: {  	_ =	swait.ge [sflag:s24], $0x2800  }
0xb9: {  	[sflag:s24] =	ssyncset.done $0x0  }
0xba: {  	[sflag:s24] =	ssyncadd.s32 $0xFFFFD800  }
0xbb: {  	[tilespmem:s23], [sflag:$0x1] =	stream.linear.gather [spmem:s8], $0x2800, $0x38;
	[tilespmem:$0x16880] =	vst v63  }
0xbc: {  	_ =	swait.ge [sflag:s24], $0x2800  }
0xbd: {  	[sflag:s24] =	ssyncset.done $0x0  }
0xbe: {  	[sflag:s24] =	ssyncadd.s32 $0xFFFFD800  }
0xbf: {  	[hbm4b:s16+s3] =	stream.linear.scatter [tilespmem:s23], [sflag:$0x1], $0x2800, $0x38;
	[tilespmem:$0x16880] =	vst v63  }
0xc0: {  	_ =	swait.ge [sflag:s24], $0x2800  }
0xc1: {  	[sflag:s24] =	ssyncset.done $0x0  }
0xc2: {  	[sflag:s24] =	ssyncadd.s32 $0xFFFFD800  }
0xc3: {  	[tilespmem:s23], [sflag:$0x1] =	stream.linear.gather [spmem:s9], $0x2800, $0x38;
	[tilespmem:$0x16880] =	vst v63  }
0xc4: {  	_ =	swait.ge [sflag:s24], $0x2800  }
0xc5: {  	[sflag:s24] =	ssyncset.done $0x0  }
0xc6: {  	[sflag:s24] =	ssyncadd.s32 $0xFFFFD800  }
0xc7: {  	[hbm4b:s17+s3] =	stream.linear.scatter [tilespmem:s23], [sflag:$0x1], $0x2800, $0x38;
	[tilespmem:$0x16880] =	vst v63  }
0xc8: {  	_ =	swait.ge [sflag:s24], $0x2800  }
0xc9: {  	[sflag:s24] =	ssyncset.done $0x0  }
0xca: {  	[sflag:s24] =	ssyncadd.s32 $0xFFFFD800  }
0xcb: {  	[tilespmem:s23], [sflag:$0x1] =	stream.linear.gather [spmem:s11], $0x2800, $0x38;
	[tilespmem:$0x16880] =	vst v63  }
0xcc: {  	_ =	swait.ge [sflag:s24], $0x2800  }
0xcd: {  	[sflag:s24] =	ssyncset.done $0x0  }
0xce: {  	[sflag:s24] =	ssyncadd.s32 $0xFFFFD800  }
0xcf: {  	[hbm4b:s18+s3] =	stream.linear.scatter [tilespmem:s23], [sflag:$0x1], $0x2800, $0x38;
	[tilespmem:$0x16880] =	vst v63  }
0xd0: {  	_ =	swait.ge [sflag:s24], $0x2800  }
0xd1: {  	[sflag:s24] =	ssyncset.done $0x0  }
0xd2: {  	[sflag:s24] =	ssyncadd.s32 $0xFFFFD800  }
0xd3: {  	[tilespmem:s23], [sflag:$0x1] =	stream.linear.gather [spmem:s12], $0x2800, $0x38;
	[tilespmem:$0x16880] =	vst v63  }
0xd4: {  	s26 =	sadd.s32 $0x1, s26;
	_ =	swait.ge [sflag:s24], $0x2800  }
0xd5: {  	p0 =	sne.s32 s26, s20;
	[sflag:s24] =	ssyncset.done $0x0  }
.Ltmp2:
0xd6: {  	[sflag:s24] =	ssyncadd.s32 $0xFFFFD800;
	(pc) =	sbr.rel @p0 .LBB2_1-.Ltmp2, $4  }
0xd7: {  	[hbm4b:s19+s3] =	stream.linear.scatter [tilespmem:s23], [sflag:$0x1], $0x2800, $0x38;
	[tilespmem:$0x16880] =	vst v63  }
0xd8: {  	_ =	swait.ge [sflag:s24], $0x2800  }
0xd9: {  	[sflag:s24] =	ssyncset.done $0x0  }
0xda: {  	[sflag:s24] =	ssyncadd.s32 $0xFFFFD800  }
0xdb: {  	_ =	sfence.sel $0x180000  }
0xdc: {  	[bflag:$0x0] =	sbarrier.arrive $0xFFFF  }
0xdd: {  	_ =	strace $0x9000004D  }
0xde: {  	[bflag:$0x2] =	sbarrier.arrive $0xFFFF  }
0xdf: {  	p0 =	sne.s32 s0, $0x0;
	s0 =	rddreg [dreg:$0x3]  }
0xe0: {  	s0 =	sadd.s32 @!p0 $0x100000, s0  }
0xe1: {  	[sflag:s0] =	ssyncadd.tile.s32 @!p0 $0x1;
	_ =	shalt  }
.Lfunc_end2:
_tile_overlayer_lowered:
.L_overlay_start_2:
0xe2: {  	(tag) =	ssettag $0x2  }
0xe3: {  	s0 =	rddreg [dreg:$0x0];
	s2 =	stileid.u32  }
0xe4: {  	s1 =	rddreg [dreg:$0x1];
	p0 =	sne.s32 s2, $0x0  }
0xe5: {  	s3 =	rddreg [dreg:$0x2];
	[bflag:$0x3] =	sbarrier.arrive $0xFFFF;
	s2 =	simm.s32 @!p0 $0x1C01  }
0xe6: {  	[timem:s3], [sflag:s2] =	dma.local @!p0 [hbm:s0], s1  }
0xe7: {  	s0 =	simm.s32 @!p0 $0x1  }
0xe8: {  	_ =	swait.ge @!p0 [sflag:s0], s1  }
0xe9: {  	s1 =	ssub.s32 @!p0 $0x0, s1;
	[sflag:s0] =	ssyncset.done @!p0 $0x0  }
0xea: {  	[sflag:s0] =	ssyncadd.s32 @!p0 s1  }
0xeb: {  	[bflag:$0x3] =	sbarrier.arrive $0xFFFF  }
0xec: {  	_ =	shalt  }

// kernel: kernel.14.cloned.1.call-start
scs
__scs_entry_jumppad:
0x0: {  	(pc) =	sbr.rel $0x88, $3  }
0x1: {  	(tag) =	ssettag $0x0;
	lr =	simm.s32 $0x1  }
0x2: {  	[smem:$0x3F92] =	sst lr;
	_ =	strace $0xD0000000  }
0x3: {  	_ = 	snop  }
0x4: {  	_ = 	snop  }
0x5: {  	_ = 	snop  }
0x6: {  	_ = 	snop  }
0x7: {  	_ = 	snop  }
__scs_overlays_trampoline_lowered:
0x8: {  	[smem:$0x3FA1] =	sst s0  }
0x9: {  	[smem:$0x3FA2] =	sst s1  }
0xa: {  	[smem:$0x3FA3] =	sst s2  }
0xb: {  	[smem:$0x3FA4] =	sst s3  }
0xc: {  	[smem:$0x3FA5] =	sst s4  }
0xd: {  	[smem:$0x3FA6] =	sst s5  }
0xe: {  	[smem:$0x3FA7] =	sst s6  }
0xf: {  	[smem:$0x3FA8] =	sst s7  }
0x10: {  	[smem:$0x3FA9] =	sst s8  }
0x11: {  	[smem:$0x3FAA] =	sst s9;
	s0 =	simm.s32 @!p0 $0x0  }
0x12: {  	s1 =	sld [smem:$0x3F90];
	s0 =	simm.s32 @p0 $0x1  }
0x13: {  	[smem:$0x3FAB] =	sst s0;
	s0 =	simm.s32 @!p1 $0x0  }
0x14: {  	s2 =	sld [smem:$0x3F8F];
	s0 =	simm.s32 @p1 $0x1  }
0x15: {  	[smem:$0x3FAC] =	sst s0;
	s0 =	simm.s32 @!p2 $0x0  }
0x16: {  	s3 =	sld [smem:$0x3FDB];
	s0 =	simm.s32 @p2 $0x1  }
0x17: {  	s4 =	simm.s32 $0x1BF5;
	[smem:$0x3FAE] =	sst s0  }
0x18: {  	s0 =	sld [smem:$0x3F91];
	_ =	swait.ge [sflag:s4], $0x0  }
0x19: {  	s7 =	sld [smem:$0x3F92]  }
0x1a: {  	s8 =	sadd.s32 $0xFFFFE003, lr  }
0x1b: {  	s9 =	sadd.s32 $0xFFFFFEF7, lr;
	s5 =	simm.s32 $0xFFFFFFFF;
	p2 =	slt.u32 s8, $0xFFFFF086  }
0x1c: {  	p1 =	slt.u32 s9, $0xF7A;
	s5 =	simm.s32 @!p2 $0x0  }
0x1d: {  	s5 =	simm.s32 @p1 $0x1;
	p0 =	seq.s32 s7, s2  }
0x1e: {  	s7 =	smul.u32 @!p0 $0xF7A, s2;
	p2 =	seq.s32 @!p0 s5, $0x0  }
0x1f: {  	s9 =	smul.u32 $0xF7A, s1;
	s8 =	simm.s32 @!p0 $0x1BF5;
	p2 =	por !p2, p0  }
0x20: {  	[sflag:s8] =	ssyncset.s32 @!p0 $0xFFFFF086;
	s6 =	sadd.s32 @!p0 s3, s7;
	s7 =	simm.s32 @!p0 $0x108  }
0x21: {  	s3 =	sadd.s32 s3, s9;
	s6 =	sadd.s32 @!p0 $0x88, s6;
	s7 =	simm.s32 @p2 $0x1082  }
0x22: {  	[simem:s7], [sflag:s8] =	dma.local @!p0 [hbm:s6], $0xF7A  }
0x23: {  	s9 =	sor.u32 $0xD0000000, s2;
	s6 =	simm.s32 $0x108;
	_ =	swait.ge @!p0 [sflag:s8], $0x0  }
0x24: {  	s3 =	sadd.s32 $0x88, s3;
	s6 =	simm.s32 @!p1 $0x1082;
	[sflag:s4] =	ssyncset.s32 $0xFFFFF086  }
0x25: {  	[simem:s6], [sflag:s4] =	dma.local [hbm:s3], $0xF7A  }
0x26: {  	[smem:$0x3F92] =	sst s1;
	(tag) =	ssettag s2;
	_ =	strace s9  }
0x27: {  	s1 =	sld [smem:$0x3FA2]  }
0x28: {  	s2 =	sld [smem:$0x3FA3]  }
0x29: {  	s4 =	sld [smem:$0x3FA5]  }
0x2a: {  	p0 =	seq.s32 s5, $0x0;
	s5 =	sld [smem:$0x3FA6]  }
0x2b: {  	s6 =	sld [smem:$0x3FA7]  }
0x2c: {  	s7 =	sld [smem:$0x3FA8]  }
0x2d: {  	s3 =	simm.s32 $0x108;
	s8 =	sld [smem:$0x3FA9]  }
0x2e: {  	s3 =	simm.s32 @!p0 $0x1082;
	s9 =	sld [smem:$0x3FAA]  }
0x2f: {  	lr =	sadd.s32 s0, s3;
	s0 =	sld [smem:$0x3FA1]  }
0x30: {  	s3 =	sld [smem:$0x3FA4]  }
0x31: {  	[smem:$0x3FAD] =	sst s10  }
0x32: {  	s10 =	sld [smem:$0x3FAB];
	_ =	sdelay $0x3  }
0x33: {  	p0 =	seq.s32 s10, $0x1;
	s10 =	sld [smem:$0x3FAD];
	_ =	sdelay $0x3  }
0x34: {  	[smem:$0x3FAD] =	sst s10  }
0x35: {  	s10 =	sld [smem:$0x3FAC];
	_ =	sdelay $0x3  }
0x36: {  	p1 =	seq.s32 s10, $0x1;
	s10 =	sld [smem:$0x3FAD];
	_ =	sdelay $0x3  }
0x37: {  	[smem:$0x3FAD] =	sst s10  }
0x38: {  	s10 =	sld [smem:$0x3FAE]  }
0x39: {  	_ = 	snop;
	(pc) =	sbr.ind lr, $3  }
0x3a: {  	_ = 	snop  }
0x3b: {  	_ = 	snop  }
0x3c: {  	p2 =	seq.s32 s10, $0x1;
	s10 =	sld [smem:$0x3FAD]  }
0x3d: {  	_ =	shalt  }
0x3e: {  	_ =	shalt  }
0x3f: {  	_ =	shalt  }
0x40: {  	_ =	shalt  }
0x41: {  	_ =	shalt  }
0x42: {  	_ =	shalt  }
0x43: {  	_ =	shalt  }
0x44: {  	_ =	shalt  }
0x45: {  	_ =	shalt  }
0x46: {  	_ =	shalt  }
0x47: {  	_ =	shalt  }
0x48: {  	_ =	shalt  }
0x49: {  	_ =	shalt  }
0x4a: {  	_ =	shalt  }
0x4b: {  	_ =	shalt  }
0x4c: {  	_ =	shalt  }
0x4d: {  	_ =	shalt  }
0x4e: {  	_ =	shalt  }
0x4f: {  	_ =	shalt  }
0x50: {  	_ =	shalt  }
0x51: {  	_ =	shalt  }
0x52: {  	_ =	shalt  }
0x53: {  	_ =	shalt  }
0x54: {  	_ =	shalt  }
0x55: {  	_ =	shalt  }
0x56: {  	_ =	shalt  }
0x57: {  	_ =	shalt  }
0x58: {  	_ =	shalt  }
0x59: {  	_ =	shalt  }
0x5a: {  	_ =	shalt  }
0x5b: {  	_ =	shalt  }
0x5c: {  	_ =	shalt  }
0x5d: {  	_ =	shalt  }
0x5e: {  	_ =	shalt  }
0x5f: {  	_ =	shalt  }
0x60: {  	_ =	shalt  }
0x61: {  	_ =	shalt  }
0x62: {  	_ =	shalt  }
0x63: {  	_ =	shalt  }
0x64: {  	_ =	shalt  }
0x65: {  	_ =	shalt  }
0x66: {  	_ =	shalt  }
0x67: {  	_ =	shalt  }
0x68: {  	_ =	shalt  }
0x69: {  	_ =	shalt  }
0x6a: {  	_ =	shalt  }
0x6b: {  	_ =	shalt  }
0x6c: {  	_ =	shalt  }
0x6d: {  	_ =	shalt  }
0x6e: {  	_ =	shalt  }
0x6f: {  	_ =	shalt  }
0x70: {  	_ =	shalt  }
0x71: {  	_ =	shalt  }
0x72: {  	_ =	shalt  }
0x73: {  	_ =	shalt  }
0x74: {  	_ =	shalt  }
0x75: {  	_ =	shalt  }
0x76: {  	_ =	shalt  }
0x77: {  	_ =	shalt  }
0x78: {  	_ =	shalt  }
0x79: {  	_ =	shalt  }
0x7a: {  	_ =	shalt  }
0x7b: {  	_ =	shalt  }
0x7c: {  	_ =	shalt  }
0x7d: {  	_ =	shalt  }
0x7e: {  	_ =	shalt  }
0x7f: {  	_ =	shalt  }
0x80: {  	_ =	shalt  }
0x81: {  	_ =	shalt  }
0x82: {  	_ =	shalt  }
0x83: {  	_ =	shalt  }
0x84: {  	_ =	shalt  }
0x85: {  	_ =	shalt  }
0x86: {  	_ =	shalt  }
0x87: {  	_ =	shalt  }
.Lfunc_end0:
.L_simem_size_0:
called_computation.2_lowered:
.L_overlay_start_0:
0x88: {  	s2 =	sld [smem:$0x3FD9]  }
0x89: {  	s3 =	sld [smem:$0x3FFE];
	_ =	sdelay $0x1  }
0x8a: {  	s1 =	srdreg.scid  }
0x8b: {  	s0 =	sand.u32 $0x1, s1  }
0x8c: {  	s16 =	sshll.u32 s0, $0xA;
	s2 =	sadd.s32 s3, s2  }
0x8d: {  	s2 =	sadd.s32 s2, s16  }
0x8e: {  	[smem:$0x3FB9] =	sst s2  }
0x8f: {  	_ = 	snop  }
0x90: {  	(tm) =	ssettm $0x1  }
0x91: {  	s17 =	sld [smem:$0x3FFB];
	_ =	sdelay $0x3  }
0x92: {  	_ =	strace s17  }
0x93: {  	s2 =	sld [smem:$0x3FFC];
	_ =	sdelay $0x3  }
0x94: {  	_ =	strace s2  }
0x95: {  	s2 =	sld [smem:$0x3FFD];
	_ =	sdelay $0x3  }
0x96: {  	_ =	strace s2  }
0x97: {  	_ =	strace $0x8FFFFFFF  }
0x98: {  	s18 =	sld [smem:$0x3FDB];
	_ =	sdelay $0x1  }
0x99: {  	s19 =	simm.s32 $_scs_section_size  }
0x9a: {  	s4 =	simm.s32 $_size__tile_overlayer_lowered;
	s5 =	simm.s32 $_tile_overlayer_lowered  }
0x9b: {  	s22 =	simm.s32 $0x1BFF;
	s21 =	sshll.u32 s5, $0x1;
	s2 =	sadd.s32 s19, s18  }
0x9c: {  	s6 =	simm.s32 $0x0;
	s20 =	sshll.u32 s4, $0x1;
	s4 =	sadd.s32 s21, s2  }
0x9d: {  	[timem:s6], [sflag:s22] =	dma.local [hbm:s4], s20  }
0x9e: {  	_ =	swait.ge [sflag:s22], s20  }
0x9f: {  	s3 =	ssub.s32 $0x0, s20;
	[sflag:s22] =	ssyncset.done $0x0  }
0xa0: {  	[sflag:s22] =	ssyncadd.s32 s3;
	_ =	sdelay $0x1  }
0xa1: {  	s23 =	simm.s32 $0x1B8B  }
0xa2: {  	_ =	swait.ge [sflag:s23], $0x1  }
0xa3: {  	[sflag:s23] =	ssyncset.done $0x0  }
0xa4: {  	s25 =	simm.s32 $0x1B8E;
	s24 =	sld [smem:$0x3FFE];
	[sflag:s23] =	ssyncadd.s32 $0xFFFFFFFF  }
0xa5: {  	s26 =	simm.s32 $execute0_lowered;
	[smem:$0x3FD2] =	sst s25  }
0xa6: {  	s4 =	sshll.u32 s26, $0x1;
	_ =	strace $0x80000049;
	[dreg:$0x1] =	wrdreg $0xFFFFFFFF  }
0xa7: {  	s28 =	simm.s32 $_size_execute0_lowered;
	s2 =	sadd.s32 s2, s4;
	[dreg:$0x0] =	wrdreg $0x0  }
0xa8: {  	s4 =	sshll.u32 s28, $0x1;
	[dreg:$0x2] =	wrdreg s2  }
0xa9: {  	[dreg:$0x3] =	wrdreg s4  }
0xaa: {  	[dreg:$0x4] =	wrdreg $0xC0  }
0xab: {  	_ =	task [dreg:s6], $0x5FFFF  }
0xac: {  	[dreg:$0x1] =	wrdreg $0xFFFFFFFF  }
0xad: {  	[dreg:$0x0] =	wrdreg $0x60  }
0xae: {  	[dreg:$0x2] =	wrdreg s24  }
0xaf: {  	[dreg:$0x3] =	wrdreg $0x50800  }
0xb0: {  	[dreg:$0x4] =	wrdreg $0xA  }
0xb1: {  	_ =	task.clear_ibuf [dreg:s6], $0x5FFFF;
	_ =	strace $0x90000049  }
0xb2: {  	s29 =	simm.s32 $0xA;
	_ =	strace $0x8000004B  }
0xb3: {  	_ =	swait.ge [sflag:s29], $0x1  }
0xb4: {  	[sflag:s29] =	ssyncadd.s32 $0xFFFFFFFF  }
0xb5: {  	_ =	strace $0x9000004B  }
0xb6: {  	_ =	sfence  }
0xb7: {  	s30 =	sld [smem:$0x0];
	_ =	sdelay $0x2  }
0xb8: {  	s31 =	sshll.u32 s1, $0xD;
	s1 =	sshrl.u32 s1, $0x2  }
0xb9: {  	s3 =	sand.u32 $0x4000, s31;
	s1 =	sadd.s32 s1, s30  }
0xba: {  	s0 =	sor.u32 s3, s0;
	s1 =	sshll.u32 s1, $0x11  }
0xbb: {  	s0 =	sor.u32 s1, s0  }
0xbc: {  	s0 =	sadd.s32 $0x8F2B, s0  }
0xbd: {  	[sflag:s0] =	ssyncadd.remote.s32 $0x1  }
0xbe: {  	_ =	sfence.sel $0xFFFF  }
0xbf: {  	[dreg:$0x0] =	wrdreg $0xFFFFFFFF;
	(pc) =	sbr.abs _section_cstart, $3  }
0xc0: {  	[dreg:$0x1] =	wrdreg $0xFFFFFFFF  }
0xc1: {  	_ =	task.clear_ibuf [dreg:s6], $0x2FFFF;
	_ =	strace $0x9FFFFFFF  }
0xc2: {  	(tm) =	ssettm $0x7FFFFFFF  }
0xc3: {  	_ =	shalt  }
tec
execute0_lowered:
.L_overlay_start_1:
0x0: {  	(tag) =	ssettag $0x1  }
0x1: {  	s0 =	rddreg [dreg:$0x0]  }
0x2: {  	s1 =	srdreg.scid;
	s8 =	stileid.u32  }
0x3: {  	s2 =	rddreg [dreg:$0x1];
	s3 =	simm.s32 $0x0;
	s24 =	simm.s32 $0x80  }
0x4: {  	s25 =	simm.s32 $0x1;
	s26 =	simm.s32 $0x2880;
	s28 =	simm.s32 $0x50  }
0x5: {  	s29 =	simm.s32 $0x0;
	s1 =	sand.u32 $0x1, s1;
	s5 =	smul.u32 $0x280, s8  }
0x6: {  	[smem:$0x7FF] =	sst s3;
	s4 =	sadd.s32 $0x18A9C00, s0;
	s7 =	smul.u32 $0x50000, s8  }
0x7: {  	s8 =	sshll.u32 s8, $0x1;
	s6 =	smul.u32 $0x2800, s1;
	s31 =	ssub.s32 $0x2, s1  }
0x8: {  	_ =	strace $0x8000004A;
	s1 =	sor.u32 s1, s8;
	s9 =	sshrl.u32 s31, $0x1  }
0x9: {  	s7 =	sshrl.u32 s7, $0x2;
	s6 =	sadd.s32 s5, s6;
	s5 =	sadd.s32 $0xCA00, s0  }
0xa: {  	s23 =	ssub.s32 s31, s9;
	s7 =	sadd.s32 s7, s2;
	s6 =	sshll.u32 s6, $0x4  }
0xb: {  	s8 =	sadd.s32 $0x2800, s7;
	s9 =	sadd.s32 $0x5000, s7;
	s10 =	sadd.s32 $0x7800, s7  }
0xc: {  	s11 =	sadd.s32 $0xA000, s7;
	s12 =	sadd.s32 $0xC800, s7;
	s13 =	sadd.s32 $0xF000, s7  }
0xd: {  	s14 =	sadd.s32 $0x11800, s7;
	s23 =	smax.u32 s23, $0x1;
	s0 =	sadd.s32 s6, s0  }
0xe: {  	s6 =	smul.u32 $0x2710, s1;
	s15 =	sadd.s32 $0x16800, s0;
	s16 =	sadd.s32 $0x16D00, s0  }
0xf: {  	s17 =	sadd.s32 $0x17200, s0;
	s18 =	sadd.s32 $0x17700, s0;
	s19 =	sadd.s32 $0x17C00, s0  }
0x10: {  	v0 =	vimm.f32 $0.0e+00;
	s20 =	sadd.s32 $0x18100, s0;
	s21 =	sadd.s32 $0x18600, s0;
	s22 =	sadd.s32 $0x18B00, s0  }
.LBB2_1:
0x11: {  	s30 =	simm.s32 $0x180  }
0x12: {  	[tilespmem:s30+$0xFFFFFF00] =	vst v0  }
0x13: {  	[tilespmem:s30+$0xF0] =	vst v0  }
0x14: {  	[tilespmem:s30+$0xE0] =	vst v0  }
0x15: {  	[tilespmem:s30+$0xD0] =	vst v0  }
0x16: {  	[tilespmem:s30+$0xC0] =	vst v0  }
0x17: {  	[tilespmem:s30+$0xB0] =	vst v0  }
0x18: {  	[tilespmem:s30+$0xA0] =	vst v0  }
0x19: {  	[tilespmem:s30+$0x90] =	vst v0  }
0x1a: {  	[tilespmem:s30+$0x80] =	vst v0  }
0x1b: {  	[tilespmem:s30+$0x70] =	vst v0  }
0x1c: {  	[tilespmem:s30+$0x60] =	vst v0  }
0x1d: {  	[tilespmem:s30+$0x50] =	vst v0  }
0x1e: {  	[tilespmem:s30+$0x40] =	vst v0  }
0x1f: {  	[tilespmem:s30+$0x30] =	vst v0  }
0x20: {  	[tilespmem:s30+$0x20] =	vst v0  }
0x21: {  	[tilespmem:s30+$0x10] =	vst v0  }
0x22: {  	[tilespmem:s30+$0x0] =	vst v0  }
0x23: {  	[tilespmem:s30+$0xFFFFFFF0] =	vst v0  }
0x24: {  	[tilespmem:s30+$0xFFFFFFE0] =	vst v0  }
0x25: {  	[tilespmem:s30+$0xFFFFFFD0] =	vst v0  }
0x26: {  	[tilespmem:s30+$0xFFFFFFC0] =	vst v0  }
0x27: {  	[tilespmem:s30+$0xFFFFFFB0] =	vst v0  }
0x28: {  	[tilespmem:s30+$0xFFFFFFA0] =	vst v0  }
0x29: {  	[tilespmem:s30+$0xFFFFFF90] =	vst v0  }
0x2a: {  	[tilespmem:s30+$0xFFFFFF80] =	vst v0  }
0x2b: {  	[tilespmem:s30+$0xFFFFFF70] =	vst v0  }
0x2c: {  	[tilespmem:s30+$0xFFFFFF60] =	vst v0  }
0x2d: {  	[tilespmem:s30+$0xFFFFFF50] =	vst v0  }
0x2e: {  	[tilespmem:s30+$0xFFFFFF40] =	vst v0  }
0x2f: {  	[tilespmem:s30+$0xFFFFFF30] =	vst v0  }
0x30: {  	s31 =	simm.s32 $0x0;
	[tilespmem:s30+$0xFFFFFF20] =	vst v0  }
.LBB2_2:
0x31: {  	s31 =	sadd.s32 $0x4, s31;
	[tilespmem:s30+$0xFFFFFF10] =	vst v0;
	s30 =	sadd.s32 $0x200, s30  }
0x32: {  	[tilespmem:s30+$0xFFFFFF00] =	vst v0;
	p0 =	slt.u32 s31, $0x4C  }
0x33: {  	[tilespmem:s30+$0xF0] =	vst v0  }
0x34: {  	[tilespmem:s30+$0xE0] =	vst v0  }
0x35: {  	[tilespmem:s30+$0xD0] =	vst v0  }
0x36: {  	[tilespmem:s30+$0xC0] =	vst v0  }
0x37: {  	[tilespmem:s30+$0xB0] =	vst v0  }
0x38: {  	[tilespmem:s30+$0xA0] =	vst v0  }
0x39: {  	[tilespmem:s30+$0x90] =	vst v0  }
0x3a: {  	[tilespmem:s30+$0x80] =	vst v0  }
0x3b: {  	[tilespmem:s30+$0x70] =	vst v0  }
0x3c: {  	[tilespmem:s30+$0x60] =	vst v0  }
0x3d: {  	[tilespmem:s30+$0x50] =	vst v0  }
0x3e: {  	[tilespmem:s30+$0x40] =	vst v0  }
0x3f: {  	[tilespmem:s30+$0x30] =	vst v0  }
0x40: {  	[tilespmem:s30+$0x20] =	vst v0  }
0x41: {  	[tilespmem:s30+$0x10] =	vst v0  }
0x42: {  	[tilespmem:s30+$0x0] =	vst v0  }
0x43: {  	[tilespmem:s30+$0xFFFFFFF0] =	vst v0  }
0x44: {  	[tilespmem:s30+$0xFFFFFFE0] =	vst v0  }
0x45: {  	[tilespmem:s30+$0xFFFFFFD0] =	vst v0  }
0x46: {  	[tilespmem:s30+$0xFFFFFFC0] =	vst v0  }
0x47: {  	[tilespmem:s30+$0xFFFFFFB0] =	vst v0  }
0x48: {  	[tilespmem:s30+$0xFFFFFFA0] =	vst v0  }
0x49: {  	[tilespmem:s30+$0xFFFFFF90] =	vst v0  }
0x4a: {  	[tilespmem:s30+$0xFFFFFF80] =	vst v0  }
0x4b: {  	[tilespmem:s30+$0xFFFFFF70] =	vst v0  }
.Ltmp0:
0x4c: {  	[tilespmem:s30+$0xFFFFFF60] =	vst v0;
	(pc) =	sbr.rel @p0 .LBB2_2-.Ltmp0, $4  }
0x4d: {  	[tilespmem:s30+$0xFFFFFF50] =	vst v0  }
0x4e: {  	[tilespmem:s30+$0xFFFFFF40] =	vst v0  }
0x4f: {  	[tilespmem:s30+$0xFFFFFF30] =	vst v0  }
0x50: {  	[tilespmem:s30+$0xFFFFFF20] =	vst v0  }
0x51: {  	[tilespmem:s30+$0xFFFFFF10] =	vst v0  }
0x52: {  	[spmem:s7] =	stream.linear.scatter [tilespmem:s24], [sflag:$0x1], $0x2800, $0x38;
	[tilespmem:$0x19080] =	vst v63  }
0x53: {  	_ =	swait.ge [sflag:s25], $0x2800  }
0x54: {  	[sflag:s25] =	ssyncset.done $0x0  }
0x55: {  	[sflag:s25] =	ssyncadd.s32 $0xFFFFD800  }
0x56: {  	[spmem:s8] =	stream.linear.scatter [tilespmem:s24], [sflag:$0x1], $0x2800, $0x38;
	[tilespmem:$0x19080] =	vst v63  }
0x57: {  	_ =	swait.ge [sflag:s25], $0x2800  }
0x58: {  	[sflag:s25] =	ssyncset.done $0x0  }
0x59: {  	[sflag:s25] =	ssyncadd.s32 $0xFFFFD800  }
0x5a: {  	[spmem:s9] =	stream.linear.scatter [tilespmem:s24], [sflag:$0x1], $0x2800, $0x38;
	[tilespmem:$0x19080] =	vst v63  }
0x5b: {  	_ =	swait.ge [sflag:s25], $0x2800  }
0x5c: {  	[sflag:s25] =	ssyncset.done $0x0  }
0x5d: {  	[sflag:s25] =	ssyncadd.s32 $0xFFFFD800  }
0x5e: {  	[spmem:s10] =	stream.linear.scatter [tilespmem:s24], [sflag:$0x1], $0x2800, $0x38;
	[tilespmem:$0x19080] =	vst v63  }
0x5f: {  	_ =	swait.ge [sflag:s25], $0x2800  }
0x60: {  	[sflag:s25] =	ssyncset.done $0x0  }
0x61: {  	[sflag:s25] =	ssyncadd.s32 $0xFFFFD800  }
0x62: {  	[spmem:s11] =	stream.linear.scatter [tilespmem:s24], [sflag:$0x1], $0x2800, $0x38;
	[tilespmem:$0x19080] =	vst v63  }
0x63: {  	_ =	swait.ge [sflag:s25], $0x2800  }
0x64: {  	[sflag:s25] =	ssyncset.done $0x0  }
0x65: {  	[sflag:s25] =	ssyncadd.s32 $0xFFFFD800  }
0x66: {  	[spmem:s12] =	stream.linear.scatter [tilespmem:s24], [sflag:$0x1], $0x2800, $0x38;
	[tilespmem:$0x19080] =	vst v63  }
0x67: {  	_ =	swait.ge [sflag:s25], $0x2800  }
0x68: {  	[sflag:s25] =	ssyncset.done $0x0  }
0x69: {  	[sflag:s25] =	ssyncadd.s32 $0xFFFFD800  }
0x6a: {  	[spmem:s13] =	stream.linear.scatter [tilespmem:s24], [sflag:$0x1], $0x2800, $0x38;
	[tilespmem:$0x19080] =	vst v63  }
0x6b: {  	_ =	swait.ge [sflag:s25], $0x2800  }
0x6c: {  	[sflag:s25] =	ssyncset.done $0x0  }
0x6d: {  	[sflag:s25] =	ssyncadd.s32 $0xFFFFD800  }
0x6e: {  	[spmem:s14] =	stream.linear.scatter [tilespmem:s24], [sflag:$0x1], $0x2800, $0x38;
	[tilespmem:$0x19080] =	vst v63  }
0x6f: {  	_ =	swait.ge [sflag:s25], $0x2800  }
0x70: {  	[sflag:s25] =	ssyncset.done $0x0  }
0x71: {  	[sflag:s25] =	ssyncadd.s32 $0xFFFFD800  }
0x72: {  	s30 =	simm.s32 $0x0;
	[bflag:$0x0] =	sbarrier.arrive $0xFFFF  }
.LBB2_4:
0x73: {  	s0 =	smul.u32 $0x50, s30;
	_ =	sdelay $0x1  }
0x74: {  	s0 =	sadd.s32 s6, s0  }
0x75: {  	s1 =	sshrl.u32 s0, $0x3  }
0x76: {  	s1 =	sadd.s32 s5, s1  }
0x77: {  	[tilespmem:s3], [sflag:$0x1] =	stream.linear.gather [hbm4b:s1+s3], $0x50, $0x38;
	[tilespmem:$0x19080] =	vst v63  }
0x78: {  	_ =	swait.ge [sflag:s25], $0x50  }
0x79: {  	s0 =	sshll.u32 s0, $0x4;
	[sflag:s25] =	ssyncset.done $0x0  }
0x7a: {  	s0 =	sadd.s32 s4, s0;
	[sflag:s25] =	ssyncadd.s32 $0xFFFFFFB0  }
0x7b: {  	[tilespmem:s26], [sflag:$0x1] =	stream.linear.gather [hbm4b:s0+s3], $0x2800, $0x38;
	[tilespmem:$0x19080] =	vst v63  }
0x7c: {  	_ =	swait.ge [sflag:s25], $0x2800  }
0x7d: {  	[sflag:s25] =	ssyncset.done $0x0  }
0x7e: {  	s1 =	simm.s32 $0x2980;
	[sflag:s25] =	ssyncadd.s32 $0xFFFFD800  }
0x7f: {  	v1 =	vld [tilespmem:s1+$0xFFFFFF00];
	_ =	sdelay $0x3  }
0x80: {  	s31 =	simm.s32 $0x180  }
0x81: {  	[tilespmem:s31+$0xFFFFFF00] =	vst v1  }
0x82: {  	v1 =	vld [tilespmem:s1+$0xFFFFFF80];
	_ =	sdelay $0x4  }
0x83: {  	[tilespmem:s31+$0xFFFFFF80] =	vst v1  }
0x84: {  	v1 =	vld [tilespmem:s1+$0x0];
	_ =	sdelay $0x4  }
0x85: {  	[tilespmem:s31+$0x0] =	vst v1  }
0x86: {  	v1 =	vld [tilespmem:s1+$0x80];
	_ =	sdelay $0x4  }
0x87: {  	s0 =	simm.s32 $0x2B80;
	s1 =	simm.s32 $0x0;
	[tilespmem:s31+$0x80] =	vst v1  }
.LBB2_5:
0x88: {  	v1 =	vld [tilespmem:s0+$0xFFFFFF00];
	s1 =	sadd.s32 $0x4, s1  }
0x89: {  	p0 =	slt.u32 s1, $0x4C;
	_ =	sdelay $0x2  }
0x8a: {  	s31 =	sadd.s32 $0x200, s31  }
0x8b: {  	[tilespmem:s31+$0xFFFFFF00] =	vst v1  }
0x8c: {  	v1 =	vld [tilespmem:s0+$0xFFFFFF80];
	_ =	sdelay $0x4  }
0x8d: {  	[tilespmem:s31+$0xFFFFFF80] =	vst v1  }
0x8e: {  	v1 =	vld [tilespmem:s0+$0x0];
	_ =	sdelay $0x4  }
0x8f: {  	[tilespmem:s31+$0x0] =	vst v1  }
0x90: {  	v1 =	vld [tilespmem:s0+$0x80]  }
.Ltmp1:
0x91: {  	(pc) =	sbr.rel @p0 .LBB2_5-.Ltmp1, $2  }
0x92: {  	_ =	sdelay $0x2  }
0x93: {  	s0 =	sadd.s32 $0x200, s0;
	[tilespmem:s31+$0x80] =	vst v1  }
0x94: {  	s30 =	sadd.s32 $0x1, s30  }
0x95: {  	p0 =	sne.s32 s30, $0x7D  }
.Ltmp2:
0x96: {  	_ = 	snop;
	(pc) =	sbr.rel @p0 .LBB2_4-.Ltmp2, $4  }
0x97: {  	[spmem:s2] =	stream.indirect.scatter.add.f32 [tilespmem:s24], [sflag:$0x1], $0x80, s3, s28, $0xb8;
	[tilespmem:$0x19080] =	vst v63  }
0x98: {  	_ =	swait.ge [sflag:s25], $0x2800  }
0x99: {  	[sflag:s25] =	ssyncset.done $0x0  }
0x9a: {  	[sflag:s25] =	ssyncadd.s32 $0xFFFFD800  }
0x9b: {  	[bflag:$0x0] =	sbarrier.arrive $0xFFFF  }
0x9c: {  	[tilespmem:s24], [sflag:$0x1] =	stream.linear.gather [spmem:s7], $0x2800, $0x38;
	[tilespmem:$0x19080] =	vst v63  }
0x9d: {  	_ =	swait.ge [sflag:s25], $0x2800  }
0x9e: {  	[sflag:s25] =	ssyncset.done $0x0  }
0x9f: {  	[sflag:s25] =	ssyncadd.s32 $0xFFFFD800  }
0xa0: {  	[hbm4b:s15+s3] =	stream.linear.scatter [tilespmem:s24], [sflag:$0x1], $0x2800, $0x38;
	[tilespmem:$0x19080] =	vst v63  }
0xa1: {  	_ =	swait.ge [sflag:s25], $0x2800  }
0xa2: {  	[sflag:s25] =	ssyncset.done $0x0  }
0xa3: {  	[sflag:s25] =	ssyncadd.s32 $0xFFFFD800  }
0xa4: {  	[tilespmem:s24], [sflag:$0x1] =	stream.linear.gather [spmem:s8], $0x2800, $0x38;
	[tilespmem:$0x19080] =	vst v63  }
0xa5: {  	_ =	swait.ge [sflag:s25], $0x2800  }
0xa6: {  	[sflag:s25] =	ssyncset.done $0x0  }
0xa7: {  	[sflag:s25] =	ssyncadd.s32 $0xFFFFD800  }
0xa8: {  	[hbm4b:s16+s3] =	stream.linear.scatter [tilespmem:s24], [sflag:$0x1], $0x2800, $0x38;
	[tilespmem:$0x19080] =	vst v63  }
0xa9: {  	_ =	swait.ge [sflag:s25], $0x2800  }
0xaa: {  	[sflag:s25] =	ssyncset.done $0x0  }
0xab: {  	[sflag:s25] =	ssyncadd.s32 $0xFFFFD800  }
0xac: {  	[tilespmem:s24], [sflag:$0x1] =	stream.linear.gather [spmem:s9], $0x2800, $0x38;
	[tilespmem:$0x19080] =	vst v63  }
0xad: {  	_ =	swait.ge [sflag:s25], $0x2800  }
0xae: {  	[sflag:s25] =	ssyncset.done $0x0  }
0xaf: {  	[sflag:s25] =	ssyncadd.s32 $0xFFFFD800  }
0xb0: {  	[hbm4b:s17+s3] =	stream.linear.scatter [tilespmem:s24], [sflag:$0x1], $0x2800, $0x38;
	[tilespmem:$0x19080] =	vst v63  }
0xb1: {  	_ =	swait.ge [sflag:s25], $0x2800  }
0xb2: {  	[sflag:s25] =	ssyncset.done $0x0  }
0xb3: {  	[sflag:s25] =	ssyncadd.s32 $0xFFFFD800  }
0xb4: {  	[tilespmem:s24], [sflag:$0x1] =	stream.linear.gather [spmem:s10], $0x2800, $0x38;
	[tilespmem:$0x19080] =	vst v63  }
0xb5: {  	_ =	swait.ge [sflag:s25], $0x2800  }
0xb6: {  	[sflag:s25] =	ssyncset.done $0x0  }
0xb7: {  	[sflag:s25] =	ssyncadd.s32 $0xFFFFD800  }
0xb8: {  	[hbm4b:s18+s3] =	stream.linear.scatter [tilespmem:s24], [sflag:$0x1], $0x2800, $0x38;
	[tilespmem:$0x19080] =	vst v63  }
0xb9: {  	_ =	swait.ge [sflag:s25], $0x2800  }
0xba: {  	[sflag:s25] =	ssyncset.done $0x0  }
0xbb: {  	[sflag:s25] =	ssyncadd.s32 $0xFFFFD800  }
0xbc: {  	[tilespmem:s24], [sflag:$0x1] =	stream.linear.gather [spmem:s11], $0x2800, $0x38;
	[tilespmem:$0x19080] =	vst v63  }
0xbd: {  	_ =	swait.ge [sflag:s25], $0x2800  }
0xbe: {  	[sflag:s25] =	ssyncset.done $0x0  }
0xbf: {  	[sflag:s25] =	ssyncadd.s32 $0xFFFFD800  }
0xc0: {  	[hbm4b:s19+s3] =	stream.linear.scatter [tilespmem:s24], [sflag:$0x1], $0x2800, $0x38;
	[tilespmem:$0x19080] =	vst v63  }
0xc1: {  	_ =	swait.ge [sflag:s25], $0x2800  }
0xc2: {  	[sflag:s25] =	ssyncset.done $0x0  }
0xc3: {  	[sflag:s25] =	ssyncadd.s32 $0xFFFFD800  }
0xc4: {  	[tilespmem:s24], [sflag:$0x1] =	stream.linear.gather [spmem:s12], $0x2800, $0x38;
	[tilespmem:$0x19080] =	vst v63  }
0xc5: {  	_ =	swait.ge [sflag:s25], $0x2800  }
0xc6: {  	[sflag:s25] =	ssyncset.done $0x0  }
0xc7: {  	[sflag:s25] =	ssyncadd.s32 $0xFFFFD800  }
0xc8: {  	[hbm4b:s20+s3] =	stream.linear.scatter [tilespmem:s24], [sflag:$0x1], $0x2800, $0x38;
	[tilespmem:$0x19080] =	vst v63  }
0xc9: {  	_ =	swait.ge [sflag:s25], $0x2800  }
0xca: {  	[sflag:s25] =	ssyncset.done $0x0  }
0xcb: {  	[sflag:s25] =	ssyncadd.s32 $0xFFFFD800  }
0xcc: {  	[tilespmem:s24], [sflag:$0x1] =	stream.linear.gather [spmem:s13], $0x2800, $0x38;
	[tilespmem:$0x19080] =	vst v63  }
0xcd: {  	_ =	swait.ge [sflag:s25], $0x2800  }
0xce: {  	[sflag:s25] =	ssyncset.done $0x0  }
0xcf: {  	[sflag:s25] =	ssyncadd.s32 $0xFFFFD800  }
0xd0: {  	[hbm4b:s21+s3] =	stream.linear.scatter [tilespmem:s24], [sflag:$0x1], $0x2800, $0x38;
	[tilespmem:$0x19080] =	vst v63  }
0xd1: {  	_ =	swait.ge [sflag:s25], $0x2800  }
0xd2: {  	[sflag:s25] =	ssyncset.done $0x0  }
0xd3: {  	[sflag:s25] =	ssyncadd.s32 $0xFFFFD800  }
0xd4: {  	[tilespmem:s24], [sflag:$0x1] =	stream.linear.gather [spmem:s14], $0x2800, $0x38;
	[tilespmem:$0x19080] =	vst v63  }
0xd5: {  	s29 =	sadd.s32 $0x1, s29;
	_ =	swait.ge [sflag:s25], $0x2800  }
0xd6: {  	p0 =	sne.s32 s29, s23;
	[sflag:s25] =	ssyncset.done $0x0  }
.Ltmp3:
0xd7: {  	[sflag:s25] =	ssyncadd.s32 $0xFFFFD800;
	(pc) =	sbr.rel @p0 .LBB2_1-.Ltmp3, $4  }
0xd8: {  	[hbm4b:s22+s3] =	stream.linear.scatter [tilespmem:s24], [sflag:$0x1], $0x2800, $0x38;
	[tilespmem:$0x19080] =	vst v63  }
0xd9: {  	_ =	swait.ge [sflag:s25], $0x2800  }
0xda: {  	[sflag:s25] =	ssyncset.done $0x0  }
0xdb: {  	[sflag:s25] =	ssyncadd.s32 $0xFFFFD800  }
0xdc: {  	_ =	sfence.sel $0x180000  }
0xdd: {  	[bflag:$0x0] =	sbarrier.arrive $0xFFFF  }
0xde: {  	_ =	strace $0x9000004A  }
0xdf: {  	s0 =	stileid.u32;
	[bflag:$0x2] =	sbarrier.arrive $0xFFFF  }
0xe0: {  	p0 =	sne.s32 s0, $0x0;
	s0 =	rddreg [dreg:$0x2]  }
0xe1: {  	s0 =	sadd.s32 @!p0 $0x100000, s0  }
0xe2: {  	[sflag:s0] =	ssyncadd.tile.s32 @!p0 $0x1;
	_ =	shalt  }
.Lfunc_end2:
_tile_overlayer_lowered:
.L_overlay_start_2:
0xe3: {  	(tag) =	ssettag $0x2  }
0xe4: {  	s0 =	rddreg [dreg:$0x0];
	s2 =	stileid.u32  }
0xe5: {  	s1 =	rddreg [dreg:$0x1];
	p0 =	sne.s32 s2, $0x0  }
0xe6: {  	s3 =	rddreg [dreg:$0x2];
	[bflag:$0x3] =	sbarrier.arrive $0xFFFF;
	s2 =	simm.s32 @!p0 $0x1C01  }
0xe7: {  	[timem:s3], [sflag:s2] =	dma.local @!p0 [hbm:s0], s1  }
0xe8: {  	s0 =	simm.s32 @!p0 $0x1  }
0xe9: {  	_ =	swait.ge @!p0 [sflag:s0], s1  }
0xea: {  	s1 =	ssub.s32 @!p0 $0x0, s1;
	[sflag:s0] =	ssyncset.done @!p0 $0x0  }
0xeb: {  	[sflag:s0] =	ssyncadd.s32 @!p0 s1  }
0xec: {  	[bflag:$0x3] =	sbarrier.arrive $0xFFFF  }
0xed: {  	_ =	shalt  }

// kernel: kernel.8.cloned.1.call-start
scs
__scs_entry_jumppad:
0x0: {  	(pc) =	sbr.rel $0x88, $3  }
0x1: {  	(tag) =	ssettag $0x0;
	lr =	simm.s32 $0x1  }
0x2: {  	[smem:$0x3F92] =	sst lr;
	_ =	strace $0xD0000000  }
0x3: {  	_ = 	snop  }
0x4: {  	_ = 	snop  }
0x5: {  	_ = 	snop  }
0x6: {  	_ = 	snop  }
0x7: {  	_ = 	snop  }
__scs_overlays_trampoline_lowered:
0x8: {  	[smem:$0x3FA1] =	sst s0  }
0x9: {  	[smem:$0x3FA2] =	sst s1  }
0xa: {  	[smem:$0x3FA3] =	sst s2  }
0xb: {  	[smem:$0x3FA4] =	sst s3  }
0xc: {  	[smem:$0x3FA5] =	sst s4  }
0xd: {  	[smem:$0x3FA6] =	sst s5  }
0xe: {  	[smem:$0x3FA7] =	sst s6  }
0xf: {  	[smem:$0x3FA8] =	sst s7  }
0x10: {  	[smem:$0x3FA9] =	sst s8  }
0x11: {  	[smem:$0x3FAA] =	sst s9;
	s0 =	simm.s32 @!p0 $0x0  }
0x12: {  	s1 =	sld [smem:$0x3F90];
	s0 =	simm.s32 @p0 $0x1  }
0x13: {  	[smem:$0x3FAB] =	sst s0;
	s0 =	simm.s32 @!p1 $0x0  }
0x14: {  	s2 =	sld [smem:$0x3F8F];
	s0 =	simm.s32 @p1 $0x1  }
0x15: {  	[smem:$0x3FAC] =	sst s0;
	s0 =	simm.s32 @!p2 $0x0  }
0x16: {  	s3 =	sld [smem:$0x3FDB];
	s0 =	simm.s32 @p2 $0x1  }
0x17: {  	s4 =	simm.s32 $0x1BF5;
	[smem:$0x3FAE] =	sst s0  }
0x18: {  	s0 =	sld [smem:$0x3F91];
	_ =	swait.ge [sflag:s4], $0x0  }
0x19: {  	s7 =	sld [smem:$0x3F92]  }
0x1a: {  	s8 =	sadd.s32 $0xFFFFE003, lr  }
0x1b: {  	s9 =	sadd.s32 $0xFFFFFEF7, lr;
	s5 =	simm.s32 $0xFFFFFFFF;
	p2 =	slt.u32 s8, $0xFFFFF086  }
0x1c: {  	p1 =	slt.u32 s9, $0xF7A;
	s5 =	simm.s32 @!p2 $0x0  }
0x1d: {  	s5 =	simm.s32 @p1 $0x1;
	p0 =	seq.s32 s7, s2  }
0x1e: {  	s7 =	smul.u32 @!p0 $0xF7A, s2;
	p2 =	seq.s32 @!p0 s5, $0x0  }
0x1f: {  	s9 =	smul.u32 $0xF7A, s1;
	s8 =	simm.s32 @!p0 $0x1BF5;
	p2 =	por !p2, p0  }
0x20: {  	[sflag:s8] =	ssyncset.s32 @!p0 $0xFFFFF086;
	s6 =	sadd.s32 @!p0 s3, s7;
	s7 =	simm.s32 @!p0 $0x108  }
0x21: {  	s3 =	sadd.s32 s3, s9;
	s6 =	sadd.s32 @!p0 $0x88, s6;
	s7 =	simm.s32 @p2 $0x1082  }
0x22: {  	[simem:s7], [sflag:s8] =	dma.local @!p0 [hbm:s6], $0xF7A  }
0x23: {  	s9 =	sor.u32 $0xD0000000, s2;
	s6 =	simm.s32 $0x108;
	_ =	swait.ge @!p0 [sflag:s8], $0x0  }
0x24: {  	s3 =	sadd.s32 $0x88, s3;
	s6 =	simm.s32 @!p1 $0x1082;
	[sflag:s4] =	ssyncset.s32 $0xFFFFF086  }
0x25: {  	[simem:s6], [sflag:s4] =	dma.local [hbm:s3], $0xF7A  }
0x26: {  	[smem:$0x3F92] =	sst s1;
	(tag) =	ssettag s2;
	_ =	strace s9  }
0x27: {  	s1 =	sld [smem:$0x3FA2]  }
0x28: {  	s2 =	sld [smem:$0x3FA3]  }
0x29: {  	s4 =	sld [smem:$0x3FA5]  }
0x2a: {  	p0 =	seq.s32 s5, $0x0;
	s5 =	sld [smem:$0x3FA6]  }
0x2b: {  	s6 =	sld [smem:$0x3FA7]  }
0x2c: {  	s7 =	sld [smem:$0x3FA8]  }
0x2d: {  	s3 =	simm.s32 $0x108;
	s8 =	sld [smem:$0x3FA9]  }
0x2e: {  	s3 =	simm.s32 @!p0 $0x1082;
	s9 =	sld [smem:$0x3FAA]  }
0x2f: {  	lr =	sadd.s32 s0, s3;
	s0 =	sld [smem:$0x3FA1]  }
0x30: {  	s3 =	sld [smem:$0x3FA4]  }
0x31: {  	[smem:$0x3FAD] =	sst s10  }
0x32: {  	s10 =	sld [smem:$0x3FAB];
	_ =	sdelay $0x3  }
0x33: {  	p0 =	seq.s32 s10, $0x1;
	s10 =	sld [smem:$0x3FAD];
	_ =	sdelay $0x3  }
0x34: {  	[smem:$0x3FAD] =	sst s10  }
0x35: {  	s10 =	sld [smem:$0x3FAC];
	_ =	sdelay $0x3  }
0x36: {  	p1 =	seq.s32 s10, $0x1;
	s10 =	sld [smem:$0x3FAD];
	_ =	sdelay $0x3  }
0x37: {  	[smem:$0x3FAD] =	sst s10  }
0x38: {  	s10 =	sld [smem:$0x3FAE]  }
0x39: {  	_ = 	snop;
	(pc) =	sbr.ind lr, $3  }
0x3a: {  	_ = 	snop  }
0x3b: {  	_ = 	snop  }
0x3c: {  	p2 =	seq.s32 s10, $0x1;
	s10 =	sld [smem:$0x3FAD]  }
0x3d: {  	_ =	shalt  }
0x3e: {  	_ =	shalt  }
0x3f: {  	_ =	shalt  }
0x40: {  	_ =	shalt  }
0x41: {  	_ =	shalt  }
0x42: {  	_ =	shalt  }
0x43: {  	_ =	shalt  }
0x44: {  	_ =	shalt  }
0x45: {  	_ =	shalt  }
0x46: {  	_ =	shalt  }
0x47: {  	_ =	shalt  }
0x48: {  	_ =	shalt  }
0x49: {  	_ =	shalt  }
0x4a: {  	_ =	shalt  }
0x4b: {  	_ =	shalt  }
0x4c: {  	_ =	shalt  }
0x4d: {  	_ =	shalt  }
0x4e: {  	_ =	shalt  }
0x4f: {  	_ =	shalt  }
0x50: {  	_ =	shalt  }
0x51: {  	_ =	shalt  }
0x52: {  	_ =	shalt  }
0x53: {  	_ =	shalt  }
0x54: {  	_ =	shalt  }
0x55: {  	_ =	shalt  }
0x56: {  	_ =	shalt  }
0x57: {  	_ =	shalt  }
0x58: {  	_ =	shalt  }
0x59: {  	_ =	shalt  }
0x5a: {  	_ =	shalt  }
0x5b: {  	_ =	shalt  }
0x5c: {  	_ =	shalt  }
0x5d: {  	_ =	shalt  }
0x5e: {  	_ =	shalt  }
0x5f: {  	_ =	shalt  }
0x60: {  	_ =	shalt  }
0x61: {  	_ =	shalt  }
0x62: {  	_ =	shalt  }
0x63: {  	_ =	shalt  }
0x64: {  	_ =	shalt  }
0x65: {  	_ =	shalt  }
0x66: {  	_ =	shalt  }
0x67: {  	_ =	shalt  }
0x68: {  	_ =	shalt  }
0x69: {  	_ =	shalt  }
0x6a: {  	_ =	shalt  }
0x6b: {  	_ =	shalt  }
0x6c: {  	_ =	shalt  }
0x6d: {  	_ =	shalt  }
0x6e: {  	_ =	shalt  }
0x6f: {  	_ =	shalt  }
0x70: {  	_ =	shalt  }
0x71: {  	_ =	shalt  }
0x72: {  	_ =	shalt  }
0x73: {  	_ =	shalt  }
0x74: {  	_ =	shalt  }
0x75: {  	_ =	shalt  }
0x76: {  	_ =	shalt  }
0x77: {  	_ =	shalt  }
0x78: {  	_ =	shalt  }
0x79: {  	_ =	shalt  }
0x7a: {  	_ =	shalt  }
0x7b: {  	_ =	shalt  }
0x7c: {  	_ =	shalt  }
0x7d: {  	_ =	shalt  }
0x7e: {  	_ =	shalt  }
0x7f: {  	_ =	shalt  }
0x80: {  	_ =	shalt  }
0x81: {  	_ =	shalt  }
0x82: {  	_ =	shalt  }
0x83: {  	_ =	shalt  }
0x84: {  	_ =	shalt  }
0x85: {  	_ =	shalt  }
0x86: {  	_ =	shalt  }
0x87: {  	_ =	shalt  }
.Lfunc_end0:
.L_simem_size_0:
called_computation_lowered:
.L_overlay_start_0:
0x88: {  	s2 =	sld [smem:$0x3FD9]  }
0x89: {  	s3 =	sld [smem:$0x3FFE];
	_ =	sdelay $0x1  }
0x8a: {  	s1 =	srdreg.scid  }
0x8b: {  	s0 =	sand.u32 $0x1, s1  }
0x8c: {  	s14 =	sshll.u32 s0, $0xA;
	s2 =	sadd.s32 s3, s2  }
0x8d: {  	s2 =	sadd.s32 s2, s14  }
0x8e: {  	[smem:$0x3FB9] =	sst s2  }
0x8f: {  	_ = 	snop  }
0x90: {  	s2 =	sld [smem:$0x3FD0];
	_ =	sdelay $0x2  }
0x91: {  	s15 =	simm.s32 $0xB;
	s4 =	simm.s32 $0x10  }
0x92: {  	[smem:s4], [sflag:s15] =	dma.local [hbm:s2], $0x1  }
0x93: {  	_ =	swait.eq [sflag:s15], $0x1  }
0x94: {  	[sflag:s15] =	ssyncset.done $0x0  }
0x95: {  	s16 =	sld [smem:$0x10];
	[sflag:s15] =	ssyncadd.s32 $0xFFFFFFFF  }
0x96: {  	s17 =	sld [smem:$0x12];
	(tm) =	ssettm $0x1  }
0x97: {  	s18 =	sld [smem:$0x3FFB];
	_ =	sdelay $0x3  }
0x98: {  	_ =	strace s18  }
0x99: {  	s4 =	sld [smem:$0x3FFC];
	_ =	sdelay $0x3  }
0x9a: {  	_ =	strace s4  }
0x9b: {  	s4 =	sld [smem:$0x3FFD];
	_ =	sdelay $0x3  }
0x9c: {  	_ =	strace s4  }
0x9d: {  	_ =	strace $0x8FFFFFFF  }
0x9e: {  	s19 =	sld [smem:$0x3FDB];
	_ =	sdelay $0x1  }
0x9f: {  	s5 =	simm.s32 $_scs_section_size  }
0xa0: {  	s6 =	simm.s32 $_size__tile_overlayer_lowered;
	s7 =	simm.s32 $_tile_overlayer_lowered  }
0xa1: {  	s22 =	simm.s32 $0x1BFF;
	s21 =	sshll.u32 s7, $0x1;
	s4 =	sadd.s32 s5, s19  }
0xa2: {  	s8 =	simm.s32 $0x0;
	s20 =	sshll.u32 s6, $0x1;
	s6 =	sadd.s32 s21, s4  }
0xa3: {  	[timem:s8], [sflag:s22] =	dma.local [hbm:s6], s20  }
0xa4: {  	_ =	swait.ge [sflag:s22], s20  }
0xa5: {  	s5 =	ssub.s32 $0x0, s20;
	[sflag:s22] =	ssyncset.done $0x0  }
0xa6: {  	[sflag:s22] =	ssyncadd.s32 s5;
	_ =	sdelay $0x1  }
0xa7: {  	s23 =	simm.s32 $0x1B8B  }
0xa8: {  	_ =	swait.ge [sflag:s23], $0x1  }
0xa9: {  	[sflag:s23] =	ssyncset.done $0x0  }
0xaa: {  	s25 =	simm.s32 $0x1B8E;
	s24 =	sld [smem:$0x3FFE];
	[sflag:s23] =	ssyncadd.s32 $0xFFFFFFFF  }
0xab: {  	s26 =	simm.s32 $execute0_lowered;
	[smem:$0x3FD2] =	sst s25  }
0xac: {  	s6 =	sshll.u32 s26, $0x1;
	_ =	strace $0x80000046;
	[dreg:$0x1] =	wrdreg $0xFFFFFFFF  }
0xad: {  	s28 =	simm.s32 $_size_execute0_lowered;
	s4 =	sadd.s32 s4, s6;
	[dreg:$0x0] =	wrdreg $0x0  }
0xae: {  	s6 =	sshll.u32 s28, $0x1;
	[dreg:$0x2] =	wrdreg s4  }
0xaf: {  	[dreg:$0x3] =	wrdreg s6  }
0xb0: {  	[dreg:$0x4] =	wrdreg $0xC0  }
0xb1: {  	_ =	task [dreg:s8], $0x5FFFF  }
0xb2: {  	[dreg:$0x1] =	wrdreg $0xFFFFFFFF  }
0xb3: {  	[dreg:$0x0] =	wrdreg $0x60  }
0xb4: {  	[dreg:$0x2] =	wrdreg s16  }
0xb5: {  	[dreg:$0x3] =	wrdreg s17  }
0xb6: {  	[dreg:$0x4] =	wrdreg s24  }
0xb7: {  	[dreg:$0x5] =	wrdreg $0x9  }
0xb8: {  	_ =	task.clear_ibuf [dreg:s8], $0x6FFFF;
	_ =	strace $0x90000046  }
0xb9: {  	s29 =	simm.s32 $0x9;
	_ =	strace $0x80000048  }
0xba: {  	_ =	swait.ge [sflag:s29], $0x1  }
0xbb: {  	[sflag:s29] =	ssyncadd.s32 $0xFFFFFFFF  }
0xbc: {  	_ =	strace $0x90000048  }
0xbd: {  	_ =	sfence  }
0xbe: {  	s30 =	sld [smem:$0x0];
	_ =	sdelay $0x2  }
0xbf: {  	s31 =	sshll.u32 s1, $0xD;
	s1 =	sshrl.u32 s1, $0x2  }
0xc0: {  	s3 =	sand.u32 $0x4000, s31;
	s1 =	sadd.s32 s1, s30  }
0xc1: {  	s0 =	sor.u32 s3, s0;
	s1 =	sshll.u32 s1, $0x11  }
0xc2: {  	s0 =	sor.u32 s1, s0  }
0xc3: {  	s0 =	sadd.s32 $0x8F2B, s0  }
0xc4: {  	[sflag:s0] =	ssyncadd.remote.s32 $0x1  }
0xc5: {  	_ =	sfence.sel $0xFFFF  }
0xc6: {  	[dreg:$0x0] =	wrdreg $0xFFFFFFFF;
	(pc) =	sbr.abs _section_cstart, $3  }
0xc7: {  	[dreg:$0x1] =	wrdreg $0xFFFFFFFF  }
0xc8: {  	_ =	task.clear_ibuf [dreg:s8], $0x2FFFF;
	_ =	strace $0x9FFFFFFF  }
0xc9: {  	(tm) =	ssettm $0x7FFFFFFF  }
tec
execute0_lowered:
.L_overlay_start_1:
0x0: {  	(tag) =	ssettag $0x1  }
0x1: {  	s0 =	rddreg [dreg:$0x0]  }
0x2: {  	s22 =	rddreg [dreg:$0x1]  }
0x3: {  	s23 =	rddreg [dreg:$0x2]  }
0x4: {  	s1 =	srdreg.scid;
	s7 =	stileid.u32  }
0x5: {  	s2 =	simm.s32 $0x0;
	s10 =	simm.s32 $0x80;
	s11 =	simm.s32 $0x50  }
0x6: {  	s12 =	simm.s32 $0x100;
	s13 =	simm.s32 $0x2900;
	s14 =	simm.s32 $0x5100  }
0x7: {  	s15 =	simm.s32 $0x5180;
	s16 =	simm.s32 $0x5200;
	s17 =	simm.s32 $0x5280  }
0x8: {  	s18 =	simm.s32 $0x5300;
	s19 =	simm.s32 $0x5380;
	s20 =	simm.s32 $0x3  }
0x9: {  	[dreg:$0x4] =	wrdreg s0;
	s1 =	sand.u32 $0x1, s1;
	s5 =	smul.u32 $0x4E20, s7  }
0xa: {  	s21 =	simm.s32 $0x4;
	[dreg:$0x5] =	wrdreg s22;
	s6 =	smul.u32 $0x2710, s1  }
0xb: {  	[smem:$0x7FF] =	sst s2;
	s3 =	sadd.s32 $0x17400, s23;
	s4 =	sadd.s32 $0x16E00, s23  }
0xc: {  	s7 =	smul.u32 $0x4E200, s7;
	s22 =	simm.s32 $0x5400;
	s5 =	sadd.s32 s6, s5  }
0xd: {  	_ =	strace $0x80000047;
	s8 =	ssub.s32 $0x2, s1;
	s6 =	sshrl.u32 s5, $0x3  }
0xe: {  	s1 =	smul.u32 $0x27100, s1;
	s24 =	sshrl.u32 s8, $0x1;
	s9 =	sadd.s32 s6, s23  }
0xf: {  	s0 =	sadd.s32 s7, s23;
	s6 =	ssub.s32 s8, s24;
	s25 =	sadd.s32 $0x35400, s9  }
0x10: {  	s1 =	sadd.s32 s1, s0;
	s6 =	smax.u32 s6, $0x1;
	[dreg:$0x6] =	wrdreg s25  }
0x11: {  	s5 =	sadd.s32 $0x16800, s23;
	s26 =	sadd.s32 $0x2B600, s9;
	[dreg:$0xc] =	wrdreg s6  }
0x12: {  	s0 =	sadd.s32 $0x3F200, s1;
	s28 =	sadd.s32 $0x21800, s9;
	[dreg:$0x7] =	wrdreg s26  }
0x13: {  	s8 =	sadd.s32 $0x521200, s1;
	s29 =	sadd.s32 $0x17A00, s9;
	[dreg:$0x8] =	wrdreg s28  }
0x14: {  	s23 =	simm.s32 $0x1;
	s30 =	sadd.s32 $0x2C00, s9;
	[dreg:$0x9] =	wrdreg s29  }
0x15: {  	s24 =	simm.s32 $0x2;
	s31 =	sadd.s32 $0xCA00, s9;
	[dreg:$0xa] =	wrdreg s30  }
0x16: {  	s9 =	simm.s32 $0x5;
	[dreg:$0xb] =	wrdreg s31;
	s25 =	simm.s32 $0x0  }
.LBB2_1:
0x17: {  	s1 =	rddreg [dreg:$0xb]  }
0x18: {  	s1 =	sadd.s32 $0x0, s1  }
0x19: {  	[tilespmem:s2], [sflag:$0x5] =	stream.linear.gather [hbm4b:s1+s2], $0x50, $0x38;
	[tilespmem:$0x5480] =	vst v63  }
0x1a: {  	_ =	swait.ge [sflag:s9], $0x50  }
0x1b: {  	s26 =	rddreg [dreg:$0xa];
	[sflag:s9] =	ssyncset.done $0x0  }
0x1c: {  	[sflag:s9] =	ssyncadd.s32 $0xFFFFFFB0;
	s1 =	sadd.s32 $0x0, s26  }
0x1d: {  	[tilespmem:s10], [sflag:$0x5] =	stream.linear.gather [hbm4b:s1+s2], $0x50, $0x38;
	[tilespmem:$0x5480] =	vst v63  }
0x1e: {  	_ =	swait.ge [sflag:s9], $0x50  }
0x1f: {  	[sflag:s9] =	ssyncset.done $0x0  }
0x20: {  	s6 =	rddreg [dreg:$0x4];
	[sflag:s9] =	ssyncadd.s32 $0xFFFFFFB0  }
0x21: {  	[tilespmem:s12], [sflag:$0x1] =	stream.indirect.gather [hbm4b:s6+s11], $0x80, s2, s11, $0xb8;
	[tilespmem:$0x5480] =	vst v63  }
0x22: {  	s7 =	rddreg [dreg:$0x5]  }
0x23: {  	[tilespmem:s13], [sflag:$0x2] =	stream.indirect.gather [hbm4b:s7+s11], $0x80, s10, s11, $0xb8;
	[tilespmem:$0x5480] =	vst v63  }
0x24: {  	_ = 	snop  }
0x25: {  	[tilespmem:s14], [sflag:$0x3] =	stream.indirect.gather [hbm4b:s3+s11], $0x1, s2, s11, $0xb8;
	[tilespmem:$0x5480] =	vst v63  }
0x26: {  	_ = 	snop  }
0x27: {  	[tilespmem:s15], [sflag:$0x3] =	stream.indirect.gather [hbm4b:s4+s11], $0x1, s2, s11, $0xb8;
	[tilespmem:$0x5480] =	vst v63  }
0x28: {  	_ = 	snop  }
0x29: {  	[tilespmem:s16], [sflag:$0x3] =	stream.indirect.gather [hbm4b:s5+s11], $0x1, s2, s11, $0xb8;
	[tilespmem:$0x5480] =	vst v63  }
0x2a: {  	_ = 	snop  }
0x2b: {  	[tilespmem:s17], [sflag:$0x4] =	stream.indirect.gather [hbm4b:s3+s11], $0x1, s10, s11, $0xb8;
	[tilespmem:$0x5480] =	vst v63  }
0x2c: {  	_ = 	snop  }
0x2d: {  	[tilespmem:s18], [sflag:$0x4] =	stream.indirect.gather [hbm4b:s4+s11], $0x1, s10, s11, $0xb8;
	[tilespmem:$0x5480] =	vst v63  }
0x2e: {  	_ = 	snop  }
0x2f: {  	[tilespmem:s19], [sflag:$0x4] =	stream.indirect.gather [hbm4b:s5+s11], $0x1, s10, s11, $0xb8;
	[tilespmem:$0x5480] =	vst v63  }
0x30: {  	_ =	swait.ge [sflag:s20], $0x50  }
0x31: {  	[sflag:s20] =	ssyncset.done $0x0  }
0x32: {  	[sflag:s20] =	ssyncadd.s32 $0xFFFFFFB0  }
0x33: {  	_ =	swait.ge [sflag:s20], $0x50  }
0x34: {  	[sflag:s20] =	ssyncset.done $0x0  }
0x35: {  	[sflag:s20] =	ssyncadd.s32 $0xFFFFFFB0  }
0x36: {  	_ =	swait.ge [sflag:s20], $0x50  }
0x37: {  	[sflag:s20] =	ssyncset.done $0x0  }
0x38: {  	[sflag:s20] =	ssyncadd.s32 $0xFFFFFFB0  }
0x39: {  	_ =	swait.ge [sflag:s21], $0x50  }
0x3a: {  	[sflag:s21] =	ssyncset.done $0x0  }
0x3b: {  	[sflag:s21] =	ssyncadd.s32 $0xFFFFFFB0  }
0x3c: {  	_ =	swait.ge [sflag:s21], $0x50  }
0x3d: {  	[sflag:s21] =	ssyncset.done $0x0  }
0x3e: {  	[sflag:s21] =	ssyncadd.s32 $0xFFFFFFB0  }
0x3f: {  	_ =	swait.ge [sflag:s21], $0x50  }
0x40: {  	[sflag:s21] =	ssyncset.done $0x0  }
0x41: {  	[sflag:s21] =	ssyncadd.s32 $0xFFFFFFB0  }
0x42: {  	v0 =	vld [tilespmem:$0x5200]  }
0x43: {  	v1 =	vld [tilespmem:$0x5380]  }
0x44: {  	v2 =	vld [tilespmem:$0x53C0]  }
0x45: {  	v3 =	vld [tilespmem:$0x5240]  }
0x46: {  	v4 =	vld [tilespmem:$0x53B0]  }
0x47: {  	v5 =	vld [tilespmem:$0x5230]  }
0x48: {  	v6 =	vld [tilespmem:$0x53A0]  }
0x49: {  	v7 =	vld [tilespmem:$0x52B0]  }
0x4a: {  	v8 =	vld [tilespmem:$0x5390]  }
0x4b: {  	v9 =	vld [tilespmem:$0x5330]  }
0x4c: {  	v10 =	vld [tilespmem:$0x51B0]  }
0x4d: {  	v11 =	vld [tilespmem:$0x52C0]  }
0x4e: {  	v12 =	vld [tilespmem:$0x5340]  }
0x4f: {  	v13 =	vld [tilespmem:$0x5300]  }
0x50: {  	v14 =	vld [tilespmem:$0x5100]  }
0x51: {  	v15 =	vld [tilespmem:$0x5130]  }
0x52: {  	v16 =	vld [tilespmem:$0x5220]  }
0x53: {  	v17 =	vld [tilespmem:$0x5290]  }
0x54: {  	v18 =	vld [tilespmem:$0x5320]  }
0x55: {  	v20 =	vld [tilespmem:$0x5210]  }
0x56: {  	v39 =	vld [tilespmem:$0x51C0]  }
0x57: {  	v40 =	vld [tilespmem:$0x5140];
	v2 =	vsub.f32 v3, v2  }
0x58: {  	v41 =	vld [tilespmem:$0x51A0];
	v4 =	vsub.f32 v5, v4  }
0x59: {  	v42 =	vld [tilespmem:$0x5280];
	v9 =	vsub.f32 v10, v9;
	[tilespmem:$0x5240] =	vst v2  }
0x5a: {  	v43 =	vld [tilespmem:$0x5110];
	v7 =	vsub.f32 v15, v7;
	[tilespmem:$0x5230] =	vst v4  }
0x5b: {  	v44 =	vld [tilespmem:$0x5180];
	v6 =	vsub.f32 v16, v6;
	[tilespmem:$0x51B0] =	vst v9  }
0x5c: {  	v19 =	vld [tilespmem:$0x5310];
	v8 =	vsub.f32 v20, v8;
	[tilespmem:$0x5130] =	vst v7  }
0x5d: {  	v45 =	vld [tilespmem:$0x5190];
	v3 =	vsub.f32 v39, v12;
	[tilespmem:$0x5220] =	vst v6  }
0x5e: {  	v46 =	vld [tilespmem:$0x5120];
	v5 =	vsub.f32 v40, v11;
	v47 =	vsub.f32 v14, v42;
	[tilespmem:$0x5210] =	vst v8  }
0x5f: {  	v48 =	vld [tilespmem:$0x52A0];
	v50 =	vsub.f32 v43, v17;
	v51 =	vsub.f32 v41, v18;
	v9 =	vmul.f32 v9, v9;
	[tilespmem:$0x51C0] =	vst v3  }
0x60: {  	v52 =	vsub.f32 v44, v13;
	v7 =	vmul.f32 v7, v7;
	v4 =	vmul.f32 v4, v4;
	[tilespmem:$0x5140] =	vst v5  }
0x61: {  	v0 =	vsub.f32 v0, v1;
	v3 =	vmul.f32 v3, v3;
	v49 =	vmul.f32 v5, v5;
	[tilespmem:$0x5100] =	vst v47  }
0x62: {  	[tilespmem:$0x5110] =	vst v50;
	v53 =	vmul.f32 v2, v2;
	v54 =	vmul.f32 v51, v51  }
0x63: {  	v55 =	vsub.f32 v45, v19;
	v11 =	vmul.f32 v47, v47;
	[tilespmem:$0x5200] =	vst v0;
	v56 =	vmul.f32 v52, v52  }
0x64: {  	v57 =	vmul.f32 v50, v50;
	[tilespmem:$0x51A0] =	vst v51;
	v7 =	vadd.f32 v9, v7;
	v9 =	vsub.f32 v46, v48  }
0x65: {  	v58 =	vmul.f32 v55, v55;
	v0 =	vmul.f32 v0, v0;
	[tilespmem:$0x5190] =	vst v55;
	v3 =	vadd.f32 v3, v49  }
0x66: {  	[tilespmem:$0x5180] =	vst v52;
	v59 =	vadd.f32 v56, v11;
	v4 =	vadd.f32 v4, v7;
	v60 =	vmul.f32 v9, v9  }
0x67: {  	v61 =	vmul.f32 v8, v8;
	v1 =	vadd.f32 v53, v3;
	v3 =	vadd.f32 v58, v57;
	[tilespmem:$0x5120] =	vst v9  }
0x68: {  	v62 =	vmul.f32 v6, v6;
	v0 =	vadd.f32 v0, v59;
	[tilespmem:$0x5430] =	vst v4;
	v2 =	vadd.f32 v54, v60  }
0x69: {  	[tilespmem:$0x5440] =	vst v1;
	v1 =	vadd.f32 v61, v3  }
0x6a: {  	[tilespmem:$0x5400] =	vst v0;
	v63 =	vadd.f32 v62, v2  }
0x6b: {  	s30 =	simm.s32 $0xA;
	s26 =	rddreg [dreg:$0x9];
	[tilespmem:$0x5410] =	vst v1  }
0x6c: {  	s31 =	sadd.s32 $0x500, s8;
	s29 =	simm.s32 $0x0;
	s1 =	sadd.s32 $0x0, s26;
	[tilespmem:$0x5420] =	vst v63  }
0x6d: {  	[hbm4b:s1+s2] =	stream.linear.scatter [tilespmem:s14], [sflag:$0x5], $0x50, $0x38;
	[tilespmem:$0x5480] =	vst v63  }
0x6e: {  	s28 =	smov.u32 s0;
	s7 =	smov.u32 s0;
	_ =	swait.ge [sflag:s9], $0x50  }
0x6f: {  	s26 =	smov.u32 s8;
	s1 =	rddreg [dreg:$0x8];
	[sflag:s9] =	ssyncset.done $0x0  }
.LBB2_2:
0x70: {  	[sflag:s9] =	ssyncadd.s32 $0xFFFFFFB0;
	s1 =	sadd.s32 s29, s1  }
0x71: {  	[hbm4b:s1+s2] =	stream.linear.scatter [tilespmem:s15], [sflag:$0x5], $0x50, $0x38;
	[tilespmem:$0x5480] =	vst v63  }
0x72: {  	_ =	swait.ge [sflag:s9], $0x50  }
0x73: {  	s1 =	rddreg [dreg:$0x7];
	[sflag:s9] =	ssyncset.done $0x0  }
0x74: {  	[sflag:s9] =	ssyncadd.s32 $0xFFFFFFB0;
	s1 =	sadd.s32 s29, s1  }
0x75: {  	[hbm4b:s1+s2] =	stream.linear.scatter [tilespmem:s16], [sflag:$0x5], $0x50, $0x38;
	[tilespmem:$0x5480] =	vst v63  }
0x76: {  	_ =	swait.ge [sflag:s9], $0x50  }
0x77: {  	s1 =	rddreg [dreg:$0x6];
	[sflag:s9] =	ssyncset.done $0x0  }
0x78: {  	[sflag:s9] =	ssyncadd.s32 $0xFFFFFFB0;
	s1 =	sadd.s32 s29, s1  }
0x79: {  	[hbm4b:s1+s2] =	stream.linear.scatter [tilespmem:s22], [sflag:$0x5], $0x50, $0x38;
	[tilespmem:$0x5480] =	vst v63  }
0x7a: {  	_ =	swait.ge [sflag:s9], $0x50  }
0x7b: {  	[sflag:s9] =	ssyncset.done $0x0  }
0x7c: {  	[sflag:s9] =	ssyncadd.s32 $0xFFFFFFB0  }
0x7d: {  	_ =	swait.ge [sflag:s23], $0x2800  }
0x7e: {  	[sflag:s23] =	ssyncset.done $0x0  }
0x7f: {  	[sflag:s23] =	ssyncadd.s32 $0xFFFFD800  }
0x80: {  	_ =	swait.ge [sflag:s24], $0x2800  }
0x81: {  	[sflag:s24] =	ssyncset.done $0x0  }
0x82: {  	[sflag:s24] =	ssyncadd.s32 $0xFFFFD800  }
0x83: {  	[hbm4b:s28+s2] =	stream.linear.scatter [tilespmem:s12], [sflag:$0x5], $0x2800, $0x38;
	[tilespmem:$0x5480] =	vst v63  }
0x84: {  	_ =	swait.ge [sflag:s9], $0x2800  }
0x85: {  	[sflag:s9] =	ssyncset.done $0x0  }
0x86: {  	[sflag:s9] =	ssyncadd.s32 $0xFFFFD800  }
0x87: {  	[hbm4b:s26+s2] =	stream.linear.scatter [tilespmem:s13], [sflag:$0x5], $0x2800, $0x38;
	[tilespmem:$0x5480] =	vst v63  }
0x88: {  	s6 =	smov.u32 s30;
	_ =	swait.ge [sflag:s9], $0x2800  }
0x89: {  	s29 =	smov.u32 s6;
	s6 =	rddreg [dreg:$0xb];
	[sflag:s9] =	ssyncset.done $0x0  }
0x8a: {  	[sflag:s9] =	ssyncadd.s32 $0xFFFFD800;
	s1 =	sadd.s32 s29, s6  }
0x8b: {  	[tilespmem:s2], [sflag:$0x5] =	stream.linear.gather [hbm4b:s1+s2], $0x50, $0x38;
	[tilespmem:$0x5480] =	vst v63  }
0x8c: {  	_ =	swait.ge [sflag:s9], $0x50  }
0x8d: {  	s6 =	rddreg [dreg:$0xa];
	[sflag:s9] =	ssyncset.done $0x0  }
0x8e: {  	[sflag:s9] =	ssyncadd.s32 $0xFFFFFFB0;
	s1 =	sadd.s32 s29, s6  }
0x8f: {  	[tilespmem:s10], [sflag:$0x5] =	stream.linear.gather [hbm4b:s1+s2], $0x50, $0x38;
	[tilespmem:$0x5480] =	vst v63  }
0x90: {  	_ =	swait.ge [sflag:s9], $0x50  }
0x91: {  	[sflag:s9] =	ssyncset.done $0x0  }
0x92: {  	s1 =	rddreg [dreg:$0x4];
	[sflag:s9] =	ssyncadd.s32 $0xFFFFFFB0  }
0x93: {  	[tilespmem:s12], [sflag:$0x1] =	stream.indirect.gather [hbm4b:s1+s11], $0x80, s2, s11, $0xb8;
	[tilespmem:$0x5480] =	vst v63  }
0x94: {  	s6 =	rddreg [dreg:$0x5]  }
0x95: {  	[tilespmem:s13], [sflag:$0x2] =	stream.indirect.gather [hbm4b:s6+s11], $0x80, s10, s11, $0xb8;
	[tilespmem:$0x5480] =	vst v63  }
0x96: {  	_ = 	snop  }
0x97: {  	[tilespmem:s14], [sflag:$0x3] =	stream.indirect.gather [hbm4b:s3+s11], $0x1, s2, s11, $0xb8;
	[tilespmem:$0x5480] =	vst v63  }
0x98: {  	_ = 	snop  }
0x99: {  	[tilespmem:s15], [sflag:$0x3] =	stream.indirect.gather [hbm4b:s4+s11], $0x1, s2, s11, $0xb8;
	[tilespmem:$0x5480] =	vst v63  }
0x9a: {  	_ = 	snop  }
0x9b: {  	[tilespmem:s16], [sflag:$0x3] =	stream.indirect.gather [hbm4b:s5+s11], $0x1, s2, s11, $0xb8;
	[tilespmem:$0x5480] =	vst v63  }
0x9c: {  	_ = 	snop  }
0x9d: {  	[tilespmem:s17], [sflag:$0x4] =	stream.indirect.gather [hbm4b:s3+s11], $0x1, s10, s11, $0xb8;
	[tilespmem:$0x5480] =	vst v63  }
0x9e: {  	_ = 	snop  }
0x9f: {  	[tilespmem:s18], [sflag:$0x4] =	stream.indirect.gather [hbm4b:s4+s11], $0x1, s10, s11, $0xb8;
	[tilespmem:$0x5480] =	vst v63  }
0xa0: {  	_ = 	snop  }
0xa1: {  	[tilespmem:s19], [sflag:$0x4] =	stream.indirect.gather [hbm4b:s5+s11], $0x1, s10, s11, $0xb8;
	[tilespmem:$0x5480] =	vst v63  }
0xa2: {  	_ =	swait.ge [sflag:s20], $0x50  }
0xa3: {  	[sflag:s20] =	ssyncset.done $0x0  }
0xa4: {  	[sflag:s20] =	ssyncadd.s32 $0xFFFFFFB0  }
0xa5: {  	_ =	swait.ge [sflag:s20], $0x50  }
0xa6: {  	[sflag:s20] =	ssyncset.done $0x0  }
0xa7: {  	[sflag:s20] =	ssyncadd.s32 $0xFFFFFFB0  }
0xa8: {  	_ =	swait.ge [sflag:s20], $0x50  }
0xa9: {  	[sflag:s20] =	ssyncset.done $0x0  }
0xaa: {  	[sflag:s20] =	ssyncadd.s32 $0xFFFFFFB0  }
0xab: {  	_ =	swait.ge [sflag:s21], $0x50  }
0xac: {  	[sflag:s21] =	ssyncset.done $0x0  }
0xad: {  	[sflag:s21] =	ssyncadd.s32 $0xFFFFFFB0  }
0xae: {  	_ =	swait.ge [sflag:s21], $0x50  }
0xaf: {  	[sflag:s21] =	ssyncset.done $0x0  }
0xb0: {  	[sflag:s21] =	ssyncadd.s32 $0xFFFFFFB0  }
0xb1: {  	_ =	swait.ge [sflag:s21], $0x50  }
0xb2: {  	[sflag:s21] =	ssyncset.done $0x0  }
0xb3: {  	[sflag:s21] =	ssyncadd.s32 $0xFFFFFFB0  }
0xb4: {  	v0 =	vld [tilespmem:$0x5200]  }
0xb5: {  	v1 =	vld [tilespmem:$0x5380]  }
0xb6: {  	v2 =	vld [tilespmem:$0x53C0]  }
0xb7: {  	v3 =	vld [tilespmem:$0x5240]  }
0xb8: {  	v4 =	vld [tilespmem:$0x53B0]  }
0xb9: {  	v5 =	vld [tilespmem:$0x5230]  }
0xba: {  	v6 =	vld [tilespmem:$0x53A0]  }
0xbb: {  	v7 =	vld [tilespmem:$0x52B0]  }
0xbc: {  	v8 =	vld [tilespmem:$0x5390]  }
0xbd: {  	v44 =	vld [tilespmem:$0x5330]  }
0xbe: {  	v9 =	vld [tilespmem:$0x51B0]  }
0xbf: {  	v45 =	vld [tilespmem:$0x52C0]  }
0xc0: {  	v10 =	vld [tilespmem:$0x5340]  }
0xc1: {  	v11 =	vld [tilespmem:$0x5300]  }
0xc2: {  	v12 =	vld [tilespmem:$0x5100]  }
0xc3: {  	v13 =	vld [tilespmem:$0x5130]  }
0xc4: {  	v46 =	vld [tilespmem:$0x5220]  }
0xc5: {  	v15 =	vld [tilespmem:$0x5320]  }
0xc6: {  	v16 =	vld [tilespmem:$0x5310]  }
0xc7: {  	v17 =	vld [tilespmem:$0x5210]  }
0xc8: {  	v47 =	vld [tilespmem:$0x51A0]  }
0xc9: {  	v48 =	vld [tilespmem:$0x51C0];
	v2 =	vsub.f32 v3, v2  }
0xca: {  	v18 =	vld [tilespmem:$0x5140];
	v4 =	vsub.f32 v5, v4  }
0xcb: {  	v19 =	vld [tilespmem:$0x5280];
	v3 =	vsub.f32 v9, v44;
	[tilespmem:$0x5240] =	vst v2  }
0xcc: {  	v20 =	vld [tilespmem:$0x5180];
	v7 =	vsub.f32 v13, v7;
	[tilespmem:$0x5230] =	vst v4  }
0xcd: {  	v50 =	vld [tilespmem:$0x5190];
	v6 =	vsub.f32 v46, v6;
	[tilespmem:$0x51B0] =	vst v3  }
0xce: {  	v51 =	vld [tilespmem:$0x5120];
	v8 =	vsub.f32 v17, v8;
	[tilespmem:$0x5130] =	vst v7  }
0xcf: {  	v52 =	vld [tilespmem:$0x52A0];
	v9 =	vsub.f32 v48, v10;
	[tilespmem:$0x5220] =	vst v6  }
0xd0: {  	v14 =	vld [tilespmem:$0x5290];
	v5 =	vsub.f32 v18, v45;
	v12 =	vsub.f32 v12, v19;
	[tilespmem:$0x5210] =	vst v8  }
0xd1: {  	v49 =	vld [tilespmem:$0x5110];
	v13 =	vsub.f32 v47, v15;
	v54 =	vsub.f32 v20, v11;
	v3 =	vmul.f32 v3, v3;
	[tilespmem:$0x51C0] =	vst v9  }
0xd2: {  	v0 =	vsub.f32 v0, v1;
	v7 =	vmul.f32 v7, v7;
	v4 =	vmul.f32 v4, v4;
	[tilespmem:$0x5140] =	vst v5  }
0xd3: {  	v56 =	vsub.f32 v50, v16;
	v9 =	vmul.f32 v9, v9;
	v5 =	vmul.f32 v5, v5;
	[tilespmem:$0x5100] =	vst v12  }
0xd4: {  	v58 =	vsub.f32 v51, v52;
	v53 =	vmul.f32 v13, v13;
	v12 =	vmul.f32 v12, v12;
	[tilespmem:$0x5200] =	vst v0  }
0xd5: {  	v55 =	vmul.f32 v2, v2;
	v59 =	vmul.f32 v54, v54;
	[tilespmem:$0x51A0] =	vst v13  }
0xd6: {  	v10 =	vmul.f32 v58, v58;
	[tilespmem:$0x5190] =	vst v56;
	v3 =	vadd.f32 v3, v7;
	v7 =	vsub.f32 v49, v14  }
0xd7: {  	v60 =	vmul.f32 v56, v56;
	v6 =	vmul.f32 v6, v6;
	[tilespmem:$0x5180] =	vst v54;
	v5 =	vadd.f32 v9, v5  }
0xd8: {  	[tilespmem:$0x5120] =	vst v58;
	v62 =	vadd.f32 v53, v10;
	v3 =	vadd.f32 v4, v3;
	v57 =	vmul.f32 v7, v7  }
0xd9: {  	v0 =	vmul.f32 v0, v0;
	[tilespmem:$0x5110] =	vst v7;
	v1 =	vadd.f32 v55, v5;
	v7 =	vadd.f32 v59, v12  }
0xda: {  	v8 =	vmul.f32 v8, v8;
	v63 =	vadd.f32 v6, v62;
	[tilespmem:$0x5430] =	vst v3;
	v61 =	vadd.f32 v60, v57  }
0xdb: {  	[tilespmem:$0x5440] =	vst v1;
	v0 =	vadd.f32 v0, v7  }
0xdc: {  	p0 =	sne.s32 s30, $0x4D8;
	[tilespmem:$0x5420] =	vst v63;
	v1 =	vadd.f32 v8, v61  }
.Ltmp0:
0xdd: {  	s6 =	rddreg [dreg:$0x9];
	[tilespmem:$0x5400] =	vst v0;
	(pc) =	sbr.rel @p0 .LBB2_2-.Ltmp0, $4  }
0xde: {  	s7 =	sadd.s32 $0x500, s7;
	s30 =	sadd.s32 $0xA, s30;
	s1 =	sadd.s32 s29, s6;
	[tilespmem:$0x5410] =	vst v1  }
0xdf: {  	[hbm4b:s1+s2] =	stream.linear.scatter [tilespmem:s14], [sflag:$0x5], $0x50, $0x38;
	[tilespmem:$0x5480] =	vst v63  }
0xe0: {  	s28 =	smov.u32 s7;
	s26 =	smov.u32 s31;
	_ =	swait.ge [sflag:s9], $0x50  }
0xe1: {  	s31 =	sadd.s32 $0x500, s31;
	s1 =	rddreg [dreg:$0x8];
	[sflag:s9] =	ssyncset.done $0x0  }
0xe2: {  	[sflag:s9] =	ssyncadd.s32 $0xFFFFFFB0;
	s1 =	sadd.s32 s29, s1  }
0xe3: {  	[hbm4b:s1+s2] =	stream.linear.scatter [tilespmem:s15], [sflag:$0x5], $0x50, $0x38;
	[tilespmem:$0x5480] =	vst v63  }
0xe4: {  	_ =	swait.ge [sflag:s9], $0x50  }
0xe5: {  	s7 =	rddreg [dreg:$0x7];
	[sflag:s9] =	ssyncset.done $0x0  }
0xe6: {  	[sflag:s9] =	ssyncadd.s32 $0xFFFFFFB0;
	s1 =	sadd.s32 s29, s7  }
0xe7: {  	[hbm4b:s1+s2] =	stream.linear.scatter [tilespmem:s16], [sflag:$0x5], $0x50, $0x38;
	[tilespmem:$0x5480] =	vst v63  }
0xe8: {  	_ =	swait.ge [sflag:s9], $0x50  }
0xe9: {  	s30 =	rddreg [dreg:$0x6];
	[sflag:s9] =	ssyncset.done $0x0  }
0xea: {  	[sflag:s9] =	ssyncadd.s32 $0xFFFFFFB0;
	s1 =	sadd.s32 s29, s30  }
0xeb: {  	[hbm4b:s1+s2] =	stream.linear.scatter [tilespmem:s22], [sflag:$0x5], $0x50, $0x38;
	[tilespmem:$0x5480] =	vst v63  }
0xec: {  	_ =	swait.ge [sflag:s9], $0x50  }
0xed: {  	[sflag:s9] =	ssyncset.done $0x0  }
0xee: {  	[sflag:s9] =	ssyncadd.s32 $0xFFFFFFB0  }
0xef: {  	_ =	swait.ge [sflag:s23], $0x2800  }
0xf0: {  	[sflag:s23] =	ssyncset.done $0x0  }
0xf1: {  	[sflag:s23] =	ssyncadd.s32 $0xFFFFD800  }
0xf2: {  	_ =	swait.ge [sflag:s24], $0x2800  }
0xf3: {  	[sflag:s24] =	ssyncset.done $0x0  }
0xf4: {  	[sflag:s24] =	ssyncadd.s32 $0xFFFFD800  }
0xf5: {  	[hbm4b:s28+s2] =	stream.linear.scatter [tilespmem:s12], [sflag:$0x5], $0x2800, $0x38;
	[tilespmem:$0x5480] =	vst v63  }
0xf6: {  	_ =	swait.ge [sflag:s9], $0x2800  }
0xf7: {  	[sflag:s9] =	ssyncset.done $0x0  }
0xf8: {  	[sflag:s9] =	ssyncadd.s32 $0xFFFFD800  }
0xf9: {  	[hbm4b:s26+s2] =	stream.linear.scatter [tilespmem:s13], [sflag:$0x5], $0x2800, $0x38;
	[tilespmem:$0x5480] =	vst v63  }
0xfa: {  	_ =	swait.ge [sflag:s9], $0x2800  }
0xfb: {  	s25 =	sadd.s32 $0x1, s25;
	s31 =	rddreg [dreg:$0xc]  }
0xfc: {  	p0 =	sne.s32 s25, s31  }
.Ltmp1:
0xfd: {  	_ = 	snop;
	(pc) =	sbr.rel @p0 .LBB2_1-.Ltmp1, $3  }
0xfe: {  	_ =	sdelay $0x1  }
0xff: {  	[sflag:s9] =	ssyncset.done $0x0  }
0x100: {  	[sflag:s9] =	ssyncadd.s32 $0xFFFFD800  }
0x101: {  	_ =	sfence.sel $0x180000  }
0x102: {  	[bflag:$0x0] =	sbarrier.arrive $0xFFFF  }
0x103: {  	_ =	strace $0x90000047  }
0x104: {  	s0 =	stileid.u32;
	[bflag:$0x2] =	sbarrier.arrive $0xFFFF  }
0x105: {  	p0 =	sne.s32 s0, $0x0;
	s0 =	rddreg [dreg:$0x3]  }
0x106: {  	s0 =	sadd.s32 @!p0 $0x100000, s0  }
0x107: {  	[sflag:s0] =	ssyncadd.tile.s32 @!p0 $0x1;
	_ =	shalt  }
.Lfunc_end2:
_tile_overlayer_lowered:
.L_overlay_start_2:
0x108: {  	(tag) =	ssettag $0x2  }
0x109: {  	s0 =	rddreg [dreg:$0x0];
	s2 =	stileid.u32  }
0x10a: {  	s1 =	rddreg [dreg:$0x1];
	p0 =	sne.s32 s2, $0x0  }
0x10b: {  	s3 =	rddreg [dreg:$0x2];
	[bflag:$0x3] =	sbarrier.arrive $0xFFFF;
	s2 =	simm.s32 @!p0 $0x1C05  }
0x10c: {  	[timem:s3], [sflag:s2] =	dma.local @!p0 [hbm:s0], s1  }
0x10d: {  	s0 =	simm.s32 @!p0 $0x5  }
0x10e: {  	_ =	swait.ge @!p0 [sflag:s0], s1  }
0x10f: {  	s1 =	ssub.s32 @!p0 $0x0, s1;
	[sflag:s0] =	ssyncset.done @!p0 $0x0  }
0x110: {  	[sflag:s0] =	ssyncadd.s32 @!p0 s1  }
0x111: {  	[bflag:$0x3] =	sbarrier.arrive $0xFFFF  }
0x112: {  	_ =	shalt  }

</sc_bundles>
